<compile_context>
chip_gen: v7x
topology: tpu7x:2x2x1
jax: 0.10.2.dev20260603
libtpu: 0.0.44.dev20260713+nightly
codegen_flags: <defaults>
</compile_context>

<pallas_src>
import base64
import functools
import zlib

import numpy as np
import jax
import jax.numpy as jnp
from jax import lax
from jax.experimental import pallas as pl
from jax.experimental.pallas import tpu as pltpu
from jax.experimental.pallas import tpu_sc as plsc

PS = 8192
D_IN = 1024
D_EMB = 512
N_CLS = 2
K_SEL = 2048
LEN_KEEP = PS - K_SEL


_PERM_BLOB = (
    "c-jTQ31CR&0|4-M-}m*s_r3SMCrpcx5X0Y<=GrjIIY%s+x$kRoCJ_>4b1mcuVKhgM7RotCq-kc#G56f(wEypyfktCLX%nT3{"
    "Kvs%l0rR&?*3O&CwFKt+I^y2v1O@|IGHF>SEx%dkN;Ci^4I(KxRH2A^*66^P_7g^r?HXYZ|qq0KHGzwgK^@oLUHs=X(|k%zo"
    "eQFD*icKBu+y&Q3>%e(JrWn`sl^hL?Tu`h7SrS*mr`Z+}|wYu7T6toy>Lb3U&>hm!^}h-"
    "xKdC#)*TNYkYb1uf9*o#D<IW+$!9RKz941qwX1fnz;*h;7Y+gK22SO%_S<qy|96{fOuuUY36ek#C!Nd-yt1uuD{XOusAmpOh"
    "7r_YrmfGyYNW(7*F#jiL>!la-d$O+lDud-"
    "<W<R^!vM!c#fGz#L|bX+x%rek!9_%>=gGJoGvkf?;Ix%Dx>LUTz62$T!mi=WtOXVwp?d5*(ut={zxP;Kl1J1Gi#pkqw<ZI4@"
    "a>X;4+)a80vsXj#6;l+lu0Z!(tnS@h#z$aGgHx;P`4{zfZE?nlW;=l4Hl>O~O2^u^rF<EG$CHsfx;9eg__>dLoYc1T{1kIDP"
    "dDex2Ul?ZzKaTF{5YLDmTvBY^OdyI9+X-;s)REZU@P#5=Lya|5g+YEe{MIm9Vm0{xg-"
    ";#_xk`OoylavP$X7|ZsQE`UU?oyj_%`uz;q-YY&c*1}Y~IrhHT6<DAW^P#XIs>5DZ9)z^|LS5>#aCV|HcQ@eNVlM{Gw-"
    "(~xK+5jPj5kkF$HQD-pwrDCs90>7GnbhhlA##f#BPIBtGCsh=uiKqTroeRPJ%tKx}F?;KortrTnv0C)@M86TfBdmtiZEA1cW"
    "q!e8?bgT+}YS9ki47$Z?=KSxG<4EfbMdJG$;4=hhH4!>gdb3ABuG8#$1=Vzic4!tvA<CXKo7q*!^@02oj$krf@pf3k+6XVC_"
    "AI9!HxMHPv+>@VOP*%n{O%emMf#r#6rP6^RVYqWe+{TJIHjict#y~9}X0^Xi#<4p2Lx>@!gQ5CWpX5yt$q!0Ad{lC=KJR{z4"
    "x{I^<LiRoEKD-8$Ae*U84k5b1e8-"
    "TAG*`Wk)e;X%=lNu3iB`gNl`XOn_*=Zq&XQ{occ^?N^8e*BWs;u8*L7^TP5xV|iY<+PahF69b19(RGUHe6d!iHhz-"
    "(pJ0#BGf^#kEyx;+~P3cbV{B>f{_!VgEb`&7McrOIveS6l)}<mXYz)T>~r-^cADr?NFbXD$*JP*;N;_5(CKN-"
    "$5UPaMVinw#Y}5NC0j%2dO|&bm246L?*zOq~w%@tH~^*oJxEt_&90&G?3HITaVxH_u>wjrPVkX|&lw8lbFWQ^-eN0oIG(rA-"
    "N&)4fo0K2`4r@5qm|o6HC`Q5mcysD<1j)*@8oC~t?KJAyKodYj%KBq`6uG@`q;+pO&`rXZN;Yz0frZ9vDCsMX{{lx-xLoAf4"
    "p6EI9K#p;G%=vSg!#y40pv)y_wCHgv1K~V$BoGex47KT34Mf+Wz5It1hCRS=6pk;18GdQr(D|{hrVSivIi+%a#&fu_F_#hJf"
    "4pMD?Ke0!V&572-"
    "urMI`EP57R0M~+N*nVo7H<_D?9rh3CujP2D4K~(HB$jH+n9Alu>8zG%mPj^#nJbe$Y@NL+oMJ7OMo{HkvOUw;$%Tw%cXD>Qn"
    "l@h2$=l8x_YrYY{?>>WM^lfuWIdo0_{r#&JWQG_5_TVDgK~iC47W)a!$fM7_SlTK?$D*q^+04NN55Ky>SLGXGTj$m7BN=dL9"
    "S44;_+N}xX76rou#UghC4y7MQ`UVx(ArXj*jjdN>qU>H!G+c*r|F|u?@K%eIA_Q4Tcwb3q`zYe5f4OOZ}F3U$oC3q@|*<=p^"
    ";InCi7u-%&eiGvr6;8TT!JovmumF*=&HgzV^&@u^)=+Gz9)uM&?D13LS@yhhuP4iR}&s{gS>$b0EB^P>8RSr-"
    ")9HA%<)$$c)=!DR4nu$n$X?Z9O&j+_-$;TOqi!CmJ)G?RM*-ektB-@61}9lhXeu--it?DKB2yQA@Bs#%>cbZN2Jj^SS$&!|#"
    "vW~2)B)ULuZB}H#!rlUb(Hd~AAB3_^d^7WOkCEaWt9k%Ps#r_mDLSIO{;T=+CvZI)0l)G8*2;6`-"
    "mQBKty<jt`a<#)_fsa4N255VzgCZ041)o?AxyDjI^JnZXGle3ZT|$>Y<Qu|sQa&ihii2B9pYUjKG;9?7q7)O?<@)?Y`k{UY)"
    "%RccSu)OMYQMnhOpfF-HTW6!1+@}?&v^hA<7bSMfvpsX=LjQeM~x50Xo-3eSDW~p8EMu-ZNR7Ew5SE#gD~rOaE+Md#CZ}PPc"
    "{)ogLv~KdLR#xLv0fr7NoEdEEAe?U%MBS3ege$1ec=P<Wnp|YN@Ogim)w~#Xc~Ghna*+431W_HH~Z{iRh<vU{_MMzm9yD&Gt"
    "8|yGh9Wr4O{zu#Rjp{?yIo+6hmsm7oVPTxcXUWviGe(L4G&ewe+HOYonON7;*FL#8@Bt*6r)<Qq)DR2C{xXM(2&2b#ib=KH9"
    "S<em2BTFYT4St*7N6{^Hqpp&kSH`RxPqj+0g<JYHZ_(zo;N`vsIIF5an7^knJ21fJE8e%W2AzDWIZZiEqtE;@0;)tro3~jLR"
    "rrgK4B#l?foD=#!vy<B2xoOr!Rq>C4Da<M62N}}M;SEfezcX&5fc-"
    "<dtpCUUi1qTSE57C{ou!`oC|4mr!V~aecy~p$^87&TMikI1Ro0qHR-z|j^@Y32h~U$(2R{YZgxX+}xEXPD^C-"
    "zE3BN_X%@ptfKM<^DEO^={V0QQqt2wIwiE><hLZ4Bt;n$cMY!_vrwTg~)zcxzgwR|%l2eIZeKyU@<ZRFzb_()!*JeH0GudKk"
    "Ez>l(b+JJlCl>9GYDc_wcmTQY|(SNa9<VO4w=65O)15pijjlJ4wK;IJR07l2Kx1GJz<4_|G!Znzs24N+<xn0dILD^gy`jENG"
    "9hKU9tNeVF0|!uhRo?9D?eUKpqs16FKN3}3ZXe9yQ}Kmb71ecj6JIHHqm^NQyfgh++)NCUd2)oD6`3dz*3r9qXR$mwje23Pw"
    "-cyT^|`v-{6waSnS2s<(B5KfR^GsKz;yXzr9QS7>+a-"
    "fo}cb6G(?YuY32&=a!|u6P<w+|`=olF{LGk+&C!N>&D5t(Lp_#h1yrUfHAy-EPm8k=GT#?+gHNgZxF+4BRrQ6i6b?b2aoa!V"
    "?!k_MQJ@if!Cfi8XI&r!qKBCk7D?Ud3gp-"
    "@)@bW&q1x#X>8Lpxsn0@F;Y+?^bk2z(XLGFC*gYpKMk9@6X}7vwk8{p~HDniW6?Y}L7<~t-"
    "MZ<$+V`7*sK=~`XCR<&k__Z4JDnd>kM5yGf@QFDKdlQ!M1apGz<@yk6c9cMTq;8_0L<vX?1?dz!QD`O(AxqVhQd4kAoJujw8"
    "2l-"
    "*K<MW_$A>UqdbQYcJu@7S#i=ixJo9I&xsa=E58KnJbT*nVTER#r8U8NS4~F~a#SS)M5>`iHhdRpo(5@yP43FZL_cxblK7<De"
    "-Q8qAg4My#QX7A+IUUs{S*2Cjnv7u#vMUu~x5AP1A3+lJSjceRF(;~Vbb|6qxW*ngI_X=(s-WE1LymQ-hiBE*e*XxOLjlILg"
    "<XjW)KBmMofBD17k!BLr!$XTVeX)S?0Ph=hf9Tj;54m0*&^8GY}7jI@8b286ZAoI7dyad!7ukG;`!KJeJ)p30bWz(p*_%iN#"
    "wZyBj=GPJdSVW{=%e1e=D3YJG>}NG48st#9C%+bc{|C%gEEgIW9}9sSZ?E(1(OedakvEodsL*jg&lh2RIiVAzAu8XR+mR9re"
    "1b#Er8g@>iOap2MHj^>iR*%O&<{R`PP43}u;gSlvb?=>63*(RQh(@SnIo(1q7t9iftNR(Ko@Qm>o8nPq+tXOq$*+@|)mR-yI"
    "MU~Gnd7$#W1a=qbrBR$NB(s`R2%pDVUx+@ve9Ve1z0a=m#Pio7(=_CYmqj;DqUF2}d3yXOT45O~1i*~wjz&xSEa>Z<nl*Rr5"
    "$5{WM%R&z$Mr@1eTDpC}Ju9CeEGpjk+OHIpdrxg5%ySaMzRDfDF>k^`YPMWU-"
    "l=~l{S<c6N|_9;P;4z{@fp}_>|c<hWVjpnSKt6R$^8<J3ip8?l&m+hw?)f|{lFA&_#N%x&OK@&_XW*Mcf|+@@C~_vInTIZl&"
    "Qm1)5{emp~hG){Tl7DMtU2Shp0%I9&LwB^tZ%zQ9Rb$TY=UDv*8=y9`=V(6-"
    "p>ig4j#FkJZ8~AX5DAg(MxY4Zr}sP|tBLqHbO;ND7uK6up(-0!G>f-"
    "q|P&?@2tS(p&Ty#9?cM*2>K1Cs<>It;!^MQkW|@B~H?3P^o13tuad9jaq9J@wRdatYR$?`v=K<8SF#tu_5=8oEFq$e-"
    "C2J80vqhl|47uP7DBbg?VA+AXA(#Rp8GO=~0ne6K@mc;N6rS;#FZ6>PB^dy~0}VP_5LfMVwOs%(QNcOO#xF3*FT`WzTW8h#1"
    "-w+`z|xA<;!8O?pAtY@t7t%M7LpHG?K<ihbY7!RGm_+(Rp4TZ(@&qJ5b;t!#G_-"
    "2#0Ohne5mS>%ea7<(R`XU`LLf__+KeYx|E_ao}1S2A`h6Ik2prxxoq^jGv}&Plem_LiRz4fA)>1B}I37ZAA_<P$>Iw{UGi9b"
    "!CQ$xbKFXm?S6Z?n`<+9&UlL@NWH;7hcn;yAm&xP-"
    "c)0=ccthr77f(LT!no85ImNPQ3XLr!ZSSzH_whs^~4=?tBuntq8=*BF6(e}u4CD+2ZW964WYAgooI$Uj8YK#o>!<x(xRN#sj"
    "(i;7Y5_;}$RtSdf;ka0<$FKBAIcpiwx{{h0%Z=n"
)


@functools.lru_cache(maxsize=1)
def _mask_consts():
    perm = np.frombuffer(zlib.decompress(base64.b85decode(_PERM_BLOB)),
                         dtype=np.int16).astype(np.int32)
    p_mask = np.zeros((PS,), np.int32)
    p_mask[perm] = 1
    pos = np.zeros((PS,), np.int32)
    pos[perm] = np.arange(K_SEL, dtype=np.int32)
    return p_mask, pos



_B = 1024


def _fused_body(acol_ref, arow_ref, x_ref, w_ref, b_ref,
                ranks_ref, emb_ref, sum_ref, acc_ref):
    i = pl.program_id(0)
    j = pl.program_id(1)

    @pl.when(j == 0)
    def _():
        e = lax.dot_general(x_ref[...], w_ref[...], (((1,), (1,)), ((), ())),
                            preferred_element_type=jnp.float32)
        e = jnp.maximum(e + b_ref[...], 0.0)
        emb_ref[...] = e

        @pl.when(i == 0)
        def _():
            sum_ref[...] = jnp.zeros_like(sum_ref)

        sum_ref[...] += jnp.sum(e, axis=0, keepdims=True)
        acc_ref[...] = jnp.zeros_like(acc_ref)

    ai = acol_ref[...]
    aj = arow_ref[...]

    def _acc(cmp):
        c = cmp.astype(jnp.int32)
        acc_ref[...] += ((c[:, 0:128] + c[:, 128:256])
                         + (c[:, 256:384] + c[:, 384:512])
                         + (c[:, 512:640] + c[:, 640:768])
                         + (c[:, 768:896] + c[:, 896:1024]))

    @pl.when(j < i)
    def _():
        _acc(aj <= ai)

    @pl.when(j > i)
    def _():
        _acc(aj < ai)

    @pl.when(j == i)
    def _():
        ii = i * _B + lax.broadcasted_iota(jnp.int32, (_B, 1), 0)
        jj = j * _B + lax.broadcasted_iota(jnp.int32, (1, _B), 1)
        _acc((aj < ai) | ((aj == ai) & (jj < ii)))

    @pl.when(j == pl.num_programs(1) - 1)
    def _():
        ranks_ref[...] = jnp.sum(acc_ref[...], axis=1, keepdims=True)


def _ranks_and_embed(attn_flat, x_flat, W_emb, b_emb):
    a_col = attn_flat.reshape(PS, 1)
    a_row = attn_flat.reshape(1, PS)
    return pl.pallas_call(
        _fused_body,
        grid=(PS // _B, PS // _B),
        in_specs=[
            pl.BlockSpec((_B, 1), lambda i, j: (i, 0)),
            pl.BlockSpec((1, _B), lambda i, j: (0, j)),
            pl.BlockSpec((_B, D_IN), lambda i, j: (i, 0)),
            pl.BlockSpec((D_EMB, D_IN), lambda i, j: (0, 0)),
            pl.BlockSpec((1, D_EMB), lambda i, j: (0, 0)),
        ],
        out_specs=[
            pl.BlockSpec((_B, 1), lambda i, j: (i, 0)),
            pl.BlockSpec((_B, D_EMB), lambda i, j: (i, 0)),
            pl.BlockSpec((1, D_EMB), lambda i, j: (0, 0)),
        ],
        out_shape=[
            jax.ShapeDtypeStruct((PS, 1), jnp.int32),
            jax.ShapeDtypeStruct((PS, D_EMB), jnp.float32),
            jax.ShapeDtypeStruct((1, D_EMB), jnp.float32),
        ],
        scratch_shapes=[pltpu.VMEM((_B, 128), jnp.int32)],
    )(a_col, a_row, x_flat, W_emb, b_emb.reshape(1, D_EMB))



_NS = 16
_KW = K_SEL // _NS
_TW = PS // _NS
_VW = _TW // 16


def _sc_mask_and_reduce(ranks, p_mask, pos, emb):
    mesh = plsc.VectorSubcoreMesh(core_axis_name="c", subcore_axis_name="s",
                                  num_cores=1, num_subcores=_NS)

    @functools.partial(
        pl.kernel,
        out_type=[
            jax.ShapeDtypeStruct((PS,), jnp.int32),
            jax.ShapeDtypeStruct((_NS, D_EMB), jnp.float32),
        ],
        mesh=mesh,
        compiler_params=pltpu.CompilerParams(needs_layout_passes=False),
        scratch_types=[
            pltpu.VMEM((_TW,), jnp.int32),
            pltpu.VMEM((PS,), jnp.int32),
            pltpu.VMEM((PS,), jnp.int32),
            pltpu.VMEM((_TW,), jnp.int32),
            pltpu.VMEM((_TW,), jnp.int32),
            pltpu.VMEM((16,), jnp.int32),
            pltpu.VMEM((_NS, 16), jnp.int32),
            pltpu.VMEM((PS,), jnp.int32),
            pltpu.VMEM((PS,), jnp.int32),
            pltpu.VMEM_SHARED((_NS, 16), jnp.int32),
            pltpu.VMEM_SHARED((PS,), jnp.int32),
            pltpu.VMEM_SHARED((K_SEL,), jnp.int32),
            pltpu.VMEM((_KW,), jnp.int32),
            pltpu.VMEM((_KW, D_EMB), jnp.float32),
            pltpu.VMEM((D_EMB,), jnp.float32),
            pltpu.SemaphoreType.DMA,
        ],
    )
    def k(ranks_hbm, pmask_hbm, pos_hbm, emb_hbm, ids_hbm, part_hbm,
          ranks_v, pmask_v, pos_v, keep_v, slot_loc, cnt_v, tot_v,
          slots_v, out_v, tot_sh, slots_sh, masked_sh,
          idx_v, rows_v, part_v, sem):
        wid = lax.axis_index("s")
        tbase = wid * _TW

        pltpu.sync_copy(ranks_hbm.at[pl.ds(pl.multiple_of(tbase, 16), _TW)],
                        ranks_v)
        pltpu.sync_copy(pmask_hbm, pmask_v)
        pltpu.sync_copy(pos_hbm, pos_v)
        acc = jnp.zeros((16,), jnp.int32)
        for v in range(_VW):
            r = ranks_v[pl.ds(v * 16, 16)]
            keep = 1 - plsc.load_gather(pmask_v, [r])
            keep_v[pl.ds(v * 16, 16)] = keep
            acc = acc + keep
        cnt_v[...] = acc
        pltpu.sync_copy(cnt_v, tot_sh.at[wid])
        plsc.subcore_barrier()

        pltpu.sync_copy(tot_sh, tot_v)
        psum = jnp.zeros((16,), jnp.int32)
        for kk in range(_NS):
            row = tot_v[kk, pl.ds(0, 16)]
            psum = psum + jnp.where(kk < wid, row, jnp.zeros((16,), jnp.int32))
        carry = jnp.sum(psum)
        for v in range(_VW):
            sl = pl.ds(v * 16, 16)
            r = ranks_v[sl]
            keep = keep_v[sl]
            cs = plsc.cumsum(keep)
            kept_slot = carry + cs - keep
            p = plsc.load_gather(pos_v, [r])
            slot_loc[sl] = jnp.where(keep == 0, LEN_KEEP + p, kept_slot)
            carry = carry + jnp.sum(keep)
        pltpu.sync_copy(slot_loc,
                        slots_sh.at[pl.ds(pl.multiple_of(tbase, 16), _TW)])
        plsc.subcore_barrier()

        @pl.when(wid == 0)
        def _scatter():
            pltpu.sync_copy(slots_sh, slots_v)

            def body(g, _):
                for u in range(8):
                    v = g * 8 + u
                    sl = pl.ds(pl.multiple_of(v * 16, 16), 16)
                    slot = slots_v[sl]
                    ids = v * 16 + lax.iota(jnp.int32, 16)
                    plsc.store_scatter(out_v, [slot], ids)
                return 0

            lax.fori_loop(0, PS // 128, body, jnp.int32(0))
            pltpu.sync_copy(out_v, ids_hbm)
            pltpu.sync_copy(out_v.at[pl.ds(LEN_KEEP, K_SEL)], masked_sh)

        plsc.subcore_barrier()

        pltpu.sync_copy(masked_sh.at[pl.ds(pl.multiple_of(wid * _KW, 16),
                                           _KW)], idx_v)
        pltpu.async_copy(emb_hbm.at[idx_v], rows_v, sem).wait()

        def rbody(kk, accs):
            return tuple(
                accs[c] + rows_v[kk, pl.ds(c * 16, 16)]
                for c in range(D_EMB // 16))

        accs = lax.fori_loop(
            0, _KW, rbody,
            tuple(jnp.zeros((16,), jnp.float32) for _ in range(D_EMB // 16)))
        for c in range(D_EMB // 16):
            part_v[pl.ds(c * 16, 16)] = accs[c]
        pltpu.sync_copy(part_v, part_hbm.at[wid])

    return k(ranks, p_mask, pos, emb)




def _combine_body(sum_ref, part_ref, wp_ref, bp_ref, tgt_ref,
                  logit_ref, loss_ref):
    s = sum_ref[...]
    p = jnp.sum(part_ref[...], axis=0, keepdims=True)
    cls = (s - p) * (1.0 / LEN_KEEP)
    logits = lax.dot_general(cls, wp_ref[...], (((1,), (1,)), ((), ())),
                             preferred_element_type=jnp.float32) + bp_ref[...]
    logit_ref[...] = logits
    t = tgt_ref[...]
    te = jnp.exp(t - jnp.max(t, axis=-1, keepdims=True))
    sm_t = te / jnp.sum(te, axis=-1, keepdims=True)
    le = logits - jnp.max(logits, axis=-1, keepdims=True)
    logsm = le - jnp.log(jnp.sum(jnp.exp(le), axis=-1, keepdims=True))
    loss_ref[...] = jnp.sum(-sm_t * logsm, axis=-1, keepdims=True)


def _combine(sum_all, partials, W_pred, b_pred, target):
    return pl.pallas_call(
        _combine_body,
        out_shape=[
            jax.ShapeDtypeStruct((1, N_CLS), jnp.float32),
            jax.ShapeDtypeStruct((1, 1), jnp.float32),
        ],
    )(sum_all, partials, W_pred, b_pred.reshape(1, N_CLS), target)




def kernel(x, attn, target, W_emb, b_emb, W_pred, b_pred):
    p_mask_np, pos_np = _mask_consts()
    p_mask = jnp.asarray(p_mask_np)
    pos = jnp.asarray(pos_np)

    ranks_col, emb, sum_all = _ranks_and_embed(attn[0], x[0], W_emb, b_emb)
    ranks = ranks_col.reshape(PS)

    mask_ids, partials = _sc_mask_and_reduce(ranks, p_mask, pos, emb)
    logits, loss = _combine(sum_all, partials, W_pred, b_pred, target)
    return logits, loss.reshape(()), mask_ids.reshape(1, PS)

# --- scband reference (transcript-rebuilt; emitter-appended) ---
"""Pipeline reference for scband-clr-9826885173712 (READ-ONLY COPY).

The authoritative reference and input builder live on the scoring server;
editing this copy changes nothing except your own understanding.
"""

import jax, jax.numpy as jnp
import numpy as np

PS = 8192
D_IN = 1024
D_EMB = 512
N_CLS = 2
MASK_RATIO = 0.25


def setup_inputs(seed: int = 0) -> dict:
    key = jax.random.key(seed)
    ks = jax.random.split(key, 6)
    x = jax.random.normal(ks[0], (1, PS, D_IN), dtype=jnp.float32)
    attn = jax.random.normal(ks[1], (1, PS), dtype=jnp.float32)
    target = jax.random.normal(ks[2], (1, N_CLS), dtype=jnp.float32)
    # xavier_normal init like initialize_weights
    W_emb = jax.random.normal(ks[3], (D_EMB, D_IN), dtype=jnp.float32) * np.sqrt(2.0 / (D_IN + D_EMB))
    b_emb = jnp.zeros((D_EMB,), dtype=jnp.float32)
    W_pred = jax.random.normal(ks[4], (N_CLS, D_EMB), dtype=jnp.float32) * np.sqrt(2.0 / (D_EMB + N_CLS))
    b_pred = jnp.zeros((N_CLS,), dtype=jnp.float32)
    return {"x": x, "attn": attn, "target": target, "W_emb": W_emb, "b_emb": b_emb, "W_pred": W_pred, "b_pred": b_pred}


def select_mask_fn(attn, ps, mask_ratio, random_ratio=0.001, select_inv=False):
    # Faithful to CLR.select_mask_fn for 2D attn [1, ps]:
    # mask_ratio / random_ratio > 1 -> random_ratio = mask_ratio_ori; mask_ratio = 1.0
    mask_ratio_ori = mask_ratio
    eff_mask_ratio = mask_ratio / random_ratio
    if eff_mask_ratio > 1:
        random_ratio = mask_ratio_ori
        eff_mask_ratio = 1.0
    k = int(np.ceil(ps * eff_mask_ratio))
    # torch.topk(attn, k, largest=False) -> indices of k smallest
    _, cls_attn_topk_idx = jax.lax.top_k(-attn[0], k)
    if random_ratio < 1.0:
        # torch.randperm then gather first ceil(k * random_ratio)
        k_sel = int(np.ceil(k * random_ratio))
        perm = jax.random.permutation(jax.random.key(42), k)
        cls_attn_topk_idx = jnp.take(cls_attn_topk_idx, perm[:k_sel])
    k_sel = cls_attn_topk_idx.shape[0]
    len_keep = ps - k_sel
    # set difference: all ids not in cls_attn_topk_idx (sorted, like python set of small ints)
    keep_mask = jnp.ones((ps,), dtype=bool).at[cls_attn_topk_idx].set(False)
    rest = jnp.nonzero(keep_mask, size=len_keep)[0]
    if select_inv:
        mask_ids = jnp.concatenate([cls_attn_topk_idx, rest])[None, :]
        len_keep = ps - len_keep
    else:
        mask_ids = jnp.concatenate([rest, cls_attn_topk_idx])[None, :]
    return len_keep, mask_ids


def reference(x, attn, target, W_emb, b_emb, W_pred, b_pred):
    # patch_to_emb: Linear(1024, 512) + ReLU (dropout = identity at eval)
    emb = jax.nn.relu(jnp.einsum('bpd,ed->bpe', x, W_emb) + b_emb)
    ps = x.shape[1]
    # get_mask with mask_ratio=0.25 > 0, random_ratio=0.001, select_inv=False
    len_keep, mask_ids = select_mask_fn(attn, ps, MASK_RATIO, random_ratio=0.001, select_inv=False)
    keep_ids = mask_ids[:, :len_keep]
    x_keep = jnp.take_along_axis(emb, keep_ids[..., None], axis=1)
    # pooled bag-level feature -> predictor head
    cls_feat = jnp.mean(x_keep, axis=1)
    logits = jnp.dot(cls_feat, W_pred.T) + b_pred
    # SoftTargetCrossEntropy_v2 with temp_t = temp_s = 1.0 (forward_loss)
    loss = jnp.mean(jnp.sum(-jax.nn.softmax(target / 1.0, axis=-1) * jax.nn.log_softmax(logits / 1.0, axis=-1), axis=-1))
    return logits, loss, mask_ids

if __name__ == "__main__":
    import jax
    _d = setup_inputs()
    print(jax.jit(kernel)(*tuple(_d.values())))

</pallas_src>

<mosaic_0001>
#map = affine_map<(d0, d1) -> (0)>
#map1 = affine_map<(d0, d1) -> (0, 0)>
module attributes {stable_mosaic.version = 14 : i64} {
  func.func @k(%arg0: i32, %arg1: i32, %arg2: memref<8192xi32, #tpu.memory_space<hbm>>, %arg3: memref<8192xi32, #tpu.memory_space<hbm>>, %arg4: memref<8192xi32, #tpu.memory_space<hbm>>, %arg5: memref<8192x512xf32, #tpu.memory_space<hbm>>, %arg6: memref<8192xi32, #tpu.memory_space<hbm>>, %arg7: memref<16x512xf32, #tpu.memory_space<hbm>>, %arg8: memref<512xi32, #tpu.memory_space<vmem>>, %arg9: memref<8192xi32, #tpu.memory_space<vmem>>, %arg10: memref<8192xi32, #tpu.memory_space<vmem>>, %arg11: memref<512xi32, #tpu.memory_space<vmem>>, %arg12: memref<512xi32, #tpu.memory_space<vmem>>, %arg13: memref<16xi32, #tpu.memory_space<vmem>>, %arg14: memref<16x16xi32, #tpu.memory_space<vmem>>, %arg15: memref<8192xi32, #tpu.memory_space<vmem>>, %arg16: memref<8192xi32, #tpu.memory_space<vmem>>, %arg17: memref<16x16xi32, #tpu.memory_space<vmem_shared>>, %arg18: memref<8192xi32, #tpu.memory_space<vmem_shared>>, %arg19: memref<2048xi32, #tpu.memory_space<vmem_shared>>, %arg20: memref<128xi32, #tpu.memory_space<vmem>>, %arg21: memref<128x512xf32, #tpu.memory_space<vmem>>, %arg22: memref<512xf32, #tpu.memory_space<vmem>>, %arg23: memref<!tpu.dma_semaphore, #tpu.memory_space<semaphore_mem>>) attributes {dimension_semantics = [#tpu.dimension_semantics<core_parallel>, #tpu.dimension_semantics<subcore_parallel>], iteration_bounds = array<i64: 1, 16>, scalar_prefetch = 0 : i64, scratch_operands = 16 : i64, tpu.core_type = #tpu.core_type<sc_vector_subcore>, window_params = [{transform_indices = #map}, {transform_indices = #map}, {transform_indices = #map}, {transform_indices = #map1}, {transform_indices = #map}, {transform_indices = #map1}]} {
    %mul3A = arith.constant 512 : i32
    %mul3A_0 = arith.muli %arg1, %mul3A : i32
    %multiple_of3A = tpu.assume_multiple %mul3A_0, 16 : i32
    "tpu.region"() ({
      %run_scoped3A = tpu.sem_alloc : memref<!tpu.dma_semaphore, #tpu.memory_space<semaphore_mem>>
      %dma_start3A_1394 = tpu.memref_slice %arg2[%multiple_of3A] : memref<8192xi32, #tpu.memory_space<hbm>> -> memref<512xi32, #tpu.memory_space<hbm>>
      %dma_start3A_1395 = tpu.memref_slice %arg2[%multiple_of3A] : memref<8192xi32, #tpu.memory_space<hbm>> -> memref<512xi32, #tpu.memory_space<hbm>>
      tpu.enqueue_dma source(%dma_start3A_1395 : memref<512xi32, #tpu.memory_space<hbm>>) target(%arg8 : memref<512xi32, #tpu.memory_space<vmem>>) target_semaphore(%run_scoped3A : memref<!tpu.dma_semaphore, #tpu.memory_space<semaphore_mem>>)
      %dma_wait3A_1396 = tpu.memref_slice %arg2[%multiple_of3A] : memref<8192xi32, #tpu.memory_space<hbm>> -> memref<512xi32, #tpu.memory_space<hbm>>
      %dma_wait3A_1397 = tpu.memref_slice %arg2[%multiple_of3A] : memref<8192xi32, #tpu.memory_space<hbm>> -> memref<512xi32, #tpu.memory_space<hbm>>
      tpu.wait_dma2 semaphore(%run_scoped3A : memref<!tpu.dma_semaphore, #tpu.memory_space<semaphore_mem>>) src(%dma_wait3A_1397 : memref<512xi32, #tpu.memory_space<hbm>>) dst(%arg8 : memref<512xi32, #tpu.memory_space<vmem>>)
      tpu.yield
    }) : () -> ()
    "tpu.region"() ({
      %run_scoped3A = tpu.sem_alloc : memref<!tpu.dma_semaphore, #tpu.memory_space<semaphore_mem>>
      tpu.enqueue_dma source(%arg3 : memref<8192xi32, #tpu.memory_space<hbm>>) target(%arg9 : memref<8192xi32, #tpu.memory_space<vmem>>) target_semaphore(%run_scoped3A : memref<!tpu.dma_semaphore, #tpu.memory_space<semaphore_mem>>)
      tpu.wait_dma2 semaphore(%run_scoped3A : memref<!tpu.dma_semaphore, #tpu.memory_space<semaphore_mem>>) src(%arg3 : memref<8192xi32, #tpu.memory_space<hbm>>) dst(%arg9 : memref<8192xi32, #tpu.memory_space<vmem>>)
      tpu.yield
    }) : () -> ()
    "tpu.region"() ({
      %run_scoped3A = tpu.sem_alloc : memref<!tpu.dma_semaphore, #tpu.memory_space<semaphore_mem>>
      tpu.enqueue_dma source(%arg4 : memref<8192xi32, #tpu.memory_space<hbm>>) target(%arg10 : memref<8192xi32, #tpu.memory_space<vmem>>) target_semaphore(%run_scoped3A : memref<!tpu.dma_semaphore, #tpu.memory_space<semaphore_mem>>)
      tpu.wait_dma2 semaphore(%run_scoped3A : memref<!tpu.dma_semaphore, #tpu.memory_space<semaphore_mem>>) src(%arg4 : memref<8192xi32, #tpu.memory_space<hbm>>) dst(%arg10 : memref<8192xi32, #tpu.memory_space<vmem>>)
      tpu.yield
    }) : () -> ()
    %broadcast_in_dim3A = arith.constant 0 : i32
    %broadcast_in_dim3A_1 = vector.broadcast %broadcast_in_dim3A : i32 to vector<16xi32>
    %get3A = arith.constant 0 : index
    %get3A_2 = tpu.vector_load %arg8[%get3A] {strides = array<i32>} : memref<512xi32, #tpu.memory_space<vmem>>, vector<16xi32>,
    %gather3A = tpu.vector_load_idx %arg9[%get3A_2] : memref<8192xi32, #tpu.memory_space<vmem>>[vector<16xi32>], vector<16xi32>,
    %sub3A = arith.constant 1 : i32
    %sub3A_3 = vector.broadcast %sub3A : i32 to vector<16xi32>
    %sub3A_4 = arith.subi %sub3A_3, %gather3A : vector<16xi32>
    %swap3A = arith.constant 0 : index
    %swap3A_5 = tpu.vector_load %arg11[%swap3A] {strides = array<i32>} : memref<512xi32, #tpu.memory_space<vmem>>, vector<16xi32>,
    tpu.vector_store %arg11[%swap3A], %sub3A_4 {strides = array<i32>} : memref<512xi32, #tpu.memory_space<vmem>>, vector<16xi32>,
    %add3A = arith.addi %broadcast_in_dim3A_1, %sub3A_4 : vector<16xi32>
    %get3A_6 = arith.constant 16 : index
    %get3A_7 = tpu.vector_load %arg8[%get3A_6] {strides = array<i32>} : memref<512xi32, #tpu.memory_space<vmem>>, vector<16xi32>,
    %gather3A_8 = tpu.vector_load_idx %arg9[%get3A_7] : memref<8192xi32, #tpu.memory_space<vmem>>[vector<16xi32>], vector<16xi32>,
    %sub3A_9 = arith.constant 1 : i32
    %sub3A_10 = vector.broadcast %sub3A_9 : i32 to vector<16xi32>
    %sub3A_11 = arith.subi %sub3A_10, %gather3A_8 : vector<16xi32>
    %swap3A_12 = arith.constant 16 : index
    %swap3A_13 = tpu.vector_load %arg11[%swap3A_12] {strides = array<i32>} : memref<512xi32, #tpu.memory_space<vmem>>, vector<16xi32>,
    tpu.vector_store %arg11[%swap3A_12], %sub3A_11 {strides = array<i32>} : memref<512xi32, #tpu.memory_space<vmem>>, vector<16xi32>,
    %add3A_14 = arith.addi %add3A, %sub3A_11 : vector<16xi32>
    %get3A_15 = arith.constant 32 : index
    %get3A_16 = tpu.vector_load %arg8[%get3A_15] {strides = array<i32>} : memref<512xi32, #tpu.memory_space<vmem>>, vector<16xi32>,
    %gather3A_17 = tpu.vector_load_idx %arg9[%get3A_16] : memref<8192xi32, #tpu.memory_space<vmem>>[vector<16xi32>], vector<16xi32>,
    %sub3A_18 = arith.constant 1 : i32
    %sub3A_19 = vector.broadcast %sub3A_18 : i32 to vector<16xi32>
    %sub3A_20 = arith.subi %sub3A_19, %gather3A_17 : vector<16xi32>
    %swap3A_21 = arith.constant 32 : index
    %swap3A_22 = tpu.vector_load %arg11[%swap3A_21] {strides = array<i32>} : memref<512xi32, #tpu.memory_space<vmem>>, vector<16xi32>,
    tpu.vector_store %arg11[%swap3A_21], %sub3A_20 {strides = array<i32>} : memref<512xi32, #tpu.memory_space<vmem>>, vector<16xi32>,
    %add3A_23 = arith.addi %add3A_14, %sub3A_20 : vector<16xi32>
    %get3A_24 = arith.constant 48 : index
    %get3A_25 = tpu.vector_load %arg8[%get3A_24] {strides = array<i32>} : memref<512xi32, #tpu.memory_space<vmem>>, vector<16xi32>,
    %gather3A_26 = tpu.vector_load_idx %arg9[%get3A_25] : memref<8192xi32, #tpu.memory_space<vmem>>[vector<16xi32>], vector<16xi32>,
    %sub3A_27 = arith.constant 1 : i32
    %sub3A_28 = vector.broadcast %sub3A_27 : i32 to vector<16xi32>
    %sub3A_29 = arith.subi %sub3A_28, %gather3A_26 : vector<16xi32>
    %swap3A_30 = arith.constant 48 : index
    %swap3A_31 = tpu.vector_load %arg11[%swap3A_30] {strides = array<i32>} : memref<512xi32, #tpu.memory_space<vmem>>, vector<16xi32>,
    tpu.vector_store %arg11[%swap3A_30], %sub3A_29 {strides = array<i32>} : memref<512xi32, #tpu.memory_space<vmem>>, vector<16xi32>,
    %add3A_32 = arith.addi %add3A_23, %sub3A_29 : vector<16xi32>
    %get3A_33 = arith.constant 64 : index
    %get3A_34 = tpu.vector_load %arg8[%get3A_33] {strides = array<i32>} : memref<512xi32, #tpu.memory_space<vmem>>, vector<16xi32>,
    %gather3A_35 = tpu.vector_load_idx %arg9[%get3A_34] : memref<8192xi32, #tpu.memory_space<vmem>>[vector<16xi32>], vector<16xi32>,
    %sub3A_36 = arith.constant 1 : i32
    %sub3A_37 = vector.broadcast %sub3A_36 : i32 to vector<16xi32>
    %sub3A_38 = arith.subi %sub3A_37, %gather3A_35 : vector<16xi32>
    %swap3A_39 = arith.constant 64 : index
    %swap3A_40 = tpu.vector_load %arg11[%swap3A_39] {strides = array<i32>} : memref<512xi32, #tpu.memory_space<vmem>>, vector<16xi32>,
    tpu.vector_store %arg11[%swap3A_39], %sub3A_38 {strides = array<i32>} : memref<512xi32, #tpu.memory_space<vmem>>, vector<16xi32>,
    %add3A_41 = arith.addi %add3A_32, %sub3A_38 : vector<16xi32>
    %get3A_42 = arith.constant 80 : index
    %get3A_43 = tpu.vector_load %arg8[%get3A_42] {strides = array<i32>} : memref<512xi32, #tpu.memory_space<vmem>>, vector<16xi32>,
    %gather3A_44 = tpu.vector_load_idx %arg9[%get3A_43] : memref<8192xi32, #tpu.memory_space<vmem>>[vector<16xi32>], vector<16xi32>,
    %sub3A_45 = arith.constant 1 : i32
    %sub3A_46 = vector.broadcast %sub3A_45 : i32 to vector<16xi32>
    %sub3A_47 = arith.subi %sub3A_46, %gather3A_44 : vector<16xi32>
    %swap3A_48 = arith.constant 80 : index
    %swap3A_49 = tpu.vector_load %arg11[%swap3A_48] {strides = array<i32>} : memref<512xi32, #tpu.memory_space<vmem>>, vector<16xi32>,
    tpu.vector_store %arg11[%swap3A_48], %sub3A_47 {strides = array<i32>} : memref<512xi32, #tpu.memory_space<vmem>>, vector<16xi32>,
    %add3A_50 = arith.addi %add3A_41, %sub3A_47 : vector<16xi32>
    %get3A_51 = arith.constant 96 : index
    %get3A_52 = tpu.vector_load %arg8[%get3A_51] {strides = array<i32>} : memref<512xi32, #tpu.memory_space<vmem>>, vector<16xi32>,
    %gather3A_53 = tpu.vector_load_idx %arg9[%get3A_52] : memref<8192xi32, #tpu.memory_space<vmem>>[vector<16xi32>], vector<16xi32>,
    %sub3A_54 = arith.constant 1 : i32
    %sub3A_55 = vector.broadcast %sub3A_54 : i32 to vector<16xi32>
    %sub3A_56 = arith.subi %sub3A_55, %gather3A_53 : vector<16xi32>
    %swap3A_57 = arith.constant 96 : index
    %swap3A_58 = tpu.vector_load %arg11[%swap3A_57] {strides = array<i32>} : memref<512xi32, #tpu.memory_space<vmem>>, vector<16xi32>,
    tpu.vector_store %arg11[%swap3A_57], %sub3A_56 {strides = array<i32>} : memref<512xi32, #tpu.memory_space<vmem>>, vector<16xi32>,
    %add3A_59 = arith.addi %add3A_50, %sub3A_56 : vector<16xi32>
    %get3A_60 = arith.constant 112 : index
    %get3A_61 = tpu.vector_load %arg8[%get3A_60] {strides = array<i32>} : memref<512xi32, #tpu.memory_space<vmem>>, vector<16xi32>,
    %gather3A_62 = tpu.vector_load_idx %arg9[%get3A_61] : memref<8192xi32, #tpu.memory_space<vmem>>[vector<16xi32>], vector<16xi32>,
    %sub3A_63 = arith.constant 1 : i32
    %sub3A_64 = vector.broadcast %sub3A_63 : i32 to vector<16xi32>
    %sub3A_65 = arith.subi %sub3A_64, %gather3A_62 : vector<16xi32>
    %swap3A_66 = arith.constant 112 : index
    %swap3A_67 = tpu.vector_load %arg11[%swap3A_66] {strides = array<i32>} : memref<512xi32, #tpu.memory_space<vmem>>, vector<16xi32>,
    tpu.vector_store %arg11[%swap3A_66], %sub3A_65 {strides = array<i32>} : memref<512xi32, #tpu.memory_space<vmem>>, vector<16xi32>,
    %add3A_68 = arith.addi %add3A_59, %sub3A_65 : vector<16xi32>
    %get3A_69 = arith.constant 128 : index
    %get3A_70 = tpu.vector_load %arg8[%get3A_69] {strides = array<i32>} : memref<512xi32, #tpu.memory_space<vmem>>, vector<16xi32>,
    %gather3A_71 = tpu.vector_load_idx %arg9[%get3A_70] : memref<8192xi32, #tpu.memory_space<vmem>>[vector<16xi32>], vector<16xi32>,
    %sub3A_72 = arith.constant 1 : i32
    %sub3A_73 = vector.broadcast %sub3A_72 : i32 to vector<16xi32>
    %sub3A_74 = arith.subi %sub3A_73, %gather3A_71 : vector<16xi32>
    %swap3A_75 = arith.constant 128 : index
    %swap3A_76 = tpu.vector_load %arg11[%swap3A_75] {strides = array<i32>} : memref<512xi32, #tpu.memory_space<vmem>>, vector<16xi32>,
    tpu.vector_store %arg11[%swap3A_75], %sub3A_74 {strides = array<i32>} : memref<512xi32, #tpu.memory_space<vmem>>, vector<16xi32>,
    %add3A_77 = arith.addi %add3A_68, %sub3A_74 : vector<16xi32>
    %get3A_78 = arith.constant 144 : index
    %get3A_79 = tpu.vector_load %arg8[%get3A_78] {strides = array<i32>} : memref<512xi32, #tpu.memory_space<vmem>>, vector<16xi32>,
    %gather3A_80 = tpu.vector_load_idx %arg9[%get3A_79] : memref<8192xi32, #tpu.memory_space<vmem>>[vector<16xi32>], vector<16xi32>,
    %sub3A_81 = arith.constant 1 : i32
    %sub3A_82 = vector.broadcast %sub3A_81 : i32 to vector<16xi32>
    %sub3A_83 = arith.subi %sub3A_82, %gather3A_80 : vector<16xi32>
    %swap3A_84 = arith.constant 144 : index
    %swap3A_85 = tpu.vector_load %arg11[%swap3A_84] {strides = array<i32>} : memref<512xi32, #tpu.memory_space<vmem>>, vector<16xi32>,
    tpu.vector_store %arg11[%swap3A_84], %sub3A_83 {strides = array<i32>} : memref<512xi32, #tpu.memory_space<vmem>>, vector<16xi32>,
    %add3A_86 = arith.addi %add3A_77, %sub3A_83 : vector<16xi32>
    %get3A_87 = arith.constant 160 : index
    %get3A_88 = tpu.vector_load %arg8[%get3A_87] {strides = array<i32>} : memref<512xi32, #tpu.memory_space<vmem>>, vector<16xi32>,
    %gather3A_89 = tpu.vector_load_idx %arg9[%get3A_88] : memref<8192xi32, #tpu.memory_space<vmem>>[vector<16xi32>], vector<16xi32>,
    %sub3A_90 = arith.constant 1 : i32
    %sub3A_91 = vector.broadcast %sub3A_90 : i32 to vector<16xi32>
    %sub3A_92 = arith.subi %sub3A_91, %gather3A_89 : vector<16xi32>
    %swap3A_93 = arith.constant 160 : index
    %swap3A_94 = tpu.vector_load %arg11[%swap3A_93] {strides = array<i32>} : memref<512xi32, #tpu.memory_space<vmem>>, vector<16xi32>,
    tpu.vector_store %arg11[%swap3A_93], %sub3A_92 {strides = array<i32>} : memref<512xi32, #tpu.memory_space<vmem>>, vector<16xi32>,
    %add3A_95 = arith.addi %add3A_86, %sub3A_92 : vector<16xi32>
    %get3A_96 = arith.constant 176 : index
    %get3A_97 = tpu.vector_load %arg8[%get3A_96] {strides = array<i32>} : memref<512xi32, #tpu.memory_space<vmem>>, vector<16xi32>,
    %gather3A_98 = tpu.vector_load_idx %arg9[%get3A_97] : memref<8192xi32, #tpu.memory_space<vmem>>[vector<16xi32>], vector<16xi32>,
    %sub3A_99 = arith.constant 1 : i32
    %sub3A_100 = vector.broadcast %sub3A_99 : i32 to vector<16xi32>
    %sub3A_101 = arith.subi %sub3A_100, %gather3A_98 : vector<16xi32>
    %swap3A_102 = arith.constant 176 : index
    %swap3A_103 = tpu.vector_load %arg11[%swap3A_102] {strides = array<i32>} : memref<512xi32, #tpu.memory_space<vmem>>, vector<16xi32>,
    tpu.vector_store %arg11[%swap3A_102], %sub3A_101 {strides = array<i32>} : memref<512xi32, #tpu.memory_space<vmem>>, vector<16xi32>,
    %add3A_104 = arith.addi %add3A_95, %sub3A_101 : vector<16xi32>
    %get3A_105 = arith.constant 192 : index
    %get3A_106 = tpu.vector_load %arg8[%get3A_105] {strides = array<i32>} : memref<512xi32, #tpu.memory_space<vmem>>, vector<16xi32>,
    %gather3A_107 = tpu.vector_load_idx %arg9[%get3A_106] : memref<8192xi32, #tpu.memory_space<vmem>>[vector<16xi32>], vector<16xi32>,
    %sub3A_108 = arith.constant 1 : i32
    %sub3A_109 = vector.broadcast %sub3A_108 : i32 to vector<16xi32>
    %sub3A_110 = arith.subi %sub3A_109, %gather3A_107 : vector<16xi32>
    %swap3A_111 = arith.constant 192 : index
    %swap3A_112 = tpu.vector_load %arg11[%swap3A_111] {strides = array<i32>} : memref<512xi32, #tpu.memory_space<vmem>>, vector<16xi32>,
    tpu.vector_store %arg11[%swap3A_111], %sub3A_110 {strides = array<i32>} : memref<512xi32, #tpu.memory_space<vmem>>, vector<16xi32>,
    %add3A_113 = arith.addi %add3A_104, %sub3A_110 : vector<16xi32>
    %get3A_114 = arith.constant 208 : index
    %get3A_115 = tpu.vector_load %arg8[%get3A_114] {strides = array<i32>} : memref<512xi32, #tpu.memory_space<vmem>>, vector<16xi32>,
    %gather3A_116 = tpu.vector_load_idx %arg9[%get3A_115] : memref<8192xi32, #tpu.memory_space<vmem>>[vector<16xi32>], vector<16xi32>,
    %sub3A_117 = arith.constant 1 : i32
    %sub3A_118 = vector.broadcast %sub3A_117 : i32 to vector<16xi32>
    %sub3A_119 = arith.subi %sub3A_118, %gather3A_116 : vector<16xi32>
    %swap3A_120 = arith.constant 208 : index
    %swap3A_121 = tpu.vector_load %arg11[%swap3A_120] {strides = array<i32>} : memref<512xi32, #tpu.memory_space<vmem>>, vector<16xi32>,
    tpu.vector_store %arg11[%swap3A_120], %sub3A_119 {strides = array<i32>} : memref<512xi32, #tpu.memory_space<vmem>>, vector<16xi32>,
    %add3A_122 = arith.addi %add3A_113, %sub3A_119 : vector<16xi32>
    %get3A_123 = arith.constant 224 : index
    %get3A_124 = tpu.vector_load %arg8[%get3A_123] {strides = array<i32>} : memref<512xi32, #tpu.memory_space<vmem>>, vector<16xi32>,
    %gather3A_125 = tpu.vector_load_idx %arg9[%get3A_124] : memref<8192xi32, #tpu.memory_space<vmem>>[vector<16xi32>], vector<16xi32>,
    %sub3A_126 = arith.constant 1 : i32
    %sub3A_127 = vector.broadcast %sub3A_126 : i32 to vector<16xi32>
    %sub3A_128 = arith.subi %sub3A_127, %gather3A_125 : vector<16xi32>
    %swap3A_129 = arith.constant 224 : index
    %swap3A_130 = tpu.vector_load %arg11[%swap3A_129] {strides = array<i32>} : memref<512xi32, #tpu.memory_space<vmem>>, vector<16xi32>,
    tpu.vector_store %arg11[%swap3A_129], %sub3A_128 {strides = array<i32>} : memref<512xi32, #tpu.memory_space<vmem>>, vector<16xi32>,
    %add3A_131 = arith.addi %add3A_122, %sub3A_128 : vector<16xi32>
    %get3A_132 = arith.constant 240 : index
    %get3A_133 = tpu.vector_load %arg8[%get3A_132] {strides = array<i32>} : memref<512xi32, #tpu.memory_space<vmem>>, vector<16xi32>,
    %gather3A_134 = tpu.vector_load_idx %arg9[%get3A_133] : memref<8192xi32, #tpu.memory_space<vmem>>[vector<16xi32>], vector<16xi32>,
    %sub3A_135 = arith.constant 1 : i32
    %sub3A_136 = vector.broadcast %sub3A_135 : i32 to vector<16xi32>
    %sub3A_137 = arith.subi %sub3A_136, %gather3A_134 : vector<16xi32>
    %swap3A_138 = arith.constant 240 : index
    %swap3A_139 = tpu.vector_load %arg11[%swap3A_138] {strides = array<i32>} : memref<512xi32, #tpu.memory_space<vmem>>, vector<16xi32>,
    tpu.vector_store %arg11[%swap3A_138], %sub3A_137 {strides = array<i32>} : memref<512xi32, #tpu.memory_space<vmem>>, vector<16xi32>,
    %add3A_140 = arith.addi %add3A_131, %sub3A_137 : vector<16xi32>
    %get3A_141 = arith.constant 256 : index
    %get3A_142 = tpu.vector_load %arg8[%get3A_141] {strides = array<i32>} : memref<512xi32, #tpu.memory_space<vmem>>, vector<16xi32>,
    %gather3A_143 = tpu.vector_load_idx %arg9[%get3A_142] : memref<8192xi32, #tpu.memory_space<vmem>>[vector<16xi32>], vector<16xi32>,
    %sub3A_144 = arith.constant 1 : i32
    %sub3A_145 = vector.broadcast %sub3A_144 : i32 to vector<16xi32>
    %sub3A_146 = arith.subi %sub3A_145, %gather3A_143 : vector<16xi32>
    %swap3A_147 = arith.constant 256 : index
    %swap3A_148 = tpu.vector_load %arg11[%swap3A_147] {strides = array<i32>} : memref<512xi32, #tpu.memory_space<vmem>>, vector<16xi32>,
    tpu.vector_store %arg11[%swap3A_147], %sub3A_146 {strides = array<i32>} : memref<512xi32, #tpu.memory_space<vmem>>, vector<16xi32>,
    %add3A_149 = arith.addi %add3A_140, %sub3A_146 : vector<16xi32>
    %get3A_150 = arith.constant 272 : index
    %get3A_151 = tpu.vector_load %arg8[%get3A_150] {strides = array<i32>} : memref<512xi32, #tpu.memory_space<vmem>>, vector<16xi32>,
    %gather3A_152 = tpu.vector_load_idx %arg9[%get3A_151] : memref<8192xi32, #tpu.memory_space<vmem>>[vector<16xi32>], vector<16xi32>,
    %sub3A_153 = arith.constant 1 : i32
    %sub3A_154 = vector.broadcast %sub3A_153 : i32 to vector<16xi32>
    %sub3A_155 = arith.subi %sub3A_154, %gather3A_152 : vector<16xi32>
    %swap3A_156 = arith.constant 272 : index
    %swap3A_157 = tpu.vector_load %arg11[%swap3A_156] {strides = array<i32>} : memref<512xi32, #tpu.memory_space<vmem>>, vector<16xi32>,
    tpu.vector_store %arg11[%swap3A_156], %sub3A_155 {strides = array<i32>} : memref<512xi32, #tpu.memory_space<vmem>>, vector<16xi32>,
    %add3A_158 = arith.addi %add3A_149, %sub3A_155 : vector<16xi32>
    %get3A_159 = arith.constant 288 : index
    %get3A_160 = tpu.vector_load %arg8[%get3A_159] {strides = array<i32>} : memref<512xi32, #tpu.memory_space<vmem>>, vector<16xi32>,
    %gather3A_161 = tpu.vector_load_idx %arg9[%get3A_160] : memref<8192xi32, #tpu.memory_space<vmem>>[vector<16xi32>], vector<16xi32>,
    %sub3A_162 = arith.constant 1 : i32
    %sub3A_163 = vector.broadcast %sub3A_162 : i32 to vector<16xi32>
    %sub3A_164 = arith.subi %sub3A_163, %gather3A_161 : vector<16xi32>
    %swap3A_165 = arith.constant 288 : index
    %swap3A_166 = tpu.vector_load %arg11[%swap3A_165] {strides = array<i32>} : memref<512xi32, #tpu.memory_space<vmem>>, vector<16xi32>,
    tpu.vector_store %arg11[%swap3A_165], %sub3A_164 {strides = array<i32>} : memref<512xi32, #tpu.memory_space<vmem>>, vector<16xi32>,
    %add3A_167 = arith.addi %add3A_158, %sub3A_164 : vector<16xi32>
    %get3A_168 = arith.constant 304 : index
    %get3A_169 = tpu.vector_load %arg8[%get3A_168] {strides = array<i32>} : memref<512xi32, #tpu.memory_space<vmem>>, vector<16xi32>,
    %gather3A_170 = tpu.vector_load_idx %arg9[%get3A_169] : memref<8192xi32, #tpu.memory_space<vmem>>[vector<16xi32>], vector<16xi32>,
    %sub3A_171 = arith.constant 1 : i32
    %sub3A_172 = vector.broadcast %sub3A_171 : i32 to vector<16xi32>
    %sub3A_173 = arith.subi %sub3A_172, %gather3A_170 : vector<16xi32>
    %swap3A_174 = arith.constant 304 : index
    %swap3A_175 = tpu.vector_load %arg11[%swap3A_174] {strides = array<i32>} : memref<512xi32, #tpu.memory_space<vmem>>, vector<16xi32>,
    tpu.vector_store %arg11[%swap3A_174], %sub3A_173 {strides = array<i32>} : memref<512xi32, #tpu.memory_space<vmem>>, vector<16xi32>,
    %add3A_176 = arith.addi %add3A_167, %sub3A_173 : vector<16xi32>
    %get3A_177 = arith.constant 320 : index
    %get3A_178 = tpu.vector_load %arg8[%get3A_177] {strides = array<i32>} : memref<512xi32, #tpu.memory_space<vmem>>, vector<16xi32>,
    %gather3A_179 = tpu.vector_load_idx %arg9[%get3A_178] : memref<8192xi32, #tpu.memory_space<vmem>>[vector<16xi32>], vector<16xi32>,
    %sub3A_180 = arith.constant 1 : i32
    %sub3A_181 = vector.broadcast %sub3A_180 : i32 to vector<16xi32>
    %sub3A_182 = arith.subi %sub3A_181, %gather3A_179 : vector<16xi32>
    %swap3A_183 = arith.constant 320 : index
    %swap3A_184 = tpu.vector_load %arg11[%swap3A_183] {strides = array<i32>} : memref<512xi32, #tpu.memory_space<vmem>>, vector<16xi32>,
    tpu.vector_store %arg11[%swap3A_183], %sub3A_182 {strides = array<i32>} : memref<512xi32, #tpu.memory_space<vmem>>, vector<16xi32>,
    %add3A_185 = arith.addi %add3A_176, %sub3A_182 : vector<16xi32>
    %get3A_186 = arith.constant 336 : index
    %get3A_187 = tpu.vector_load %arg8[%get3A_186] {strides = array<i32>} : memref<512xi32, #tpu.memory_space<vmem>>, vector<16xi32>,
    %gather3A_188 = tpu.vector_load_idx %arg9[%get3A_187] : memref<8192xi32, #tpu.memory_space<vmem>>[vector<16xi32>], vector<16xi32>,
    %sub3A_189 = arith.constant 1 : i32
    %sub3A_190 = vector.broadcast %sub3A_189 : i32 to vector<16xi32>
    %sub3A_191 = arith.subi %sub3A_190, %gather3A_188 : vector<16xi32>
    %swap3A_192 = arith.constant 336 : index
    %swap3A_193 = tpu.vector_load %arg11[%swap3A_192] {strides = array<i32>} : memref<512xi32, #tpu.memory_space<vmem>>, vector<16xi32>,
    tpu.vector_store %arg11[%swap3A_192], %sub3A_191 {strides = array<i32>} : memref<512xi32, #tpu.memory_space<vmem>>, vector<16xi32>,
    %add3A_194 = arith.addi %add3A_185, %sub3A_191 : vector<16xi32>
    %get3A_195 = arith.constant 352 : index
    %get3A_196 = tpu.vector_load %arg8[%get3A_195] {strides = array<i32>} : memref<512xi32, #tpu.memory_space<vmem>>, vector<16xi32>,
    %gather3A_197 = tpu.vector_load_idx %arg9[%get3A_196] : memref<8192xi32, #tpu.memory_space<vmem>>[vector<16xi32>], vector<16xi32>,
    %sub3A_198 = arith.constant 1 : i32
    %sub3A_199 = vector.broadcast %sub3A_198 : i32 to vector<16xi32>
    %sub3A_200 = arith.subi %sub3A_199, %gather3A_197 : vector<16xi32>
    %swap3A_201 = arith.constant 352 : index
    %swap3A_202 = tpu.vector_load %arg11[%swap3A_201] {strides = array<i32>} : memref<512xi32, #tpu.memory_space<vmem>>, vector<16xi32>,
    tpu.vector_store %arg11[%swap3A_201], %sub3A_200 {strides = array<i32>} : memref<512xi32, #tpu.memory_space<vmem>>, vector<16xi32>,
    %add3A_203 = arith.addi %add3A_194, %sub3A_200 : vector<16xi32>
    %get3A_204 = arith.constant 368 : index
    %get3A_205 = tpu.vector_load %arg8[%get3A_204] {strides = array<i32>} : memref<512xi32, #tpu.memory_space<vmem>>, vector<16xi32>,
    %gather3A_206 = tpu.vector_load_idx %arg9[%get3A_205] : memref<8192xi32, #tpu.memory_space<vmem>>[vector<16xi32>], vector<16xi32>,
    %sub3A_207 = arith.constant 1 : i32
    %sub3A_208 = vector.broadcast %sub3A_207 : i32 to vector<16xi32>
    %sub3A_209 = arith.subi %sub3A_208, %gather3A_206 : vector<16xi32>
    %swap3A_210 = arith.constant 368 : index
    %swap3A_211 = tpu.vector_load %arg11[%swap3A_210] {strides = array<i32>} : memref<512xi32, #tpu.memory_space<vmem>>, vector<16xi32>,
    tpu.vector_store %arg11[%swap3A_210], %sub3A_209 {strides = array<i32>} : memref<512xi32, #tpu.memory_space<vmem>>, vector<16xi32>,
    %add3A_212 = arith.addi %add3A_203, %sub3A_209 : vector<16xi32>
    %get3A_213 = arith.constant 384 : index
    %get3A_214 = tpu.vector_load %arg8[%get3A_213] {strides = array<i32>} : memref<512xi32, #tpu.memory_space<vmem>>, vector<16xi32>,
    %gather3A_215 = tpu.vector_load_idx %arg9[%get3A_214] : memref<8192xi32, #tpu.memory_space<vmem>>[vector<16xi32>], vector<16xi32>,
    %sub3A_216 = arith.constant 1 : i32
    %sub3A_217 = vector.broadcast %sub3A_216 : i32 to vector<16xi32>
    %sub3A_218 = arith.subi %sub3A_217, %gather3A_215 : vector<16xi32>
    %swap3A_219 = arith.constant 384 : index
    %swap3A_220 = tpu.vector_load %arg11[%swap3A_219] {strides = array<i32>} : memref<512xi32, #tpu.memory_space<vmem>>, vector<16xi32>,
    tpu.vector_store %arg11[%swap3A_219], %sub3A_218 {strides = array<i32>} : memref<512xi32, #tpu.memory_space<vmem>>, vector<16xi32>,
    %add3A_221 = arith.addi %add3A_212, %sub3A_218 : vector<16xi32>
    %get3A_222 = arith.constant 400 : index
    %get3A_223 = tpu.vector_load %arg8[%get3A_222] {strides = array<i32>} : memref<512xi32, #tpu.memory_space<vmem>>, vector<16xi32>,
    %gather3A_224 = tpu.vector_load_idx %arg9[%get3A_223] : memref<8192xi32, #tpu.memory_space<vmem>>[vector<16xi32>], vector<16xi32>,
    %sub3A_225 = arith.constant 1 : i32
    %sub3A_226 = vector.broadcast %sub3A_225 : i32 to vector<16xi32>
    %sub3A_227 = arith.subi %sub3A_226, %gather3A_224 : vector<16xi32>
    %swap3A_228 = arith.constant 400 : index
    %swap3A_229 = tpu.vector_load %arg11[%swap3A_228] {strides = array<i32>} : memref<512xi32, #tpu.memory_space<vmem>>, vector<16xi32>,
    tpu.vector_store %arg11[%swap3A_228], %sub3A_227 {strides = array<i32>} : memref<512xi32, #tpu.memory_space<vmem>>, vector<16xi32>,
    %add3A_230 = arith.addi %add3A_221, %sub3A_227 : vector<16xi32>
    %get3A_231 = arith.constant 416 : index
    %get3A_232 = tpu.vector_load %arg8[%get3A_231] {strides = array<i32>} : memref<512xi32, #tpu.memory_space<vmem>>, vector<16xi32>,
    %gather3A_233 = tpu.vector_load_idx %arg9[%get3A_232] : memref<8192xi32, #tpu.memory_space<vmem>>[vector<16xi32>], vector<16xi32>,
    %sub3A_234 = arith.constant 1 : i32
    %sub3A_235 = vector.broadcast %sub3A_234 : i32 to vector<16xi32>
    %sub3A_236 = arith.subi %sub3A_235, %gather3A_233 : vector<16xi32>
    %swap3A_237 = arith.constant 416 : index
    %swap3A_238 = tpu.vector_load %arg11[%swap3A_237] {strides = array<i32>} : memref<512xi32, #tpu.memory_space<vmem>>, vector<16xi32>,
    tpu.vector_store %arg11[%swap3A_237], %sub3A_236 {strides = array<i32>} : memref<512xi32, #tpu.memory_space<vmem>>, vector<16xi32>,
    %add3A_239 = arith.addi %add3A_230, %sub3A_236 : vector<16xi32>
    %get3A_240 = arith.constant 432 : index
    %get3A_241 = tpu.vector_load %arg8[%get3A_240] {strides = array<i32>} : memref<512xi32, #tpu.memory_space<vmem>>, vector<16xi32>,
    %gather3A_242 = tpu.vector_load_idx %arg9[%get3A_241] : memref<8192xi32, #tpu.memory_space<vmem>>[vector<16xi32>], vector<16xi32>,
    %sub3A_243 = arith.constant 1 : i32
    %sub3A_244 = vector.broadcast %sub3A_243 : i32 to vector<16xi32>
    %sub3A_245 = arith.subi %sub3A_244, %gather3A_242 : vector<16xi32>
    %swap3A_246 = arith.constant 432 : index
    %swap3A_247 = tpu.vector_load %arg11[%swap3A_246] {strides = array<i32>} : memref<512xi32, #tpu.memory_space<vmem>>, vector<16xi32>,
    tpu.vector_store %arg11[%swap3A_246], %sub3A_245 {strides = array<i32>} : memref<512xi32, #tpu.memory_space<vmem>>, vector<16xi32>,
    %add3A_248 = arith.addi %add3A_239, %sub3A_245 : vector<16xi32>
    %get3A_249 = arith.constant 448 : index
    %get3A_250 = tpu.vector_load %arg8[%get3A_249] {strides = array<i32>} : memref<512xi32, #tpu.memory_space<vmem>>, vector<16xi32>,
    %gather3A_251 = tpu.vector_load_idx %arg9[%get3A_250] : memref<8192xi32, #tpu.memory_space<vmem>>[vector<16xi32>], vector<16xi32>,
    %sub3A_252 = arith.constant 1 : i32
    %sub3A_253 = vector.broadcast %sub3A_252 : i32 to vector<16xi32>
    %sub3A_254 = arith.subi %sub3A_253, %gather3A_251 : vector<16xi32>
    %swap3A_255 = arith.constant 448 : index
    %swap3A_256 = tpu.vector_load %arg11[%swap3A_255] {strides = array<i32>} : memref<512xi32, #tpu.memory_space<vmem>>, vector<16xi32>,
    tpu.vector_store %arg11[%swap3A_255], %sub3A_254 {strides = array<i32>} : memref<512xi32, #tpu.memory_space<vmem>>, vector<16xi32>,
    %add3A_257 = arith.addi %add3A_248, %sub3A_254 : vector<16xi32>
    %get3A_258 = arith.constant 464 : index
    %get3A_259 = tpu.vector_load %arg8[%get3A_258] {strides = array<i32>} : memref<512xi32, #tpu.memory_space<vmem>>, vector<16xi32>,
    %gather3A_260 = tpu.vector_load_idx %arg9[%get3A_259] : memref<8192xi32, #tpu.memory_space<vmem>>[vector<16xi32>], vector<16xi32>,
    %sub3A_261 = arith.constant 1 : i32
    %sub3A_262 = vector.broadcast %sub3A_261 : i32 to vector<16xi32>
    %sub3A_263 = arith.subi %sub3A_262, %gather3A_260 : vector<16xi32>
    %swap3A_264 = arith.constant 464 : index
    %swap3A_265 = tpu.vector_load %arg11[%swap3A_264] {strides = array<i32>} : memref<512xi32, #tpu.memory_space<vmem>>, vector<16xi32>,
    tpu.vector_store %arg11[%swap3A_264], %sub3A_263 {strides = array<i32>} : memref<512xi32, #tpu.memory_space<vmem>>, vector<16xi32>,
    %add3A_266 = arith.addi %add3A_257, %sub3A_263 : vector<16xi32>
    %get3A_267 = arith.constant 480 : index
    %get3A_268 = tpu.vector_load %arg8[%get3A_267] {strides = array<i32>} : memref<512xi32, #tpu.memory_space<vmem>>, vector<16xi32>,
    %gather3A_269 = tpu.vector_load_idx %arg9[%get3A_268] : memref<8192xi32, #tpu.memory_space<vmem>>[vector<16xi32>], vector<16xi32>,
    %sub3A_270 = arith.constant 1 : i32
    %sub3A_271 = vector.broadcast %sub3A_270 : i32 to vector<16xi32>
    %sub3A_272 = arith.subi %sub3A_271, %gather3A_269 : vector<16xi32>
    %swap3A_273 = arith.constant 480 : index
    %swap3A_274 = tpu.vector_load %arg11[%swap3A_273] {strides = array<i32>} : memref<512xi32, #tpu.memory_space<vmem>>, vector<16xi32>,
    tpu.vector_store %arg11[%swap3A_273], %sub3A_272 {strides = array<i32>} : memref<512xi32, #tpu.memory_space<vmem>>, vector<16xi32>,
    %add3A_275 = arith.addi %add3A_266, %sub3A_272 : vector<16xi32>
    %get3A_276 = arith.constant 496 : index
    %get3A_277 = tpu.vector_load %arg8[%get3A_276] {strides = array<i32>} : memref<512xi32, #tpu.memory_space<vmem>>, vector<16xi32>,
    %gather3A_278 = tpu.vector_load_idx %arg9[%get3A_277] : memref<8192xi32, #tpu.memory_space<vmem>>[vector<16xi32>], vector<16xi32>,
    %sub3A_279 = arith.constant 1 : i32
    %sub3A_280 = vector.broadcast %sub3A_279 : i32 to vector<16xi32>
    %sub3A_281 = arith.subi %sub3A_280, %gather3A_278 : vector<16xi32>
    %swap3A_282 = arith.constant 496 : index
    %swap3A_283 = tpu.vector_load %arg11[%swap3A_282] {strides = array<i32>} : memref<512xi32, #tpu.memory_space<vmem>>, vector<16xi32>,
    tpu.vector_store %arg11[%swap3A_282], %sub3A_281 {strides = array<i32>} : memref<512xi32, #tpu.memory_space<vmem>>, vector<16xi32>,
    %add3A_284 = arith.addi %add3A_275, %sub3A_281 : vector<16xi32>
    %swap3A_285 = arith.constant 0 : index
    %swap3A_286 = tpu.vector_load %arg13[%swap3A_285] {strides = array<i32>} : memref<16xi32, #tpu.memory_space<vmem>>, vector<16xi32>,
    tpu.vector_store %arg13[%swap3A_285], %add3A_284 {strides = array<i32>} : memref<16xi32, #tpu.memory_space<vmem>>, vector<16xi32>,
    "tpu.region"() ({
      %run_scoped3A = tpu.sem_alloc : memref<!tpu.dma_semaphore, #tpu.memory_space<semaphore_mem>>
      %dma_start3A_1394 = arith.constant 0 : i32
      %dma_start3A_1395 = tpu.memref_slice %arg17[%arg1, %dma_start3A_1394] : memref<16x16xi32, #tpu.memory_space<vmem_shared>> -> memref<1x16xi32, #tpu.memory_space<vmem_shared>>
      %dma_start3A_1396 = tpu.memref_squeeze %dma_start3A_1395 : memref<1x16xi32, #tpu.memory_space<vmem_shared>> -> memref<16xi32, #tpu.memory_space<vmem_shared>>
      %dma_start3A_1397 = arith.constant 0 : i32
      %dma_start3A_1398 = tpu.memref_slice %arg17[%arg1, %dma_start3A_1397] : memref<16x16xi32, #tpu.memory_space<vmem_shared>> -> memref<1x16xi32, #tpu.memory_space<vmem_shared>>
      %dma_start3A_1399 = tpu.memref_squeeze %dma_start3A_1398 : memref<1x16xi32, #tpu.memory_space<vmem_shared>> -> memref<16xi32, #tpu.memory_space<vmem_shared>>
      tpu.enqueue_dma source(%arg13 : memref<16xi32, #tpu.memory_space<vmem>>) target(%dma_start3A_1399 : memref<16xi32, #tpu.memory_space<vmem_shared>>) target_semaphore(%run_scoped3A : memref<!tpu.dma_semaphore, #tpu.memory_space<semaphore_mem>>)
      %dma_wait3A_1400 = arith.constant 0 : i32
      %dma_wait3A_1401 = tpu.memref_slice %arg17[%arg1, %dma_wait3A_1400] : memref<16x16xi32, #tpu.memory_space<vmem_shared>> -> memref<1x16xi32, #tpu.memory_space<vmem_shared>>
      %dma_wait3A_1402 = tpu.memref_squeeze %dma_wait3A_1401 : memref<1x16xi32, #tpu.memory_space<vmem_shared>> -> memref<16xi32, #tpu.memory_space<vmem_shared>>
      %dma_wait3A_1403 = arith.constant 0 : i32
      %dma_wait3A_1404 = tpu.memref_slice %arg17[%arg1, %dma_wait3A_1403] : memref<16x16xi32, #tpu.memory_space<vmem_shared>> -> memref<1x16xi32, #tpu.memory_space<vmem_shared>>
      %dma_wait3A_1405 = tpu.memref_squeeze %dma_wait3A_1404 : memref<1x16xi32, #tpu.memory_space<vmem_shared>> -> memref<16xi32, #tpu.memory_space<vmem_shared>>
      tpu.wait_dma2 semaphore(%run_scoped3A : memref<!tpu.dma_semaphore, #tpu.memory_space<semaphore_mem>>) src(%arg13 : memref<16xi32, #tpu.memory_space<vmem>>) dst(%dma_wait3A_1405 : memref<16xi32, #tpu.memory_space<vmem_shared>>)
      tpu.yield
    }) : () -> ()
    %barrier3A = arith.constant 0 : index
    tpu.barrier barrier_id(%barrier3A)
    "tpu.region"() ({
      %run_scoped3A = tpu.sem_alloc : memref<!tpu.dma_semaphore, #tpu.memory_space<semaphore_mem>>
      tpu.enqueue_dma source(%arg17 : memref<16x16xi32, #tpu.memory_space<vmem_shared>>) target(%arg14 : memref<16x16xi32, #tpu.memory_space<vmem>>) target_semaphore(%run_scoped3A : memref<!tpu.dma_semaphore, #tpu.memory_space<semaphore_mem>>)
      tpu.wait_dma2 semaphore(%run_scoped3A : memref<!tpu.dma_semaphore, #tpu.memory_space<semaphore_mem>>) src(%arg17 : memref<16x16xi32, #tpu.memory_space<vmem_shared>>) dst(%arg14 : memref<16x16xi32, #tpu.memory_space<vmem>>)
      tpu.yield
    }) : () -> ()
    %broadcast_in_dim3A_287 = arith.constant 0 : i32
    %broadcast_in_dim3A_288 = vector.broadcast %broadcast_in_dim3A_287 : i32 to vector<16xi32>
    %get3A_289 = arith.constant 0 : i32
    %get3A_290 = arith.index_cast %get3A_289 : i32 to index
    %get3A_291 = arith.constant 0 : index
    %get3A_292 = tpu.vector_load %arg14[%get3A_290, %get3A_291] {strides = array<i32>} : memref<16x16xi32, #tpu.memory_space<vmem>>, vector<16xi32>,
    %gt3A = arith.constant 0 : i32
    %gt3A_293 = arith.cmpi sgt, %arg1, %gt3A : i32
    %broadcast_in_dim3A_294 = arith.constant 0 : i32
    %broadcast_in_dim3A_295 = vector.broadcast %broadcast_in_dim3A_294 : i32 to vector<16xi32>
    %select_n3A = arith.select %gt3A_293, %get3A_292, %broadcast_in_dim3A_295 : vector<16xi32>
    %add3A_296 = arith.addi %broadcast_in_dim3A_288, %select_n3A : vector<16xi32>
    %get3A_297 = arith.constant 1 : i32
    %get3A_298 = arith.index_cast %get3A_297 : i32 to index
    %get3A_299 = arith.constant 0 : index
    %get3A_300 = tpu.vector_load %arg14[%get3A_298, %get3A_299] {strides = array<i32>} : memref<16x16xi32, #tpu.memory_space<vmem>>, vector<16xi32>,
    %gt3A_301 = arith.constant 1 : i32
    %gt3A_302 = arith.cmpi sgt, %arg1, %gt3A_301 : i32
    %broadcast_in_dim3A_303 = arith.constant 0 : i32
    %broadcast_in_dim3A_304 = vector.broadcast %broadcast_in_dim3A_303 : i32 to vector<16xi32>
    %select_n3A_305 = arith.select %gt3A_302, %get3A_300, %broadcast_in_dim3A_304 : vector<16xi32>
    %add3A_306 = arith.addi %add3A_296, %select_n3A_305 : vector<16xi32>
    %get3A_307 = arith.constant 2 : i32
    %get3A_308 = arith.index_cast %get3A_307 : i32 to index
    %get3A_309 = arith.constant 0 : index
    %get3A_310 = tpu.vector_load %arg14[%get3A_308, %get3A_309] {strides = array<i32>} : memref<16x16xi32, #tpu.memory_space<vmem>>, vector<16xi32>,
    %gt3A_311 = arith.constant 2 : i32
    %gt3A_312 = arith.cmpi sgt, %arg1, %gt3A_311 : i32
    %broadcast_in_dim3A_313 = arith.constant 0 : i32
    %broadcast_in_dim3A_314 = vector.broadcast %broadcast_in_dim3A_313 : i32 to vector<16xi32>
    %select_n3A_315 = arith.select %gt3A_312, %get3A_310, %broadcast_in_dim3A_314 : vector<16xi32>
    %add3A_316 = arith.addi %add3A_306, %select_n3A_315 : vector<16xi32>
    %get3A_317 = arith.constant 3 : i32
    %get3A_318 = arith.index_cast %get3A_317 : i32 to index
    %get3A_319 = arith.constant 0 : index
    %get3A_320 = tpu.vector_load %arg14[%get3A_318, %get3A_319] {strides = array<i32>} : memref<16x16xi32, #tpu.memory_space<vmem>>, vector<16xi32>,
    %gt3A_321 = arith.constant 3 : i32
    %gt3A_322 = arith.cmpi sgt, %arg1, %gt3A_321 : i32
    %broadcast_in_dim3A_323 = arith.constant 0 : i32
    %broadcast_in_dim3A_324 = vector.broadcast %broadcast_in_dim3A_323 : i32 to vector<16xi32>
    %select_n3A_325 = arith.select %gt3A_322, %get3A_320, %broadcast_in_dim3A_324 : vector<16xi32>
    %add3A_326 = arith.addi %add3A_316, %select_n3A_325 : vector<16xi32>
    %get3A_327 = arith.constant 4 : i32
    %get3A_328 = arith.index_cast %get3A_327 : i32 to index
    %get3A_329 = arith.constant 0 : index
    %get3A_330 = tpu.vector_load %arg14[%get3A_328, %get3A_329] {strides = array<i32>} : memref<16x16xi32, #tpu.memory_space<vmem>>, vector<16xi32>,
    %gt3A_331 = arith.constant 4 : i32
    %gt3A_332 = arith.cmpi sgt, %arg1, %gt3A_331 : i32
    %broadcast_in_dim3A_333 = arith.constant 0 : i32
    %broadcast_in_dim3A_334 = vector.broadcast %broadcast_in_dim3A_333 : i32 to vector<16xi32>
    %select_n3A_335 = arith.select %gt3A_332, %get3A_330, %broadcast_in_dim3A_334 : vector<16xi32>
    %add3A_336 = arith.addi %add3A_326, %select_n3A_335 : vector<16xi32>
    %get3A_337 = arith.constant 5 : i32
    %get3A_338 = arith.index_cast %get3A_337 : i32 to index
    %get3A_339 = arith.constant 0 : index
    %get3A_340 = tpu.vector_load %arg14[%get3A_338, %get3A_339] {strides = array<i32>} : memref<16x16xi32, #tpu.memory_space<vmem>>, vector<16xi32>,
    %gt3A_341 = arith.constant 5 : i32
    %gt3A_342 = arith.cmpi sgt, %arg1, %gt3A_341 : i32
    %broadcast_in_dim3A_343 = arith.constant 0 : i32
    %broadcast_in_dim3A_344 = vector.broadcast %broadcast_in_dim3A_343 : i32 to vector<16xi32>
    %select_n3A_345 = arith.select %gt3A_342, %get3A_340, %broadcast_in_dim3A_344 : vector<16xi32>
    %add3A_346 = arith.addi %add3A_336, %select_n3A_345 : vector<16xi32>
    %get3A_347 = arith.constant 6 : i32
    %get3A_348 = arith.index_cast %get3A_347 : i32 to index
    %get3A_349 = arith.constant 0 : index
    %get3A_350 = tpu.vector_load %arg14[%get3A_348, %get3A_349] {strides = array<i32>} : memref<16x16xi32, #tpu.memory_space<vmem>>, vector<16xi32>,
    %gt3A_351 = arith.constant 6 : i32
    %gt3A_352 = arith.cmpi sgt, %arg1, %gt3A_351 : i32
    %broadcast_in_dim3A_353 = arith.constant 0 : i32
    %broadcast_in_dim3A_354 = vector.broadcast %broadcast_in_dim3A_353 : i32 to vector<16xi32>
    %select_n3A_355 = arith.select %gt3A_352, %get3A_350, %broadcast_in_dim3A_354 : vector<16xi32>
    %add3A_356 = arith.addi %add3A_346, %select_n3A_355 : vector<16xi32>
    %get3A_357 = arith.constant 7 : i32
    %get3A_358 = arith.index_cast %get3A_357 : i32 to index
    %get3A_359 = arith.constant 0 : index
    %get3A_360 = tpu.vector_load %arg14[%get3A_358, %get3A_359] {strides = array<i32>} : memref<16x16xi32, #tpu.memory_space<vmem>>, vector<16xi32>,
    %gt3A_361 = arith.constant 7 : i32
    %gt3A_362 = arith.cmpi sgt, %arg1, %gt3A_361 : i32
    %broadcast_in_dim3A_363 = arith.constant 0 : i32
    %broadcast_in_dim3A_364 = vector.broadcast %broadcast_in_dim3A_363 : i32 to vector<16xi32>
    %select_n3A_365 = arith.select %gt3A_362, %get3A_360, %broadcast_in_dim3A_364 : vector<16xi32>
    %add3A_366 = arith.addi %add3A_356, %select_n3A_365 : vector<16xi32>
    %get3A_367 = arith.constant 8 : i32
    %get3A_368 = arith.index_cast %get3A_367 : i32 to index
    %get3A_369 = arith.constant 0 : index
    %get3A_370 = tpu.vector_load %arg14[%get3A_368, %get3A_369] {strides = array<i32>} : memref<16x16xi32, #tpu.memory_space<vmem>>, vector<16xi32>,
    %gt3A_371 = arith.constant 8 : i32
    %gt3A_372 = arith.cmpi sgt, %arg1, %gt3A_371 : i32
    %broadcast_in_dim3A_373 = arith.constant 0 : i32
    %broadcast_in_dim3A_374 = vector.broadcast %broadcast_in_dim3A_373 : i32 to vector<16xi32>
    %select_n3A_375 = arith.select %gt3A_372, %get3A_370, %broadcast_in_dim3A_374 : vector<16xi32>
    %add3A_376 = arith.addi %add3A_366, %select_n3A_375 : vector<16xi32>
    %get3A_377 = arith.constant 9 : i32
    %get3A_378 = arith.index_cast %get3A_377 : i32 to index
    %get3A_379 = arith.constant 0 : index
    %get3A_380 = tpu.vector_load %arg14[%get3A_378, %get3A_379] {strides = array<i32>} : memref<16x16xi32, #tpu.memory_space<vmem>>, vector<16xi32>,
    %gt3A_381 = arith.constant 9 : i32
    %gt3A_382 = arith.cmpi sgt, %arg1, %gt3A_381 : i32
    %broadcast_in_dim3A_383 = arith.constant 0 : i32
    %broadcast_in_dim3A_384 = vector.broadcast %broadcast_in_dim3A_383 : i32 to vector<16xi32>
    %select_n3A_385 = arith.select %gt3A_382, %get3A_380, %broadcast_in_dim3A_384 : vector<16xi32>
    %add3A_386 = arith.addi %add3A_376, %select_n3A_385 : vector<16xi32>
    %get3A_387 = arith.constant 10 : i32
    %get3A_388 = arith.index_cast %get3A_387 : i32 to index
    %get3A_389 = arith.constant 0 : index
    %get3A_390 = tpu.vector_load %arg14[%get3A_388, %get3A_389] {strides = array<i32>} : memref<16x16xi32, #tpu.memory_space<vmem>>, vector<16xi32>,
    %gt3A_391 = arith.constant 10 : i32
    %gt3A_392 = arith.cmpi sgt, %arg1, %gt3A_391 : i32
    %broadcast_in_dim3A_393 = arith.constant 0 : i32
    %broadcast_in_dim3A_394 = vector.broadcast %broadcast_in_dim3A_393 : i32 to vector<16xi32>
    %select_n3A_395 = arith.select %gt3A_392, %get3A_390, %broadcast_in_dim3A_394 : vector<16xi32>
    %add3A_396 = arith.addi %add3A_386, %select_n3A_395 : vector<16xi32>
    %get3A_397 = arith.constant 11 : i32
    %get3A_398 = arith.index_cast %get3A_397 : i32 to index
    %get3A_399 = arith.constant 0 : index
    %get3A_400 = tpu.vector_load %arg14[%get3A_398, %get3A_399] {strides = array<i32>} : memref<16x16xi32, #tpu.memory_space<vmem>>, vector<16xi32>,
    %gt3A_401 = arith.constant 11 : i32
    %gt3A_402 = arith.cmpi sgt, %arg1, %gt3A_401 : i32
    %broadcast_in_dim3A_403 = arith.constant 0 : i32
    %broadcast_in_dim3A_404 = vector.broadcast %broadcast_in_dim3A_403 : i32 to vector<16xi32>
    %select_n3A_405 = arith.select %gt3A_402, %get3A_400, %broadcast_in_dim3A_404 : vector<16xi32>
    %add3A_406 = arith.addi %add3A_396, %select_n3A_405 : vector<16xi32>
    %get3A_407 = arith.constant 12 : i32
    %get3A_408 = arith.index_cast %get3A_407 : i32 to index
    %get3A_409 = arith.constant 0 : index
    %get3A_410 = tpu.vector_load %arg14[%get3A_408, %get3A_409] {strides = array<i32>} : memref<16x16xi32, #tpu.memory_space<vmem>>, vector<16xi32>,
    %gt3A_411 = arith.constant 12 : i32
    %gt3A_412 = arith.cmpi sgt, %arg1, %gt3A_411 : i32
    %broadcast_in_dim3A_413 = arith.constant 0 : i32
    %broadcast_in_dim3A_414 = vector.broadcast %broadcast_in_dim3A_413 : i32 to vector<16xi32>
    %select_n3A_415 = arith.select %gt3A_412, %get3A_410, %broadcast_in_dim3A_414 : vector<16xi32>
    %add3A_416 = arith.addi %add3A_406, %select_n3A_415 : vector<16xi32>
    %get3A_417 = arith.constant 13 : i32
    %get3A_418 = arith.index_cast %get3A_417 : i32 to index
    %get3A_419 = arith.constant 0 : index
    %get3A_420 = tpu.vector_load %arg14[%get3A_418, %get3A_419] {strides = array<i32>} : memref<16x16xi32, #tpu.memory_space<vmem>>, vector<16xi32>,
    %gt3A_421 = arith.constant 13 : i32
    %gt3A_422 = arith.cmpi sgt, %arg1, %gt3A_421 : i32
    %broadcast_in_dim3A_423 = arith.constant 0 : i32
    %broadcast_in_dim3A_424 = vector.broadcast %broadcast_in_dim3A_423 : i32 to vector<16xi32>
    %select_n3A_425 = arith.select %gt3A_422, %get3A_420, %broadcast_in_dim3A_424 : vector<16xi32>
    %add3A_426 = arith.addi %add3A_416, %select_n3A_425 : vector<16xi32>
    %get3A_427 = arith.constant 14 : i32
    %get3A_428 = arith.index_cast %get3A_427 : i32 to index
    %get3A_429 = arith.constant 0 : index
    %get3A_430 = tpu.vector_load %arg14[%get3A_428, %get3A_429] {strides = array<i32>} : memref<16x16xi32, #tpu.memory_space<vmem>>, vector<16xi32>,
    %gt3A_431 = arith.constant 14 : i32
    %gt3A_432 = arith.cmpi sgt, %arg1, %gt3A_431 : i32
    %broadcast_in_dim3A_433 = arith.constant 0 : i32
    %broadcast_in_dim3A_434 = vector.broadcast %broadcast_in_dim3A_433 : i32 to vector<16xi32>
    %select_n3A_435 = arith.select %gt3A_432, %get3A_430, %broadcast_in_dim3A_434 : vector<16xi32>
    %add3A_436 = arith.addi %add3A_426, %select_n3A_435 : vector<16xi32>
    %get3A_437 = arith.constant 15 : i32
    %get3A_438 = arith.index_cast %get3A_437 : i32 to index
    %get3A_439 = arith.constant 0 : index
    %get3A_440 = tpu.vector_load %arg14[%get3A_438, %get3A_439] {strides = array<i32>} : memref<16x16xi32, #tpu.memory_space<vmem>>, vector<16xi32>,
    %gt3A_441 = arith.constant 15 : i32
    %gt3A_442 = arith.cmpi sgt, %arg1, %gt3A_441 : i32
    %broadcast_in_dim3A_443 = arith.constant 0 : i32
    %broadcast_in_dim3A_444 = vector.broadcast %broadcast_in_dim3A_443 : i32 to vector<16xi32>
    %select_n3A_445 = arith.select %gt3A_442, %get3A_440, %broadcast_in_dim3A_444 : vector<16xi32>
    %add3A_446 = arith.addi %add3A_436, %select_n3A_445 : vector<16xi32>
    %reduce_sum3A = arith.constant true
    %reduce_sum3A_447 = vector.broadcast %reduce_sum3A : i1 to vector<16xi1>
    %reduce_sum3A_448 = tpu.scan <sum>, %add3A_446 masked %reduce_sum3A_447 : vector<16xi32>, vector<16xi1> -> vector<16xi32>
    %reduce_sum3A_449 = vector.extract %reduce_sum3A_448[15] : i32 from vector<16xi32>
    %get3A_450 = arith.constant 0 : index
    %get3A_451 = tpu.vector_load %arg8[%get3A_450] {strides = array<i32>} : memref<512xi32, #tpu.memory_space<vmem>>, vector<16xi32>,
    %get3A_452 = arith.constant 0 : index
    %get3A_453 = tpu.vector_load %arg11[%get3A_452] {strides = array<i32>} : memref<512xi32, #tpu.memory_space<vmem>>, vector<16xi32>,
    %broadcast_in_dim3A_454 = arith.constant true
    %broadcast_in_dim3A_455 = vector.broadcast %broadcast_in_dim3A_454 : i1 to vector<16xi1>
    %masked_cumsum3A = tpu.scan <sum>, %get3A_453 masked %broadcast_in_dim3A_455 : vector<16xi32>, vector<16xi1> -> vector<16xi32>
    %add3A_456 = vector.broadcast %reduce_sum3A_449 : i32 to vector<16xi32>
    %add3A_457 = arith.addi %add3A_456, %masked_cumsum3A : vector<16xi32>
    %sub3A_458 = arith.subi %add3A_457, %get3A_453 : vector<16xi32>
    %gather3A_459 = tpu.vector_load_idx %arg10[%get3A_451] : memref<8192xi32, #tpu.memory_space<vmem>>[vector<16xi32>], vector<16xi32>,
    %eq3A = arith.constant 0 : i32
    %eq3A_460 = vector.broadcast %eq3A : i32 to vector<16xi32>
    %eq3A_461 = arith.cmpi eq, %get3A_453, %eq3A_460 : vector<16xi32>
    %add3A_462 = arith.constant 6144 : i32
    %add3A_463 = vector.broadcast %add3A_462 : i32 to vector<16xi32>
    %add3A_464 = arith.addi %add3A_463, %gather3A_459 : vector<16xi32>
    %select_n3A_465 = arith.select %eq3A_461, %add3A_464, %sub3A_458 : vector<16xi1>, vector<16xi32>
    %swap3A_466 = arith.constant 0 : index
    %swap3A_467 = tpu.vector_load %arg12[%swap3A_466] {strides = array<i32>} : memref<512xi32, #tpu.memory_space<vmem>>, vector<16xi32>,
    tpu.vector_store %arg12[%swap3A_466], %select_n3A_465 {strides = array<i32>} : memref<512xi32, #tpu.memory_space<vmem>>, vector<16xi32>,
    %reduce_sum3A_468 = arith.constant true
    %reduce_sum3A_469 = vector.broadcast %reduce_sum3A_468 : i1 to vector<16xi1>
    %reduce_sum3A_470 = tpu.scan <sum>, %get3A_453 masked %reduce_sum3A_469 : vector<16xi32>, vector<16xi1> -> vector<16xi32>
    %reduce_sum3A_471 = vector.extract %reduce_sum3A_470[15] : i32 from vector<16xi32>
    %add3A_472 = arith.addi %reduce_sum3A_449, %reduce_sum3A_471 : i32
    %get3A_473 = arith.constant 16 : index
    %get3A_474 = tpu.vector_load %arg8[%get3A_473] {strides = array<i32>} : memref<512xi32, #tpu.memory_space<vmem>>, vector<16xi32>,
    %get3A_475 = arith.constant 16 : index
    %get3A_476 = tpu.vector_load %arg11[%get3A_475] {strides = array<i32>} : memref<512xi32, #tpu.memory_space<vmem>>, vector<16xi32>,
    %broadcast_in_dim3A_477 = arith.constant true
    %broadcast_in_dim3A_478 = vector.broadcast %broadcast_in_dim3A_477 : i1 to vector<16xi1>
    %masked_cumsum3A_479 = tpu.scan <sum>, %get3A_476 masked %broadcast_in_dim3A_478 : vector<16xi32>, vector<16xi1> -> vector<16xi32>
    %add3A_480 = vector.broadcast %add3A_472 : i32 to vector<16xi32>
    %add3A_481 = arith.addi %add3A_480, %masked_cumsum3A_479 : vector<16xi32>
    %sub3A_482 = arith.subi %add3A_481, %get3A_476 : vector<16xi32>
    %gather3A_483 = tpu.vector_load_idx %arg10[%get3A_474] : memref<8192xi32, #tpu.memory_space<vmem>>[vector<16xi32>], vector<16xi32>,
    %eq3A_484 = arith.constant 0 : i32
    %eq3A_485 = vector.broadcast %eq3A_484 : i32 to vector<16xi32>
    %eq3A_486 = arith.cmpi eq, %get3A_476, %eq3A_485 : vector<16xi32>
    %add3A_487 = arith.constant 6144 : i32
    %add3A_488 = vector.broadcast %add3A_487 : i32 to vector<16xi32>
    %add3A_489 = arith.addi %add3A_488, %gather3A_483 : vector<16xi32>
    %select_n3A_490 = arith.select %eq3A_486, %add3A_489, %sub3A_482 : vector<16xi1>, vector<16xi32>
    %swap3A_491 = arith.constant 16 : index
    %swap3A_492 = tpu.vector_load %arg12[%swap3A_491] {strides = array<i32>} : memref<512xi32, #tpu.memory_space<vmem>>, vector<16xi32>,
    tpu.vector_store %arg12[%swap3A_491], %select_n3A_490 {strides = array<i32>} : memref<512xi32, #tpu.memory_space<vmem>>, vector<16xi32>,
    %reduce_sum3A_493 = arith.constant true
    %reduce_sum3A_494 = vector.broadcast %reduce_sum3A_493 : i1 to vector<16xi1>
    %reduce_sum3A_495 = tpu.scan <sum>, %get3A_476 masked %reduce_sum3A_494 : vector<16xi32>, vector<16xi1> -> vector<16xi32>
    %reduce_sum3A_496 = vector.extract %reduce_sum3A_495[15] : i32 from vector<16xi32>
    %add3A_497 = arith.addi %add3A_472, %reduce_sum3A_496 : i32
    %get3A_498 = arith.constant 32 : index
    %get3A_499 = tpu.vector_load %arg8[%get3A_498] {strides = array<i32>} : memref<512xi32, #tpu.memory_space<vmem>>, vector<16xi32>,
    %get3A_500 = arith.constant 32 : index
    %get3A_501 = tpu.vector_load %arg11[%get3A_500] {strides = array<i32>} : memref<512xi32, #tpu.memory_space<vmem>>, vector<16xi32>,
    %broadcast_in_dim3A_502 = arith.constant true
    %broadcast_in_dim3A_503 = vector.broadcast %broadcast_in_dim3A_502 : i1 to vector<16xi1>
    %masked_cumsum3A_504 = tpu.scan <sum>, %get3A_501 masked %broadcast_in_dim3A_503 : vector<16xi32>, vector<16xi1> -> vector<16xi32>
    %add3A_505 = vector.broadcast %add3A_497 : i32 to vector<16xi32>
    %add3A_506 = arith.addi %add3A_505, %masked_cumsum3A_504 : vector<16xi32>
    %sub3A_507 = arith.subi %add3A_506, %get3A_501 : vector<16xi32>
    %gather3A_508 = tpu.vector_load_idx %arg10[%get3A_499] : memref<8192xi32, #tpu.memory_space<vmem>>[vector<16xi32>], vector<16xi32>,
    %eq3A_509 = arith.constant 0 : i32
    %eq3A_510 = vector.broadcast %eq3A_509 : i32 to vector<16xi32>
    %eq3A_511 = arith.cmpi eq, %get3A_501, %eq3A_510 : vector<16xi32>
    %add3A_512 = arith.constant 6144 : i32
    %add3A_513 = vector.broadcast %add3A_512 : i32 to vector<16xi32>
    %add3A_514 = arith.addi %add3A_513, %gather3A_508 : vector<16xi32>
    %select_n3A_515 = arith.select %eq3A_511, %add3A_514, %sub3A_507 : vector<16xi1>, vector<16xi32>
    %swap3A_516 = arith.constant 32 : index
    %swap3A_517 = tpu.vector_load %arg12[%swap3A_516] {strides = array<i32>} : memref<512xi32, #tpu.memory_space<vmem>>, vector<16xi32>,
    tpu.vector_store %arg12[%swap3A_516], %select_n3A_515 {strides = array<i32>} : memref<512xi32, #tpu.memory_space<vmem>>, vector<16xi32>,
    %reduce_sum3A_518 = arith.constant true
    %reduce_sum3A_519 = vector.broadcast %reduce_sum3A_518 : i1 to vector<16xi1>
    %reduce_sum3A_520 = tpu.scan <sum>, %get3A_501 masked %reduce_sum3A_519 : vector<16xi32>, vector<16xi1> -> vector<16xi32>
    %reduce_sum3A_521 = vector.extract %reduce_sum3A_520[15] : i32 from vector<16xi32>
    %add3A_522 = arith.addi %add3A_497, %reduce_sum3A_521 : i32
    %get3A_523 = arith.constant 48 : index
    %get3A_524 = tpu.vector_load %arg8[%get3A_523] {strides = array<i32>} : memref<512xi32, #tpu.memory_space<vmem>>, vector<16xi32>,
    %get3A_525 = arith.constant 48 : index
    %get3A_526 = tpu.vector_load %arg11[%get3A_525] {strides = array<i32>} : memref<512xi32, #tpu.memory_space<vmem>>, vector<16xi32>,
    %broadcast_in_dim3A_527 = arith.constant true
    %broadcast_in_dim3A_528 = vector.broadcast %broadcast_in_dim3A_527 : i1 to vector<16xi1>
    %masked_cumsum3A_529 = tpu.scan <sum>, %get3A_526 masked %broadcast_in_dim3A_528 : vector<16xi32>, vector<16xi1> -> vector<16xi32>
    %add3A_530 = vector.broadcast %add3A_522 : i32 to vector<16xi32>
    %add3A_531 = arith.addi %add3A_530, %masked_cumsum3A_529 : vector<16xi32>
    %sub3A_532 = arith.subi %add3A_531, %get3A_526 : vector<16xi32>
    %gather3A_533 = tpu.vector_load_idx %arg10[%get3A_524] : memref<8192xi32, #tpu.memory_space<vmem>>[vector<16xi32>], vector<16xi32>,
    %eq3A_534 = arith.constant 0 : i32
    %eq3A_535 = vector.broadcast %eq3A_534 : i32 to vector<16xi32>
    %eq3A_536 = arith.cmpi eq, %get3A_526, %eq3A_535 : vector<16xi32>
    %add3A_537 = arith.constant 6144 : i32
    %add3A_538 = vector.broadcast %add3A_537 : i32 to vector<16xi32>
    %add3A_539 = arith.addi %add3A_538, %gather3A_533 : vector<16xi32>
    %select_n3A_540 = arith.select %eq3A_536, %add3A_539, %sub3A_532 : vector<16xi1>, vector<16xi32>
    %swap3A_541 = arith.constant 48 : index
    %swap3A_542 = tpu.vector_load %arg12[%swap3A_541] {strides = array<i32>} : memref<512xi32, #tpu.memory_space<vmem>>, vector<16xi32>,
    tpu.vector_store %arg12[%swap3A_541], %select_n3A_540 {strides = array<i32>} : memref<512xi32, #tpu.memory_space<vmem>>, vector<16xi32>,
    %reduce_sum3A_543 = arith.constant true
    %reduce_sum3A_544 = vector.broadcast %reduce_sum3A_543 : i1 to vector<16xi1>
    %reduce_sum3A_545 = tpu.scan <sum>, %get3A_526 masked %reduce_sum3A_544 : vector<16xi32>, vector<16xi1> -> vector<16xi32>
    %reduce_sum3A_546 = vector.extract %reduce_sum3A_545[15] : i32 from vector<16xi32>
    %add3A_547 = arith.addi %add3A_522, %reduce_sum3A_546 : i32
    %get3A_548 = arith.constant 64 : index
    %get3A_549 = tpu.vector_load %arg8[%get3A_548] {strides = array<i32>} : memref<512xi32, #tpu.memory_space<vmem>>, vector<16xi32>,
    %get3A_550 = arith.constant 64 : index
    %get3A_551 = tpu.vector_load %arg11[%get3A_550] {strides = array<i32>} : memref<512xi32, #tpu.memory_space<vmem>>, vector<16xi32>,
    %broadcast_in_dim3A_552 = arith.constant true
    %broadcast_in_dim3A_553 = vector.broadcast %broadcast_in_dim3A_552 : i1 to vector<16xi1>
    %masked_cumsum3A_554 = tpu.scan <sum>, %get3A_551 masked %broadcast_in_dim3A_553 : vector<16xi32>, vector<16xi1> -> vector<16xi32>
    %add3A_555 = vector.broadcast %add3A_547 : i32 to vector<16xi32>
    %add3A_556 = arith.addi %add3A_555, %masked_cumsum3A_554 : vector<16xi32>
    %sub3A_557 = arith.subi %add3A_556, %get3A_551 : vector<16xi32>
    %gather3A_558 = tpu.vector_load_idx %arg10[%get3A_549] : memref<8192xi32, #tpu.memory_space<vmem>>[vector<16xi32>], vector<16xi32>,
    %eq3A_559 = arith.constant 0 : i32
    %eq3A_560 = vector.broadcast %eq3A_559 : i32 to vector<16xi32>
    %eq3A_561 = arith.cmpi eq, %get3A_551, %eq3A_560 : vector<16xi32>
    %add3A_562 = arith.constant 6144 : i32
    %add3A_563 = vector.broadcast %add3A_562 : i32 to vector<16xi32>
    %add3A_564 = arith.addi %add3A_563, %gather3A_558 : vector<16xi32>
    %select_n3A_565 = arith.select %eq3A_561, %add3A_564, %sub3A_557 : vector<16xi1>, vector<16xi32>
    %swap3A_566 = arith.constant 64 : index
    %swap3A_567 = tpu.vector_load %arg12[%swap3A_566] {strides = array<i32>} : memref<512xi32, #tpu.memory_space<vmem>>, vector<16xi32>,
    tpu.vector_store %arg12[%swap3A_566], %select_n3A_565 {strides = array<i32>} : memref<512xi32, #tpu.memory_space<vmem>>, vector<16xi32>,
    %reduce_sum3A_568 = arith.constant true
    %reduce_sum3A_569 = vector.broadcast %reduce_sum3A_568 : i1 to vector<16xi1>
    %reduce_sum3A_570 = tpu.scan <sum>, %get3A_551 masked %reduce_sum3A_569 : vector<16xi32>, vector<16xi1> -> vector<16xi32>
    %reduce_sum3A_571 = vector.extract %reduce_sum3A_570[15] : i32 from vector<16xi32>
    %add3A_572 = arith.addi %add3A_547, %reduce_sum3A_571 : i32
    %get3A_573 = arith.constant 80 : index
    %get3A_574 = tpu.vector_load %arg8[%get3A_573] {strides = array<i32>} : memref<512xi32, #tpu.memory_space<vmem>>, vector<16xi32>,
    %get3A_575 = arith.constant 80 : index
    %get3A_576 = tpu.vector_load %arg11[%get3A_575] {strides = array<i32>} : memref<512xi32, #tpu.memory_space<vmem>>, vector<16xi32>,
    %broadcast_in_dim3A_577 = arith.constant true
    %broadcast_in_dim3A_578 = vector.broadcast %broadcast_in_dim3A_577 : i1 to vector<16xi1>
    %masked_cumsum3A_579 = tpu.scan <sum>, %get3A_576 masked %broadcast_in_dim3A_578 : vector<16xi32>, vector<16xi1> -> vector<16xi32>
    %add3A_580 = vector.broadcast %add3A_572 : i32 to vector<16xi32>
    %add3A_581 = arith.addi %add3A_580, %masked_cumsum3A_579 : vector<16xi32>
    %sub3A_582 = arith.subi %add3A_581, %get3A_576 : vector<16xi32>
    %gather3A_583 = tpu.vector_load_idx %arg10[%get3A_574] : memref<8192xi32, #tpu.memory_space<vmem>>[vector<16xi32>], vector<16xi32>,
    %eq3A_584 = arith.constant 0 : i32
    %eq3A_585 = vector.broadcast %eq3A_584 : i32 to vector<16xi32>
    %eq3A_586 = arith.cmpi eq, %get3A_576, %eq3A_585 : vector<16xi32>
    %add3A_587 = arith.constant 6144 : i32
    %add3A_588 = vector.broadcast %add3A_587 : i32 to vector<16xi32>
    %add3A_589 = arith.addi %add3A_588, %gather3A_583 : vector<16xi32>
    %select_n3A_590 = arith.select %eq3A_586, %add3A_589, %sub3A_582 : vector<16xi1>, vector<16xi32>
    %swap3A_591 = arith.constant 80 : index
    %swap3A_592 = tpu.vector_load %arg12[%swap3A_591] {strides = array<i32>} : memref<512xi32, #tpu.memory_space<vmem>>, vector<16xi32>,
    tpu.vector_store %arg12[%swap3A_591], %select_n3A_590 {strides = array<i32>} : memref<512xi32, #tpu.memory_space<vmem>>, vector<16xi32>,
    %reduce_sum3A_593 = arith.constant true
    %reduce_sum3A_594 = vector.broadcast %reduce_sum3A_593 : i1 to vector<16xi1>
    %reduce_sum3A_595 = tpu.scan <sum>, %get3A_576 masked %reduce_sum3A_594 : vector<16xi32>, vector<16xi1> -> vector<16xi32>
    %reduce_sum3A_596 = vector.extract %reduce_sum3A_595[15] : i32 from vector<16xi32>
    %add3A_597 = arith.addi %add3A_572, %reduce_sum3A_596 : i32
    %get3A_598 = arith.constant 96 : index
    %get3A_599 = tpu.vector_load %arg8[%get3A_598] {strides = array<i32>} : memref<512xi32, #tpu.memory_space<vmem>>, vector<16xi32>,
    %get3A_600 = arith.constant 96 : index
    %get3A_601 = tpu.vector_load %arg11[%get3A_600] {strides = array<i32>} : memref<512xi32, #tpu.memory_space<vmem>>, vector<16xi32>,
    %broadcast_in_dim3A_602 = arith.constant true
    %broadcast_in_dim3A_603 = vector.broadcast %broadcast_in_dim3A_602 : i1 to vector<16xi1>
    %masked_cumsum3A_604 = tpu.scan <sum>, %get3A_601 masked %broadcast_in_dim3A_603 : vector<16xi32>, vector<16xi1> -> vector<16xi32>
    %add3A_605 = vector.broadcast %add3A_597 : i32 to vector<16xi32>
    %add3A_606 = arith.addi %add3A_605, %masked_cumsum3A_604 : vector<16xi32>
    %sub3A_607 = arith.subi %add3A_606, %get3A_601 : vector<16xi32>
    %gather3A_608 = tpu.vector_load_idx %arg10[%get3A_599] : memref<8192xi32, #tpu.memory_space<vmem>>[vector<16xi32>], vector<16xi32>,
    %eq3A_609 = arith.constant 0 : i32
    %eq3A_610 = vector.broadcast %eq3A_609 : i32 to vector<16xi32>
    %eq3A_611 = arith.cmpi eq, %get3A_601, %eq3A_610 : vector<16xi32>
    %add3A_612 = arith.constant 6144 : i32
    %add3A_613 = vector.broadcast %add3A_612 : i32 to vector<16xi32>
    %add3A_614 = arith.addi %add3A_613, %gather3A_608 : vector<16xi32>
    %select_n3A_615 = arith.select %eq3A_611, %add3A_614, %sub3A_607 : vector<16xi1>, vector<16xi32>
    %swap3A_616 = arith.constant 96 : index
    %swap3A_617 = tpu.vector_load %arg12[%swap3A_616] {strides = array<i32>} : memref<512xi32, #tpu.memory_space<vmem>>, vector<16xi32>,
    tpu.vector_store %arg12[%swap3A_616], %select_n3A_615 {strides = array<i32>} : memref<512xi32, #tpu.memory_space<vmem>>, vector<16xi32>,
    %reduce_sum3A_618 = arith.constant true
    %reduce_sum3A_619 = vector.broadcast %reduce_sum3A_618 : i1 to vector<16xi1>
    %reduce_sum3A_620 = tpu.scan <sum>, %get3A_601 masked %reduce_sum3A_619 : vector<16xi32>, vector<16xi1> -> vector<16xi32>
    %reduce_sum3A_621 = vector.extract %reduce_sum3A_620[15] : i32 from vector<16xi32>
    %add3A_622 = arith.addi %add3A_597, %reduce_sum3A_621 : i32
    %get3A_623 = arith.constant 112 : index
    %get3A_624 = tpu.vector_load %arg8[%get3A_623] {strides = array<i32>} : memref<512xi32, #tpu.memory_space<vmem>>, vector<16xi32>,
    %get3A_625 = arith.constant 112 : index
    %get3A_626 = tpu.vector_load %arg11[%get3A_625] {strides = array<i32>} : memref<512xi32, #tpu.memory_space<vmem>>, vector<16xi32>,
    %broadcast_in_dim3A_627 = arith.constant true
    %broadcast_in_dim3A_628 = vector.broadcast %broadcast_in_dim3A_627 : i1 to vector<16xi1>
    %masked_cumsum3A_629 = tpu.scan <sum>, %get3A_626 masked %broadcast_in_dim3A_628 : vector<16xi32>, vector<16xi1> -> vector<16xi32>
    %add3A_630 = vector.broadcast %add3A_622 : i32 to vector<16xi32>
    %add3A_631 = arith.addi %add3A_630, %masked_cumsum3A_629 : vector<16xi32>
    %sub3A_632 = arith.subi %add3A_631, %get3A_626 : vector<16xi32>
    %gather3A_633 = tpu.vector_load_idx %arg10[%get3A_624] : memref<8192xi32, #tpu.memory_space<vmem>>[vector<16xi32>], vector<16xi32>,
    %eq3A_634 = arith.constant 0 : i32
    %eq3A_635 = vector.broadcast %eq3A_634 : i32 to vector<16xi32>
    %eq3A_636 = arith.cmpi eq, %get3A_626, %eq3A_635 : vector<16xi32>
    %add3A_637 = arith.constant 6144 : i32
    %add3A_638 = vector.broadcast %add3A_637 : i32 to vector<16xi32>
    %add3A_639 = arith.addi %add3A_638, %gather3A_633 : vector<16xi32>
    %select_n3A_640 = arith.select %eq3A_636, %add3A_639, %sub3A_632 : vector<16xi1>, vector<16xi32>
    %swap3A_641 = arith.constant 112 : index
    %swap3A_642 = tpu.vector_load %arg12[%swap3A_641] {strides = array<i32>} : memref<512xi32, #tpu.memory_space<vmem>>, vector<16xi32>,
    tpu.vector_store %arg12[%swap3A_641], %select_n3A_640 {strides = array<i32>} : memref<512xi32, #tpu.memory_space<vmem>>, vector<16xi32>,
    %reduce_sum3A_643 = arith.constant true
    %reduce_sum3A_644 = vector.broadcast %reduce_sum3A_643 : i1 to vector<16xi1>
    %reduce_sum3A_645 = tpu.scan <sum>, %get3A_626 masked %reduce_sum3A_644 : vector<16xi32>, vector<16xi1> -> vector<16xi32>
    %reduce_sum3A_646 = vector.extract %reduce_sum3A_645[15] : i32 from vector<16xi32>
    %add3A_647 = arith.addi %add3A_622, %reduce_sum3A_646 : i32
    %get3A_648 = arith.constant 128 : index
    %get3A_649 = tpu.vector_load %arg8[%get3A_648] {strides = array<i32>} : memref<512xi32, #tpu.memory_space<vmem>>, vector<16xi32>,
    %get3A_650 = arith.constant 128 : index
    %get3A_651 = tpu.vector_load %arg11[%get3A_650] {strides = array<i32>} : memref<512xi32, #tpu.memory_space<vmem>>, vector<16xi32>,
    %broadcast_in_dim3A_652 = arith.constant true
    %broadcast_in_dim3A_653 = vector.broadcast %broadcast_in_dim3A_652 : i1 to vector<16xi1>
    %masked_cumsum3A_654 = tpu.scan <sum>, %get3A_651 masked %broadcast_in_dim3A_653 : vector<16xi32>, vector<16xi1> -> vector<16xi32>
    %add3A_655 = vector.broadcast %add3A_647 : i32 to vector<16xi32>
    %add3A_656 = arith.addi %add3A_655, %masked_cumsum3A_654 : vector<16xi32>
    %sub3A_657 = arith.subi %add3A_656, %get3A_651 : vector<16xi32>
    %gather3A_658 = tpu.vector_load_idx %arg10[%get3A_649] : memref<8192xi32, #tpu.memory_space<vmem>>[vector<16xi32>], vector<16xi32>,
    %eq3A_659 = arith.constant 0 : i32
    %eq3A_660 = vector.broadcast %eq3A_659 : i32 to vector<16xi32>
    %eq3A_661 = arith.cmpi eq, %get3A_651, %eq3A_660 : vector<16xi32>
    %add3A_662 = arith.constant 6144 : i32
    %add3A_663 = vector.broadcast %add3A_662 : i32 to vector<16xi32>
    %add3A_664 = arith.addi %add3A_663, %gather3A_658 : vector<16xi32>
    %select_n3A_665 = arith.select %eq3A_661, %add3A_664, %sub3A_657 : vector<16xi1>, vector<16xi32>
    %swap3A_666 = arith.constant 128 : index
    %swap3A_667 = tpu.vector_load %arg12[%swap3A_666] {strides = array<i32>} : memref<512xi32, #tpu.memory_space<vmem>>, vector<16xi32>,
    tpu.vector_store %arg12[%swap3A_666], %select_n3A_665 {strides = array<i32>} : memref<512xi32, #tpu.memory_space<vmem>>, vector<16xi32>,
    %reduce_sum3A_668 = arith.constant true
    %reduce_sum3A_669 = vector.broadcast %reduce_sum3A_668 : i1 to vector<16xi1>
    %reduce_sum3A_670 = tpu.scan <sum>, %get3A_651 masked %reduce_sum3A_669 : vector<16xi32>, vector<16xi1> -> vector<16xi32>
    %reduce_sum3A_671 = vector.extract %reduce_sum3A_670[15] : i32 from vector<16xi32>
    %add3A_672 = arith.addi %add3A_647, %reduce_sum3A_671 : i32
    %get3A_673 = arith.constant 144 : index
    %get3A_674 = tpu.vector_load %arg8[%get3A_673] {strides = array<i32>} : memref<512xi32, #tpu.memory_space<vmem>>, vector<16xi32>,
    %get3A_675 = arith.constant 144 : index
    %get3A_676 = tpu.vector_load %arg11[%get3A_675] {strides = array<i32>} : memref<512xi32, #tpu.memory_space<vmem>>, vector<16xi32>,
    %broadcast_in_dim3A_677 = arith.constant true
    %broadcast_in_dim3A_678 = vector.broadcast %broadcast_in_dim3A_677 : i1 to vector<16xi1>
    %masked_cumsum3A_679 = tpu.scan <sum>, %get3A_676 masked %broadcast_in_dim3A_678 : vector<16xi32>, vector<16xi1> -> vector<16xi32>
    %add3A_680 = vector.broadcast %add3A_672 : i32 to vector<16xi32>
    %add3A_681 = arith.addi %add3A_680, %masked_cumsum3A_679 : vector<16xi32>
    %sub3A_682 = arith.subi %add3A_681, %get3A_676 : vector<16xi32>
    %gather3A_683 = tpu.vector_load_idx %arg10[%get3A_674] : memref<8192xi32, #tpu.memory_space<vmem>>[vector<16xi32>], vector<16xi32>,
    %eq3A_684 = arith.constant 0 : i32
    %eq3A_685 = vector.broadcast %eq3A_684 : i32 to vector<16xi32>
    %eq3A_686 = arith.cmpi eq, %get3A_676, %eq3A_685 : vector<16xi32>
    %add3A_687 = arith.constant 6144 : i32
    %add3A_688 = vector.broadcast %add3A_687 : i32 to vector<16xi32>
    %add3A_689 = arith.addi %add3A_688, %gather3A_683 : vector<16xi32>
    %select_n3A_690 = arith.select %eq3A_686, %add3A_689, %sub3A_682 : vector<16xi1>, vector<16xi32>
    %swap3A_691 = arith.constant 144 : index
    %swap3A_692 = tpu.vector_load %arg12[%swap3A_691] {strides = array<i32>} : memref<512xi32, #tpu.memory_space<vmem>>, vector<16xi32>,
    tpu.vector_store %arg12[%swap3A_691], %select_n3A_690 {strides = array<i32>} : memref<512xi32, #tpu.memory_space<vmem>>, vector<16xi32>,
    %reduce_sum3A_693 = arith.constant true
    %reduce_sum3A_694 = vector.broadcast %reduce_sum3A_693 : i1 to vector<16xi1>
    %reduce_sum3A_695 = tpu.scan <sum>, %get3A_676 masked %reduce_sum3A_694 : vector<16xi32>, vector<16xi1> -> vector<16xi32>
    %reduce_sum3A_696 = vector.extract %reduce_sum3A_695[15] : i32 from vector<16xi32>
    %add3A_697 = arith.addi %add3A_672, %reduce_sum3A_696 : i32
    %get3A_698 = arith.constant 160 : index
    %get3A_699 = tpu.vector_load %arg8[%get3A_698] {strides = array<i32>} : memref<512xi32, #tpu.memory_space<vmem>>, vector<16xi32>,
    %get3A_700 = arith.constant 160 : index
    %get3A_701 = tpu.vector_load %arg11[%get3A_700] {strides = array<i32>} : memref<512xi32, #tpu.memory_space<vmem>>, vector<16xi32>,
    %broadcast_in_dim3A_702 = arith.constant true
    %broadcast_in_dim3A_703 = vector.broadcast %broadcast_in_dim3A_702 : i1 to vector<16xi1>
    %masked_cumsum3A_704 = tpu.scan <sum>, %get3A_701 masked %broadcast_in_dim3A_703 : vector<16xi32>, vector<16xi1> -> vector<16xi32>
    %add3A_705 = vector.broadcast %add3A_697 : i32 to vector<16xi32>
    %add3A_706 = arith.addi %add3A_705, %masked_cumsum3A_704 : vector<16xi32>
    %sub3A_707 = arith.subi %add3A_706, %get3A_701 : vector<16xi32>
    %gather3A_708 = tpu.vector_load_idx %arg10[%get3A_699] : memref<8192xi32, #tpu.memory_space<vmem>>[vector<16xi32>], vector<16xi32>,
    %eq3A_709 = arith.constant 0 : i32
    %eq3A_710 = vector.broadcast %eq3A_709 : i32 to vector<16xi32>
    %eq3A_711 = arith.cmpi eq, %get3A_701, %eq3A_710 : vector<16xi32>
    %add3A_712 = arith.constant 6144 : i32
    %add3A_713 = vector.broadcast %add3A_712 : i32 to vector<16xi32>
    %add3A_714 = arith.addi %add3A_713, %gather3A_708 : vector<16xi32>
    %select_n3A_715 = arith.select %eq3A_711, %add3A_714, %sub3A_707 : vector<16xi1>, vector<16xi32>
    %swap3A_716 = arith.constant 160 : index
    %swap3A_717 = tpu.vector_load %arg12[%swap3A_716] {strides = array<i32>} : memref<512xi32, #tpu.memory_space<vmem>>, vector<16xi32>,
    tpu.vector_store %arg12[%swap3A_716], %select_n3A_715 {strides = array<i32>} : memref<512xi32, #tpu.memory_space<vmem>>, vector<16xi32>,
    %reduce_sum3A_718 = arith.constant true
    %reduce_sum3A_719 = vector.broadcast %reduce_sum3A_718 : i1 to vector<16xi1>
    %reduce_sum3A_720 = tpu.scan <sum>, %get3A_701 masked %reduce_sum3A_719 : vector<16xi32>, vector<16xi1> -> vector<16xi32>
    %reduce_sum3A_721 = vector.extract %reduce_sum3A_720[15] : i32 from vector<16xi32>
    %add3A_722 = arith.addi %add3A_697, %reduce_sum3A_721 : i32
    %get3A_723 = arith.constant 176 : index
    %get3A_724 = tpu.vector_load %arg8[%get3A_723] {strides = array<i32>} : memref<512xi32, #tpu.memory_space<vmem>>, vector<16xi32>,
    %get3A_725 = arith.constant 176 : index
    %get3A_726 = tpu.vector_load %arg11[%get3A_725] {strides = array<i32>} : memref<512xi32, #tpu.memory_space<vmem>>, vector<16xi32>,
    %broadcast_in_dim3A_727 = arith.constant true
    %broadcast_in_dim3A_728 = vector.broadcast %broadcast_in_dim3A_727 : i1 to vector<16xi1>
    %masked_cumsum3A_729 = tpu.scan <sum>, %get3A_726 masked %broadcast_in_dim3A_728 : vector<16xi32>, vector<16xi1> -> vector<16xi32>
    %add3A_730 = vector.broadcast %add3A_722 : i32 to vector<16xi32>
    %add3A_731 = arith.addi %add3A_730, %masked_cumsum3A_729 : vector<16xi32>
    %sub3A_732 = arith.subi %add3A_731, %get3A_726 : vector<16xi32>
    %gather3A_733 = tpu.vector_load_idx %arg10[%get3A_724] : memref<8192xi32, #tpu.memory_space<vmem>>[vector<16xi32>], vector<16xi32>,
    %eq3A_734 = arith.constant 0 : i32
    %eq3A_735 = vector.broadcast %eq3A_734 : i32 to vector<16xi32>
    %eq3A_736 = arith.cmpi eq, %get3A_726, %eq3A_735 : vector<16xi32>
    %add3A_737 = arith.constant 6144 : i32
    %add3A_738 = vector.broadcast %add3A_737 : i32 to vector<16xi32>
    %add3A_739 = arith.addi %add3A_738, %gather3A_733 : vector<16xi32>
    %select_n3A_740 = arith.select %eq3A_736, %add3A_739, %sub3A_732 : vector<16xi1>, vector<16xi32>
    %swap3A_741 = arith.constant 176 : index
    %swap3A_742 = tpu.vector_load %arg12[%swap3A_741] {strides = array<i32>} : memref<512xi32, #tpu.memory_space<vmem>>, vector<16xi32>,
    tpu.vector_store %arg12[%swap3A_741], %select_n3A_740 {strides = array<i32>} : memref<512xi32, #tpu.memory_space<vmem>>, vector<16xi32>,
    %reduce_sum3A_743 = arith.constant true
    %reduce_sum3A_744 = vector.broadcast %reduce_sum3A_743 : i1 to vector<16xi1>
    %reduce_sum3A_745 = tpu.scan <sum>, %get3A_726 masked %reduce_sum3A_744 : vector<16xi32>, vector<16xi1> -> vector<16xi32>
    %reduce_sum3A_746 = vector.extract %reduce_sum3A_745[15] : i32 from vector<16xi32>
    %add3A_747 = arith.addi %add3A_722, %reduce_sum3A_746 : i32
    %get3A_748 = arith.constant 192 : index
    %get3A_749 = tpu.vector_load %arg8[%get3A_748] {strides = array<i32>} : memref<512xi32, #tpu.memory_space<vmem>>, vector<16xi32>,
    %get3A_750 = arith.constant 192 : index
    %get3A_751 = tpu.vector_load %arg11[%get3A_750] {strides = array<i32>} : memref<512xi32, #tpu.memory_space<vmem>>, vector<16xi32>,
    %broadcast_in_dim3A_752 = arith.constant true
    %broadcast_in_dim3A_753 = vector.broadcast %broadcast_in_dim3A_752 : i1 to vector<16xi1>
    %masked_cumsum3A_754 = tpu.scan <sum>, %get3A_751 masked %broadcast_in_dim3A_753 : vector<16xi32>, vector<16xi1> -> vector<16xi32>
    %add3A_755 = vector.broadcast %add3A_747 : i32 to vector<16xi32>
    %add3A_756 = arith.addi %add3A_755, %masked_cumsum3A_754 : vector<16xi32>
    %sub3A_757 = arith.subi %add3A_756, %get3A_751 : vector<16xi32>
    %gather3A_758 = tpu.vector_load_idx %arg10[%get3A_749] : memref<8192xi32, #tpu.memory_space<vmem>>[vector<16xi32>], vector<16xi32>,
    %eq3A_759 = arith.constant 0 : i32
    %eq3A_760 = vector.broadcast %eq3A_759 : i32 to vector<16xi32>
    %eq3A_761 = arith.cmpi eq, %get3A_751, %eq3A_760 : vector<16xi32>
    %add3A_762 = arith.constant 6144 : i32
    %add3A_763 = vector.broadcast %add3A_762 : i32 to vector<16xi32>
    %add3A_764 = arith.addi %add3A_763, %gather3A_758 : vector<16xi32>
    %select_n3A_765 = arith.select %eq3A_761, %add3A_764, %sub3A_757 : vector<16xi1>, vector<16xi32>
    %swap3A_766 = arith.constant 192 : index
    %swap3A_767 = tpu.vector_load %arg12[%swap3A_766] {strides = array<i32>} : memref<512xi32, #tpu.memory_space<vmem>>, vector<16xi32>,
    tpu.vector_store %arg12[%swap3A_766], %select_n3A_765 {strides = array<i32>} : memref<512xi32, #tpu.memory_space<vmem>>, vector<16xi32>,
    %reduce_sum3A_768 = arith.constant true
    %reduce_sum3A_769 = vector.broadcast %reduce_sum3A_768 : i1 to vector<16xi1>
    %reduce_sum3A_770 = tpu.scan <sum>, %get3A_751 masked %reduce_sum3A_769 : vector<16xi32>, vector<16xi1> -> vector<16xi32>
    %reduce_sum3A_771 = vector.extract %reduce_sum3A_770[15] : i32 from vector<16xi32>
    %add3A_772 = arith.addi %add3A_747, %reduce_sum3A_771 : i32
    %get3A_773 = arith.constant 208 : index
    %get3A_774 = tpu.vector_load %arg8[%get3A_773] {strides = array<i32>} : memref<512xi32, #tpu.memory_space<vmem>>, vector<16xi32>,
    %get3A_775 = arith.constant 208 : index
    %get3A_776 = tpu.vector_load %arg11[%get3A_775] {strides = array<i32>} : memref<512xi32, #tpu.memory_space<vmem>>, vector<16xi32>,
    %broadcast_in_dim3A_777 = arith.constant true
    %broadcast_in_dim3A_778 = vector.broadcast %broadcast_in_dim3A_777 : i1 to vector<16xi1>
    %masked_cumsum3A_779 = tpu.scan <sum>, %get3A_776 masked %broadcast_in_dim3A_778 : vector<16xi32>, vector<16xi1> -> vector<16xi32>
    %add3A_780 = vector.broadcast %add3A_772 : i32 to vector<16xi32>
    %add3A_781 = arith.addi %add3A_780, %masked_cumsum3A_779 : vector<16xi32>
    %sub3A_782 = arith.subi %add3A_781, %get3A_776 : vector<16xi32>
    %gather3A_783 = tpu.vector_load_idx %arg10[%get3A_774] : memref<8192xi32, #tpu.memory_space<vmem>>[vector<16xi32>], vector<16xi32>,
    %eq3A_784 = arith.constant 0 : i32
    %eq3A_785 = vector.broadcast %eq3A_784 : i32 to vector<16xi32>
    %eq3A_786 = arith.cmpi eq, %get3A_776, %eq3A_785 : vector<16xi32>
    %add3A_787 = arith.constant 6144 : i32
    %add3A_788 = vector.broadcast %add3A_787 : i32 to vector<16xi32>
    %add3A_789 = arith.addi %add3A_788, %gather3A_783 : vector<16xi32>
    %select_n3A_790 = arith.select %eq3A_786, %add3A_789, %sub3A_782 : vector<16xi1>, vector<16xi32>
    %swap3A_791 = arith.constant 208 : index
    %swap3A_792 = tpu.vector_load %arg12[%swap3A_791] {strides = array<i32>} : memref<512xi32, #tpu.memory_space<vmem>>, vector<16xi32>,
    tpu.vector_store %arg12[%swap3A_791], %select_n3A_790 {strides = array<i32>} : memref<512xi32, #tpu.memory_space<vmem>>, vector<16xi32>,
    %reduce_sum3A_793 = arith.constant true
    %reduce_sum3A_794 = vector.broadcast %reduce_sum3A_793 : i1 to vector<16xi1>
    %reduce_sum3A_795 = tpu.scan <sum>, %get3A_776 masked %reduce_sum3A_794 : vector<16xi32>, vector<16xi1> -> vector<16xi32>
    %reduce_sum3A_796 = vector.extract %reduce_sum3A_795[15] : i32 from vector<16xi32>
    %add3A_797 = arith.addi %add3A_772, %reduce_sum3A_796 : i32
    %get3A_798 = arith.constant 224 : index
    %get3A_799 = tpu.vector_load %arg8[%get3A_798] {strides = array<i32>} : memref<512xi32, #tpu.memory_space<vmem>>, vector<16xi32>,
    %get3A_800 = arith.constant 224 : index
    %get3A_801 = tpu.vector_load %arg11[%get3A_800] {strides = array<i32>} : memref<512xi32, #tpu.memory_space<vmem>>, vector<16xi32>,
    %broadcast_in_dim3A_802 = arith.constant true
    %broadcast_in_dim3A_803 = vector.broadcast %broadcast_in_dim3A_802 : i1 to vector<16xi1>
    %masked_cumsum3A_804 = tpu.scan <sum>, %get3A_801 masked %broadcast_in_dim3A_803 : vector<16xi32>, vector<16xi1> -> vector<16xi32>
    %add3A_805 = vector.broadcast %add3A_797 : i32 to vector<16xi32>
    %add3A_806 = arith.addi %add3A_805, %masked_cumsum3A_804 : vector<16xi32>
    %sub3A_807 = arith.subi %add3A_806, %get3A_801 : vector<16xi32>
    %gather3A_808 = tpu.vector_load_idx %arg10[%get3A_799] : memref<8192xi32, #tpu.memory_space<vmem>>[vector<16xi32>], vector<16xi32>,
    %eq3A_809 = arith.constant 0 : i32
    %eq3A_810 = vector.broadcast %eq3A_809 : i32 to vector<16xi32>
    %eq3A_811 = arith.cmpi eq, %get3A_801, %eq3A_810 : vector<16xi32>
    %add3A_812 = arith.constant 6144 : i32
    %add3A_813 = vector.broadcast %add3A_812 : i32 to vector<16xi32>
    %add3A_814 = arith.addi %add3A_813, %gather3A_808 : vector<16xi32>
    %select_n3A_815 = arith.select %eq3A_811, %add3A_814, %sub3A_807 : vector<16xi1>, vector<16xi32>
    %swap3A_816 = arith.constant 224 : index
    %swap3A_817 = tpu.vector_load %arg12[%swap3A_816] {strides = array<i32>} : memref<512xi32, #tpu.memory_space<vmem>>, vector<16xi32>,
    tpu.vector_store %arg12[%swap3A_816], %select_n3A_815 {strides = array<i32>} : memref<512xi32, #tpu.memory_space<vmem>>, vector<16xi32>,
    %reduce_sum3A_818 = arith.constant true
    %reduce_sum3A_819 = vector.broadcast %reduce_sum3A_818 : i1 to vector<16xi1>
    %reduce_sum3A_820 = tpu.scan <sum>, %get3A_801 masked %reduce_sum3A_819 : vector<16xi32>, vector<16xi1> -> vector<16xi32>
    %reduce_sum3A_821 = vector.extract %reduce_sum3A_820[15] : i32 from vector<16xi32>
    %add3A_822 = arith.addi %add3A_797, %reduce_sum3A_821 : i32
    %get3A_823 = arith.constant 240 : index
    %get3A_824 = tpu.vector_load %arg8[%get3A_823] {strides = array<i32>} : memref<512xi32, #tpu.memory_space<vmem>>, vector<16xi32>,
    %get3A_825 = arith.constant 240 : index
    %get3A_826 = tpu.vector_load %arg11[%get3A_825] {strides = array<i32>} : memref<512xi32, #tpu.memory_space<vmem>>, vector<16xi32>,
    %broadcast_in_dim3A_827 = arith.constant true
    %broadcast_in_dim3A_828 = vector.broadcast %broadcast_in_dim3A_827 : i1 to vector<16xi1>
    %masked_cumsum3A_829 = tpu.scan <sum>, %get3A_826 masked %broadcast_in_dim3A_828 : vector<16xi32>, vector<16xi1> -> vector<16xi32>
    %add3A_830 = vector.broadcast %add3A_822 : i32 to vector<16xi32>
    %add3A_831 = arith.addi %add3A_830, %masked_cumsum3A_829 : vector<16xi32>
    %sub3A_832 = arith.subi %add3A_831, %get3A_826 : vector<16xi32>
    %gather3A_833 = tpu.vector_load_idx %arg10[%get3A_824] : memref<8192xi32, #tpu.memory_space<vmem>>[vector<16xi32>], vector<16xi32>,
    %eq3A_834 = arith.constant 0 : i32
    %eq3A_835 = vector.broadcast %eq3A_834 : i32 to vector<16xi32>
    %eq3A_836 = arith.cmpi eq, %get3A_826, %eq3A_835 : vector<16xi32>
    %add3A_837 = arith.constant 6144 : i32
    %add3A_838 = vector.broadcast %add3A_837 : i32 to vector<16xi32>
    %add3A_839 = arith.addi %add3A_838, %gather3A_833 : vector<16xi32>
    %select_n3A_840 = arith.select %eq3A_836, %add3A_839, %sub3A_832 : vector<16xi1>, vector<16xi32>
    %swap3A_841 = arith.constant 240 : index
    %swap3A_842 = tpu.vector_load %arg12[%swap3A_841] {strides = array<i32>} : memref<512xi32, #tpu.memory_space<vmem>>, vector<16xi32>,
    tpu.vector_store %arg12[%swap3A_841], %select_n3A_840 {strides = array<i32>} : memref<512xi32, #tpu.memory_space<vmem>>, vector<16xi32>,
    %reduce_sum3A_843 = arith.constant true
    %reduce_sum3A_844 = vector.broadcast %reduce_sum3A_843 : i1 to vector<16xi1>
    %reduce_sum3A_845 = tpu.scan <sum>, %get3A_826 masked %reduce_sum3A_844 : vector<16xi32>, vector<16xi1> -> vector<16xi32>
    %reduce_sum3A_846 = vector.extract %reduce_sum3A_845[15] : i32 from vector<16xi32>
    %add3A_847 = arith.addi %add3A_822, %reduce_sum3A_846 : i32
    %get3A_848 = arith.constant 256 : index
    %get3A_849 = tpu.vector_load %arg8[%get3A_848] {strides = array<i32>} : memref<512xi32, #tpu.memory_space<vmem>>, vector<16xi32>,
    %get3A_850 = arith.constant 256 : index
    %get3A_851 = tpu.vector_load %arg11[%get3A_850] {strides = array<i32>} : memref<512xi32, #tpu.memory_space<vmem>>, vector<16xi32>,
    %broadcast_in_dim3A_852 = arith.constant true
    %broadcast_in_dim3A_853 = vector.broadcast %broadcast_in_dim3A_852 : i1 to vector<16xi1>
    %masked_cumsum3A_854 = tpu.scan <sum>, %get3A_851 masked %broadcast_in_dim3A_853 : vector<16xi32>, vector<16xi1> -> vector<16xi32>
    %add3A_855 = vector.broadcast %add3A_847 : i32 to vector<16xi32>
    %add3A_856 = arith.addi %add3A_855, %masked_cumsum3A_854 : vector<16xi32>
    %sub3A_857 = arith.subi %add3A_856, %get3A_851 : vector<16xi32>
    %gather3A_858 = tpu.vector_load_idx %arg10[%get3A_849] : memref<8192xi32, #tpu.memory_space<vmem>>[vector<16xi32>], vector<16xi32>,
    %eq3A_859 = arith.constant 0 : i32
    %eq3A_860 = vector.broadcast %eq3A_859 : i32 to vector<16xi32>
    %eq3A_861 = arith.cmpi eq, %get3A_851, %eq3A_860 : vector<16xi32>
    %add3A_862 = arith.constant 6144 : i32
    %add3A_863 = vector.broadcast %add3A_862 : i32 to vector<16xi32>
    %add3A_864 = arith.addi %add3A_863, %gather3A_858 : vector<16xi32>
    %select_n3A_865 = arith.select %eq3A_861, %add3A_864, %sub3A_857 : vector<16xi1>, vector<16xi32>
    %swap3A_866 = arith.constant 256 : index
    %swap3A_867 = tpu.vector_load %arg12[%swap3A_866] {strides = array<i32>} : memref<512xi32, #tpu.memory_space<vmem>>, vector<16xi32>,
    tpu.vector_store %arg12[%swap3A_866], %select_n3A_865 {strides = array<i32>} : memref<512xi32, #tpu.memory_space<vmem>>, vector<16xi32>,
    %reduce_sum3A_868 = arith.constant true
    %reduce_sum3A_869 = vector.broadcast %reduce_sum3A_868 : i1 to vector<16xi1>
    %reduce_sum3A_870 = tpu.scan <sum>, %get3A_851 masked %reduce_sum3A_869 : vector<16xi32>, vector<16xi1> -> vector<16xi32>
    %reduce_sum3A_871 = vector.extract %reduce_sum3A_870[15] : i32 from vector<16xi32>
    %add3A_872 = arith.addi %add3A_847, %reduce_sum3A_871 : i32
    %get3A_873 = arith.constant 272 : index
    %get3A_874 = tpu.vector_load %arg8[%get3A_873] {strides = array<i32>} : memref<512xi32, #tpu.memory_space<vmem>>, vector<16xi32>,
    %get3A_875 = arith.constant 272 : index
    %get3A_876 = tpu.vector_load %arg11[%get3A_875] {strides = array<i32>} : memref<512xi32, #tpu.memory_space<vmem>>, vector<16xi32>,
    %broadcast_in_dim3A_877 = arith.constant true
    %broadcast_in_dim3A_878 = vector.broadcast %broadcast_in_dim3A_877 : i1 to vector<16xi1>
    %masked_cumsum3A_879 = tpu.scan <sum>, %get3A_876 masked %broadcast_in_dim3A_878 : vector<16xi32>, vector<16xi1> -> vector<16xi32>
    %add3A_880 = vector.broadcast %add3A_872 : i32 to vector<16xi32>
    %add3A_881 = arith.addi %add3A_880, %masked_cumsum3A_879 : vector<16xi32>
    %sub3A_882 = arith.subi %add3A_881, %get3A_876 : vector<16xi32>
    %gather3A_883 = tpu.vector_load_idx %arg10[%get3A_874] : memref<8192xi32, #tpu.memory_space<vmem>>[vector<16xi32>], vector<16xi32>,
    %eq3A_884 = arith.constant 0 : i32
    %eq3A_885 = vector.broadcast %eq3A_884 : i32 to vector<16xi32>
    %eq3A_886 = arith.cmpi eq, %get3A_876, %eq3A_885 : vector<16xi32>
    %add3A_887 = arith.constant 6144 : i32
    %add3A_888 = vector.broadcast %add3A_887 : i32 to vector<16xi32>
    %add3A_889 = arith.addi %add3A_888, %gather3A_883 : vector<16xi32>
    %select_n3A_890 = arith.select %eq3A_886, %add3A_889, %sub3A_882 : vector<16xi1>, vector<16xi32>
    %swap3A_891 = arith.constant 272 : index
    %swap3A_892 = tpu.vector_load %arg12[%swap3A_891] {strides = array<i32>} : memref<512xi32, #tpu.memory_space<vmem>>, vector<16xi32>,
    tpu.vector_store %arg12[%swap3A_891], %select_n3A_890 {strides = array<i32>} : memref<512xi32, #tpu.memory_space<vmem>>, vector<16xi32>,
    %reduce_sum3A_893 = arith.constant true
    %reduce_sum3A_894 = vector.broadcast %reduce_sum3A_893 : i1 to vector<16xi1>
    %reduce_sum3A_895 = tpu.scan <sum>, %get3A_876 masked %reduce_sum3A_894 : vector<16xi32>, vector<16xi1> -> vector<16xi32>
    %reduce_sum3A_896 = vector.extract %reduce_sum3A_895[15] : i32 from vector<16xi32>
    %add3A_897 = arith.addi %add3A_872, %reduce_sum3A_896 : i32
    %get3A_898 = arith.constant 288 : index
    %get3A_899 = tpu.vector_load %arg8[%get3A_898] {strides = array<i32>} : memref<512xi32, #tpu.memory_space<vmem>>, vector<16xi32>,
    %get3A_900 = arith.constant 288 : index
    %get3A_901 = tpu.vector_load %arg11[%get3A_900] {strides = array<i32>} : memref<512xi32, #tpu.memory_space<vmem>>, vector<16xi32>,
    %broadcast_in_dim3A_902 = arith.constant true
    %broadcast_in_dim3A_903 = vector.broadcast %broadcast_in_dim3A_902 : i1 to vector<16xi1>
    %masked_cumsum3A_904 = tpu.scan <sum>, %get3A_901 masked %broadcast_in_dim3A_903 : vector<16xi32>, vector<16xi1> -> vector<16xi32>
    %add3A_905 = vector.broadcast %add3A_897 : i32 to vector<16xi32>
    %add3A_906 = arith.addi %add3A_905, %masked_cumsum3A_904 : vector<16xi32>
    %sub3A_907 = arith.subi %add3A_906, %get3A_901 : vector<16xi32>
    %gather3A_908 = tpu.vector_load_idx %arg10[%get3A_899] : memref<8192xi32, #tpu.memory_space<vmem>>[vector<16xi32>], vector<16xi32>,
    %eq3A_909 = arith.constant 0 : i32
    %eq3A_910 = vector.broadcast %eq3A_909 : i32 to vector<16xi32>
    %eq3A_911 = arith.cmpi eq, %get3A_901, %eq3A_910 : vector<16xi32>
    %add3A_912 = arith.constant 6144 : i32
    %add3A_913 = vector.broadcast %add3A_912 : i32 to vector<16xi32>
    %add3A_914 = arith.addi %add3A_913, %gather3A_908 : vector<16xi32>
    %select_n3A_915 = arith.select %eq3A_911, %add3A_914, %sub3A_907 : vector<16xi1>, vector<16xi32>
    %swap3A_916 = arith.constant 288 : index
    %swap3A_917 = tpu.vector_load %arg12[%swap3A_916] {strides = array<i32>} : memref<512xi32, #tpu.memory_space<vmem>>, vector<16xi32>,
    tpu.vector_store %arg12[%swap3A_916], %select_n3A_915 {strides = array<i32>} : memref<512xi32, #tpu.memory_space<vmem>>, vector<16xi32>,
    %reduce_sum3A_918 = arith.constant true
    %reduce_sum3A_919 = vector.broadcast %reduce_sum3A_918 : i1 to vector<16xi1>
    %reduce_sum3A_920 = tpu.scan <sum>, %get3A_901 masked %reduce_sum3A_919 : vector<16xi32>, vector<16xi1> -> vector<16xi32>
    %reduce_sum3A_921 = vector.extract %reduce_sum3A_920[15] : i32 from vector<16xi32>
    %add3A_922 = arith.addi %add3A_897, %reduce_sum3A_921 : i32
    %get3A_923 = arith.constant 304 : index
    %get3A_924 = tpu.vector_load %arg8[%get3A_923] {strides = array<i32>} : memref<512xi32, #tpu.memory_space<vmem>>, vector<16xi32>,
    %get3A_925 = arith.constant 304 : index
    %get3A_926 = tpu.vector_load %arg11[%get3A_925] {strides = array<i32>} : memref<512xi32, #tpu.memory_space<vmem>>, vector<16xi32>,
    %broadcast_in_dim3A_927 = arith.constant true
    %broadcast_in_dim3A_928 = vector.broadcast %broadcast_in_dim3A_927 : i1 to vector<16xi1>
    %masked_cumsum3A_929 = tpu.scan <sum>, %get3A_926 masked %broadcast_in_dim3A_928 : vector<16xi32>, vector<16xi1> -> vector<16xi32>
    %add3A_930 = vector.broadcast %add3A_922 : i32 to vector<16xi32>
    %add3A_931 = arith.addi %add3A_930, %masked_cumsum3A_929 : vector<16xi32>
    %sub3A_932 = arith.subi %add3A_931, %get3A_926 : vector<16xi32>
    %gather3A_933 = tpu.vector_load_idx %arg10[%get3A_924] : memref<8192xi32, #tpu.memory_space<vmem>>[vector<16xi32>], vector<16xi32>,
    %eq3A_934 = arith.constant 0 : i32
    %eq3A_935 = vector.broadcast %eq3A_934 : i32 to vector<16xi32>
    %eq3A_936 = arith.cmpi eq, %get3A_926, %eq3A_935 : vector<16xi32>
    %add3A_937 = arith.constant 6144 : i32
    %add3A_938 = vector.broadcast %add3A_937 : i32 to vector<16xi32>
    %add3A_939 = arith.addi %add3A_938, %gather3A_933 : vector<16xi32>
    %select_n3A_940 = arith.select %eq3A_936, %add3A_939, %sub3A_932 : vector<16xi1>, vector<16xi32>
    %swap3A_941 = arith.constant 304 : index
    %swap3A_942 = tpu.vector_load %arg12[%swap3A_941] {strides = array<i32>} : memref<512xi32, #tpu.memory_space<vmem>>, vector<16xi32>,
    tpu.vector_store %arg12[%swap3A_941], %select_n3A_940 {strides = array<i32>} : memref<512xi32, #tpu.memory_space<vmem>>, vector<16xi32>,
    %reduce_sum3A_943 = arith.constant true
    %reduce_sum3A_944 = vector.broadcast %reduce_sum3A_943 : i1 to vector<16xi1>
    %reduce_sum3A_945 = tpu.scan <sum>, %get3A_926 masked %reduce_sum3A_944 : vector<16xi32>, vector<16xi1> -> vector<16xi32>
    %reduce_sum3A_946 = vector.extract %reduce_sum3A_945[15] : i32 from vector<16xi32>
    %add3A_947 = arith.addi %add3A_922, %reduce_sum3A_946 : i32
    %get3A_948 = arith.constant 320 : index
    %get3A_949 = tpu.vector_load %arg8[%get3A_948] {strides = array<i32>} : memref<512xi32, #tpu.memory_space<vmem>>, vector<16xi32>,
    %get3A_950 = arith.constant 320 : index
    %get3A_951 = tpu.vector_load %arg11[%get3A_950] {strides = array<i32>} : memref<512xi32, #tpu.memory_space<vmem>>, vector<16xi32>,
    %broadcast_in_dim3A_952 = arith.constant true
    %broadcast_in_dim3A_953 = vector.broadcast %broadcast_in_dim3A_952 : i1 to vector<16xi1>
    %masked_cumsum3A_954 = tpu.scan <sum>, %get3A_951 masked %broadcast_in_dim3A_953 : vector<16xi32>, vector<16xi1> -> vector<16xi32>
    %add3A_955 = vector.broadcast %add3A_947 : i32 to vector<16xi32>
    %add3A_956 = arith.addi %add3A_955, %masked_cumsum3A_954 : vector<16xi32>
    %sub3A_957 = arith.subi %add3A_956, %get3A_951 : vector<16xi32>
    %gather3A_958 = tpu.vector_load_idx %arg10[%get3A_949] : memref<8192xi32, #tpu.memory_space<vmem>>[vector<16xi32>], vector<16xi32>,
    %eq3A_959 = arith.constant 0 : i32
    %eq3A_960 = vector.broadcast %eq3A_959 : i32 to vector<16xi32>
    %eq3A_961 = arith.cmpi eq, %get3A_951, %eq3A_960 : vector<16xi32>
    %add3A_962 = arith.constant 6144 : i32
    %add3A_963 = vector.broadcast %add3A_962 : i32 to vector<16xi32>
    %add3A_964 = arith.addi %add3A_963, %gather3A_958 : vector<16xi32>
    %select_n3A_965 = arith.select %eq3A_961, %add3A_964, %sub3A_957 : vector<16xi1>, vector<16xi32>
    %swap3A_966 = arith.constant 320 : index
    %swap3A_967 = tpu.vector_load %arg12[%swap3A_966] {strides = array<i32>} : memref<512xi32, #tpu.memory_space<vmem>>, vector<16xi32>,
    tpu.vector_store %arg12[%swap3A_966], %select_n3A_965 {strides = array<i32>} : memref<512xi32, #tpu.memory_space<vmem>>, vector<16xi32>,
    %reduce_sum3A_968 = arith.constant true
    %reduce_sum3A_969 = vector.broadcast %reduce_sum3A_968 : i1 to vector<16xi1>
    %reduce_sum3A_970 = tpu.scan <sum>, %get3A_951 masked %reduce_sum3A_969 : vector<16xi32>, vector<16xi1> -> vector<16xi32>
    %reduce_sum3A_971 = vector.extract %reduce_sum3A_970[15] : i32 from vector<16xi32>
    %add3A_972 = arith.addi %add3A_947, %reduce_sum3A_971 : i32
    %get3A_973 = arith.constant 336 : index
    %get3A_974 = tpu.vector_load %arg8[%get3A_973] {strides = array<i32>} : memref<512xi32, #tpu.memory_space<vmem>>, vector<16xi32>,
    %get3A_975 = arith.constant 336 : index
    %get3A_976 = tpu.vector_load %arg11[%get3A_975] {strides = array<i32>} : memref<512xi32, #tpu.memory_space<vmem>>, vector<16xi32>,
    %broadcast_in_dim3A_977 = arith.constant true
    %broadcast_in_dim3A_978 = vector.broadcast %broadcast_in_dim3A_977 : i1 to vector<16xi1>
    %masked_cumsum3A_979 = tpu.scan <sum>, %get3A_976 masked %broadcast_in_dim3A_978 : vector<16xi32>, vector<16xi1> -> vector<16xi32>
    %add3A_980 = vector.broadcast %add3A_972 : i32 to vector<16xi32>
    %add3A_981 = arith.addi %add3A_980, %masked_cumsum3A_979 : vector<16xi32>
    %sub3A_982 = arith.subi %add3A_981, %get3A_976 : vector<16xi32>
    %gather3A_983 = tpu.vector_load_idx %arg10[%get3A_974] : memref<8192xi32, #tpu.memory_space<vmem>>[vector<16xi32>], vector<16xi32>,
    %eq3A_984 = arith.constant 0 : i32
    %eq3A_985 = vector.broadcast %eq3A_984 : i32 to vector<16xi32>
    %eq3A_986 = arith.cmpi eq, %get3A_976, %eq3A_985 : vector<16xi32>
    %add3A_987 = arith.constant 6144 : i32
    %add3A_988 = vector.broadcast %add3A_987 : i32 to vector<16xi32>
    %add3A_989 = arith.addi %add3A_988, %gather3A_983 : vector<16xi32>
    %select_n3A_990 = arith.select %eq3A_986, %add3A_989, %sub3A_982 : vector<16xi1>, vector<16xi32>
    %swap3A_991 = arith.constant 336 : index
    %swap3A_992 = tpu.vector_load %arg12[%swap3A_991] {strides = array<i32>} : memref<512xi32, #tpu.memory_space<vmem>>, vector<16xi32>,
    tpu.vector_store %arg12[%swap3A_991], %select_n3A_990 {strides = array<i32>} : memref<512xi32, #tpu.memory_space<vmem>>, vector<16xi32>,
    %reduce_sum3A_993 = arith.constant true
    %reduce_sum3A_994 = vector.broadcast %reduce_sum3A_993 : i1 to vector<16xi1>
    %reduce_sum3A_995 = tpu.scan <sum>, %get3A_976 masked %reduce_sum3A_994 : vector<16xi32>, vector<16xi1> -> vector<16xi32>
    %reduce_sum3A_996 = vector.extract %reduce_sum3A_995[15] : i32 from vector<16xi32>
    %add3A_997 = arith.addi %add3A_972, %reduce_sum3A_996 : i32
    %get3A_998 = arith.constant 352 : index
    %get3A_999 = tpu.vector_load %arg8[%get3A_998] {strides = array<i32>} : memref<512xi32, #tpu.memory_space<vmem>>, vector<16xi32>,
    %get3A_1000 = arith.constant 352 : index
    %get3A_1001 = tpu.vector_load %arg11[%get3A_1000] {strides = array<i32>} : memref<512xi32, #tpu.memory_space<vmem>>, vector<16xi32>,
    %broadcast_in_dim3A_1002 = arith.constant true
    %broadcast_in_dim3A_1003 = vector.broadcast %broadcast_in_dim3A_1002 : i1 to vector<16xi1>
    %masked_cumsum3A_1004 = tpu.scan <sum>, %get3A_1001 masked %broadcast_in_dim3A_1003 : vector<16xi32>, vector<16xi1> -> vector<16xi32>
    %add3A_1005 = vector.broadcast %add3A_997 : i32 to vector<16xi32>
    %add3A_1006 = arith.addi %add3A_1005, %masked_cumsum3A_1004 : vector<16xi32>
    %sub3A_1007 = arith.subi %add3A_1006, %get3A_1001 : vector<16xi32>
    %gather3A_1008 = tpu.vector_load_idx %arg10[%get3A_999] : memref<8192xi32, #tpu.memory_space<vmem>>[vector<16xi32>], vector<16xi32>,
    %eq3A_1009 = arith.constant 0 : i32
    %eq3A_1010 = vector.broadcast %eq3A_1009 : i32 to vector<16xi32>
    %eq3A_1011 = arith.cmpi eq, %get3A_1001, %eq3A_1010 : vector<16xi32>
    %add3A_1012 = arith.constant 6144 : i32
    %add3A_1013 = vector.broadcast %add3A_1012 : i32 to vector<16xi32>
    %add3A_1014 = arith.addi %add3A_1013, %gather3A_1008 : vector<16xi32>
    %select_n3A_1015 = arith.select %eq3A_1011, %add3A_1014, %sub3A_1007 : vector<16xi1>, vector<16xi32>
    %swap3A_1016 = arith.constant 352 : index
    %swap3A_1017 = tpu.vector_load %arg12[%swap3A_1016] {strides = array<i32>} : memref<512xi32, #tpu.memory_space<vmem>>, vector<16xi32>,
    tpu.vector_store %arg12[%swap3A_1016], %select_n3A_1015 {strides = array<i32>} : memref<512xi32, #tpu.memory_space<vmem>>, vector<16xi32>,
    %reduce_sum3A_1018 = arith.constant true
    %reduce_sum3A_1019 = vector.broadcast %reduce_sum3A_1018 : i1 to vector<16xi1>
    %reduce_sum3A_1020 = tpu.scan <sum>, %get3A_1001 masked %reduce_sum3A_1019 : vector<16xi32>, vector<16xi1> -> vector<16xi32>
    %reduce_sum3A_1021 = vector.extract %reduce_sum3A_1020[15] : i32 from vector<16xi32>
    %add3A_1022 = arith.addi %add3A_997, %reduce_sum3A_1021 : i32
    %get3A_1023 = arith.constant 368 : index
    %get3A_1024 = tpu.vector_load %arg8[%get3A_1023] {strides = array<i32>} : memref<512xi32, #tpu.memory_space<vmem>>, vector<16xi32>,
    %get3A_1025 = arith.constant 368 : index
    %get3A_1026 = tpu.vector_load %arg11[%get3A_1025] {strides = array<i32>} : memref<512xi32, #tpu.memory_space<vmem>>, vector<16xi32>,
    %broadcast_in_dim3A_1027 = arith.constant true
    %broadcast_in_dim3A_1028 = vector.broadcast %broadcast_in_dim3A_1027 : i1 to vector<16xi1>
    %masked_cumsum3A_1029 = tpu.scan <sum>, %get3A_1026 masked %broadcast_in_dim3A_1028 : vector<16xi32>, vector<16xi1> -> vector<16xi32>
    %add3A_1030 = vector.broadcast %add3A_1022 : i32 to vector<16xi32>
    %add3A_1031 = arith.addi %add3A_1030, %masked_cumsum3A_1029 : vector<16xi32>
    %sub3A_1032 = arith.subi %add3A_1031, %get3A_1026 : vector<16xi32>
    %gather3A_1033 = tpu.vector_load_idx %arg10[%get3A_1024] : memref<8192xi32, #tpu.memory_space<vmem>>[vector<16xi32>], vector<16xi32>,
    %eq3A_1034 = arith.constant 0 : i32
    %eq3A_1035 = vector.broadcast %eq3A_1034 : i32 to vector<16xi32>
    %eq3A_1036 = arith.cmpi eq, %get3A_1026, %eq3A_1035 : vector<16xi32>
    %add3A_1037 = arith.constant 6144 : i32
    %add3A_1038 = vector.broadcast %add3A_1037 : i32 to vector<16xi32>
    %add3A_1039 = arith.addi %add3A_1038, %gather3A_1033 : vector<16xi32>
    %select_n3A_1040 = arith.select %eq3A_1036, %add3A_1039, %sub3A_1032 : vector<16xi1>, vector<16xi32>
    %swap3A_1041 = arith.constant 368 : index
    %swap3A_1042 = tpu.vector_load %arg12[%swap3A_1041] {strides = array<i32>} : memref<512xi32, #tpu.memory_space<vmem>>, vector<16xi32>,
    tpu.vector_store %arg12[%swap3A_1041], %select_n3A_1040 {strides = array<i32>} : memref<512xi32, #tpu.memory_space<vmem>>, vector<16xi32>,
    %reduce_sum3A_1043 = arith.constant true
    %reduce_sum3A_1044 = vector.broadcast %reduce_sum3A_1043 : i1 to vector<16xi1>
    %reduce_sum3A_1045 = tpu.scan <sum>, %get3A_1026 masked %reduce_sum3A_1044 : vector<16xi32>, vector<16xi1> -> vector<16xi32>
    %reduce_sum3A_1046 = vector.extract %reduce_sum3A_1045[15] : i32 from vector<16xi32>
    %add3A_1047 = arith.addi %add3A_1022, %reduce_sum3A_1046 : i32
    %get3A_1048 = arith.constant 384 : index
    %get3A_1049 = tpu.vector_load %arg8[%get3A_1048] {strides = array<i32>} : memref<512xi32, #tpu.memory_space<vmem>>, vector<16xi32>,
    %get3A_1050 = arith.constant 384 : index
    %get3A_1051 = tpu.vector_load %arg11[%get3A_1050] {strides = array<i32>} : memref<512xi32, #tpu.memory_space<vmem>>, vector<16xi32>,
    %broadcast_in_dim3A_1052 = arith.constant true
    %broadcast_in_dim3A_1053 = vector.broadcast %broadcast_in_dim3A_1052 : i1 to vector<16xi1>
    %masked_cumsum3A_1054 = tpu.scan <sum>, %get3A_1051 masked %broadcast_in_dim3A_1053 : vector<16xi32>, vector<16xi1> -> vector<16xi32>
    %add3A_1055 = vector.broadcast %add3A_1047 : i32 to vector<16xi32>
    %add3A_1056 = arith.addi %add3A_1055, %masked_cumsum3A_1054 : vector<16xi32>
    %sub3A_1057 = arith.subi %add3A_1056, %get3A_1051 : vector<16xi32>
    %gather3A_1058 = tpu.vector_load_idx %arg10[%get3A_1049] : memref<8192xi32, #tpu.memory_space<vmem>>[vector<16xi32>], vector<16xi32>,
    %eq3A_1059 = arith.constant 0 : i32
    %eq3A_1060 = vector.broadcast %eq3A_1059 : i32 to vector<16xi32>
    %eq3A_1061 = arith.cmpi eq, %get3A_1051, %eq3A_1060 : vector<16xi32>
    %add3A_1062 = arith.constant 6144 : i32
    %add3A_1063 = vector.broadcast %add3A_1062 : i32 to vector<16xi32>
    %add3A_1064 = arith.addi %add3A_1063, %gather3A_1058 : vector<16xi32>
    %select_n3A_1065 = arith.select %eq3A_1061, %add3A_1064, %sub3A_1057 : vector<16xi1>, vector<16xi32>
    %swap3A_1066 = arith.constant 384 : index
    %swap3A_1067 = tpu.vector_load %arg12[%swap3A_1066] {strides = array<i32>} : memref<512xi32, #tpu.memory_space<vmem>>, vector<16xi32>,
    tpu.vector_store %arg12[%swap3A_1066], %select_n3A_1065 {strides = array<i32>} : memref<512xi32, #tpu.memory_space<vmem>>, vector<16xi32>,
    %reduce_sum3A_1068 = arith.constant true
    %reduce_sum3A_1069 = vector.broadcast %reduce_sum3A_1068 : i1 to vector<16xi1>
    %reduce_sum3A_1070 = tpu.scan <sum>, %get3A_1051 masked %reduce_sum3A_1069 : vector<16xi32>, vector<16xi1> -> vector<16xi32>
    %reduce_sum3A_1071 = vector.extract %reduce_sum3A_1070[15] : i32 from vector<16xi32>
    %add3A_1072 = arith.addi %add3A_1047, %reduce_sum3A_1071 : i32
    %get3A_1073 = arith.constant 400 : index
    %get3A_1074 = tpu.vector_load %arg8[%get3A_1073] {strides = array<i32>} : memref<512xi32, #tpu.memory_space<vmem>>, vector<16xi32>,
    %get3A_1075 = arith.constant 400 : index
    %get3A_1076 = tpu.vector_load %arg11[%get3A_1075] {strides = array<i32>} : memref<512xi32, #tpu.memory_space<vmem>>, vector<16xi32>,
    %broadcast_in_dim3A_1077 = arith.constant true
    %broadcast_in_dim3A_1078 = vector.broadcast %broadcast_in_dim3A_1077 : i1 to vector<16xi1>
    %masked_cumsum3A_1079 = tpu.scan <sum>, %get3A_1076 masked %broadcast_in_dim3A_1078 : vector<16xi32>, vector<16xi1> -> vector<16xi32>
    %add3A_1080 = vector.broadcast %add3A_1072 : i32 to vector<16xi32>
    %add3A_1081 = arith.addi %add3A_1080, %masked_cumsum3A_1079 : vector<16xi32>
    %sub3A_1082 = arith.subi %add3A_1081, %get3A_1076 : vector<16xi32>
    %gather3A_1083 = tpu.vector_load_idx %arg10[%get3A_1074] : memref<8192xi32, #tpu.memory_space<vmem>>[vector<16xi32>], vector<16xi32>,
    %eq3A_1084 = arith.constant 0 : i32
    %eq3A_1085 = vector.broadcast %eq3A_1084 : i32 to vector<16xi32>
    %eq3A_1086 = arith.cmpi eq, %get3A_1076, %eq3A_1085 : vector<16xi32>
    %add3A_1087 = arith.constant 6144 : i32
    %add3A_1088 = vector.broadcast %add3A_1087 : i32 to vector<16xi32>
    %add3A_1089 = arith.addi %add3A_1088, %gather3A_1083 : vector<16xi32>
    %select_n3A_1090 = arith.select %eq3A_1086, %add3A_1089, %sub3A_1082 : vector<16xi1>, vector<16xi32>
    %swap3A_1091 = arith.constant 400 : index
    %swap3A_1092 = tpu.vector_load %arg12[%swap3A_1091] {strides = array<i32>} : memref<512xi32, #tpu.memory_space<vmem>>, vector<16xi32>,
    tpu.vector_store %arg12[%swap3A_1091], %select_n3A_1090 {strides = array<i32>} : memref<512xi32, #tpu.memory_space<vmem>>, vector<16xi32>,
    %reduce_sum3A_1093 = arith.constant true
    %reduce_sum3A_1094 = vector.broadcast %reduce_sum3A_1093 : i1 to vector<16xi1>
    %reduce_sum3A_1095 = tpu.scan <sum>, %get3A_1076 masked %reduce_sum3A_1094 : vector<16xi32>, vector<16xi1> -> vector<16xi32>
    %reduce_sum3A_1096 = vector.extract %reduce_sum3A_1095[15] : i32 from vector<16xi32>
    %add3A_1097 = arith.addi %add3A_1072, %reduce_sum3A_1096 : i32
    %get3A_1098 = arith.constant 416 : index
    %get3A_1099 = tpu.vector_load %arg8[%get3A_1098] {strides = array<i32>} : memref<512xi32, #tpu.memory_space<vmem>>, vector<16xi32>,
    %get3A_1100 = arith.constant 416 : index
    %get3A_1101 = tpu.vector_load %arg11[%get3A_1100] {strides = array<i32>} : memref<512xi32, #tpu.memory_space<vmem>>, vector<16xi32>,
    %broadcast_in_dim3A_1102 = arith.constant true
    %broadcast_in_dim3A_1103 = vector.broadcast %broadcast_in_dim3A_1102 : i1 to vector<16xi1>
    %masked_cumsum3A_1104 = tpu.scan <sum>, %get3A_1101 masked %broadcast_in_dim3A_1103 : vector<16xi32>, vector<16xi1> -> vector<16xi32>
    %add3A_1105 = vector.broadcast %add3A_1097 : i32 to vector<16xi32>
    %add3A_1106 = arith.addi %add3A_1105, %masked_cumsum3A_1104 : vector<16xi32>
    %sub3A_1107 = arith.subi %add3A_1106, %get3A_1101 : vector<16xi32>
    %gather3A_1108 = tpu.vector_load_idx %arg10[%get3A_1099] : memref<8192xi32, #tpu.memory_space<vmem>>[vector<16xi32>], vector<16xi32>,
    %eq3A_1109 = arith.constant 0 : i32
    %eq3A_1110 = vector.broadcast %eq3A_1109 : i32 to vector<16xi32>
    %eq3A_1111 = arith.cmpi eq, %get3A_1101, %eq3A_1110 : vector<16xi32>
    %add3A_1112 = arith.constant 6144 : i32
    %add3A_1113 = vector.broadcast %add3A_1112 : i32 to vector<16xi32>
    %add3A_1114 = arith.addi %add3A_1113, %gather3A_1108 : vector<16xi32>
    %select_n3A_1115 = arith.select %eq3A_1111, %add3A_1114, %sub3A_1107 : vector<16xi1>, vector<16xi32>
    %swap3A_1116 = arith.constant 416 : index
    %swap3A_1117 = tpu.vector_load %arg12[%swap3A_1116] {strides = array<i32>} : memref<512xi32, #tpu.memory_space<vmem>>, vector<16xi32>,
    tpu.vector_store %arg12[%swap3A_1116], %select_n3A_1115 {strides = array<i32>} : memref<512xi32, #tpu.memory_space<vmem>>, vector<16xi32>,
    %reduce_sum3A_1118 = arith.constant true
    %reduce_sum3A_1119 = vector.broadcast %reduce_sum3A_1118 : i1 to vector<16xi1>
    %reduce_sum3A_1120 = tpu.scan <sum>, %get3A_1101 masked %reduce_sum3A_1119 : vector<16xi32>, vector<16xi1> -> vector<16xi32>
    %reduce_sum3A_1121 = vector.extract %reduce_sum3A_1120[15] : i32 from vector<16xi32>
    %add3A_1122 = arith.addi %add3A_1097, %reduce_sum3A_1121 : i32
    %get3A_1123 = arith.constant 432 : index
    %get3A_1124 = tpu.vector_load %arg8[%get3A_1123] {strides = array<i32>} : memref<512xi32, #tpu.memory_space<vmem>>, vector<16xi32>,
    %get3A_1125 = arith.constant 432 : index
    %get3A_1126 = tpu.vector_load %arg11[%get3A_1125] {strides = array<i32>} : memref<512xi32, #tpu.memory_space<vmem>>, vector<16xi32>,
    %broadcast_in_dim3A_1127 = arith.constant true
    %broadcast_in_dim3A_1128 = vector.broadcast %broadcast_in_dim3A_1127 : i1 to vector<16xi1>
    %masked_cumsum3A_1129 = tpu.scan <sum>, %get3A_1126 masked %broadcast_in_dim3A_1128 : vector<16xi32>, vector<16xi1> -> vector<16xi32>
    %add3A_1130 = vector.broadcast %add3A_1122 : i32 to vector<16xi32>
    %add3A_1131 = arith.addi %add3A_1130, %masked_cumsum3A_1129 : vector<16xi32>
    %sub3A_1132 = arith.subi %add3A_1131, %get3A_1126 : vector<16xi32>
    %gather3A_1133 = tpu.vector_load_idx %arg10[%get3A_1124] : memref<8192xi32, #tpu.memory_space<vmem>>[vector<16xi32>], vector<16xi32>,
    %eq3A_1134 = arith.constant 0 : i32
    %eq3A_1135 = vector.broadcast %eq3A_1134 : i32 to vector<16xi32>
    %eq3A_1136 = arith.cmpi eq, %get3A_1126, %eq3A_1135 : vector<16xi32>
    %add3A_1137 = arith.constant 6144 : i32
    %add3A_1138 = vector.broadcast %add3A_1137 : i32 to vector<16xi32>
    %add3A_1139 = arith.addi %add3A_1138, %gather3A_1133 : vector<16xi32>
    %select_n3A_1140 = arith.select %eq3A_1136, %add3A_1139, %sub3A_1132 : vector<16xi1>, vector<16xi32>
    %swap3A_1141 = arith.constant 432 : index
    %swap3A_1142 = tpu.vector_load %arg12[%swap3A_1141] {strides = array<i32>} : memref<512xi32, #tpu.memory_space<vmem>>, vector<16xi32>,
    tpu.vector_store %arg12[%swap3A_1141], %select_n3A_1140 {strides = array<i32>} : memref<512xi32, #tpu.memory_space<vmem>>, vector<16xi32>,
    %reduce_sum3A_1143 = arith.constant true
    %reduce_sum3A_1144 = vector.broadcast %reduce_sum3A_1143 : i1 to vector<16xi1>
    %reduce_sum3A_1145 = tpu.scan <sum>, %get3A_1126 masked %reduce_sum3A_1144 : vector<16xi32>, vector<16xi1> -> vector<16xi32>
    %reduce_sum3A_1146 = vector.extract %reduce_sum3A_1145[15] : i32 from vector<16xi32>
    %add3A_1147 = arith.addi %add3A_1122, %reduce_sum3A_1146 : i32
    %get3A_1148 = arith.constant 448 : index
    %get3A_1149 = tpu.vector_load %arg8[%get3A_1148] {strides = array<i32>} : memref<512xi32, #tpu.memory_space<vmem>>, vector<16xi32>,
    %get3A_1150 = arith.constant 448 : index
    %get3A_1151 = tpu.vector_load %arg11[%get3A_1150] {strides = array<i32>} : memref<512xi32, #tpu.memory_space<vmem>>, vector<16xi32>,
    %broadcast_in_dim3A_1152 = arith.constant true
    %broadcast_in_dim3A_1153 = vector.broadcast %broadcast_in_dim3A_1152 : i1 to vector<16xi1>
    %masked_cumsum3A_1154 = tpu.scan <sum>, %get3A_1151 masked %broadcast_in_dim3A_1153 : vector<16xi32>, vector<16xi1> -> vector<16xi32>
    %add3A_1155 = vector.broadcast %add3A_1147 : i32 to vector<16xi32>
    %add3A_1156 = arith.addi %add3A_1155, %masked_cumsum3A_1154 : vector<16xi32>
    %sub3A_1157 = arith.subi %add3A_1156, %get3A_1151 : vector<16xi32>
    %gather3A_1158 = tpu.vector_load_idx %arg10[%get3A_1149] : memref<8192xi32, #tpu.memory_space<vmem>>[vector<16xi32>], vector<16xi32>,
    %eq3A_1159 = arith.constant 0 : i32
    %eq3A_1160 = vector.broadcast %eq3A_1159 : i32 to vector<16xi32>
    %eq3A_1161 = arith.cmpi eq, %get3A_1151, %eq3A_1160 : vector<16xi32>
    %add3A_1162 = arith.constant 6144 : i32
    %add3A_1163 = vector.broadcast %add3A_1162 : i32 to vector<16xi32>
    %add3A_1164 = arith.addi %add3A_1163, %gather3A_1158 : vector<16xi32>
    %select_n3A_1165 = arith.select %eq3A_1161, %add3A_1164, %sub3A_1157 : vector<16xi1>, vector<16xi32>
    %swap3A_1166 = arith.constant 448 : index
    %swap3A_1167 = tpu.vector_load %arg12[%swap3A_1166] {strides = array<i32>} : memref<512xi32, #tpu.memory_space<vmem>>, vector<16xi32>,
    tpu.vector_store %arg12[%swap3A_1166], %select_n3A_1165 {strides = array<i32>} : memref<512xi32, #tpu.memory_space<vmem>>, vector<16xi32>,
    %reduce_sum3A_1168 = arith.constant true
    %reduce_sum3A_1169 = vector.broadcast %reduce_sum3A_1168 : i1 to vector<16xi1>
    %reduce_sum3A_1170 = tpu.scan <sum>, %get3A_1151 masked %reduce_sum3A_1169 : vector<16xi32>, vector<16xi1> -> vector<16xi32>
    %reduce_sum3A_1171 = vector.extract %reduce_sum3A_1170[15] : i32 from vector<16xi32>
    %add3A_1172 = arith.addi %add3A_1147, %reduce_sum3A_1171 : i32
    %get3A_1173 = arith.constant 464 : index
    %get3A_1174 = tpu.vector_load %arg8[%get3A_1173] {strides = array<i32>} : memref<512xi32, #tpu.memory_space<vmem>>, vector<16xi32>,
    %get3A_1175 = arith.constant 464 : index
    %get3A_1176 = tpu.vector_load %arg11[%get3A_1175] {strides = array<i32>} : memref<512xi32, #tpu.memory_space<vmem>>, vector<16xi32>,
    %broadcast_in_dim3A_1177 = arith.constant true
    %broadcast_in_dim3A_1178 = vector.broadcast %broadcast_in_dim3A_1177 : i1 to vector<16xi1>
    %masked_cumsum3A_1179 = tpu.scan <sum>, %get3A_1176 masked %broadcast_in_dim3A_1178 : vector<16xi32>, vector<16xi1> -> vector<16xi32>
    %add3A_1180 = vector.broadcast %add3A_1172 : i32 to vector<16xi32>
    %add3A_1181 = arith.addi %add3A_1180, %masked_cumsum3A_1179 : vector<16xi32>
    %sub3A_1182 = arith.subi %add3A_1181, %get3A_1176 : vector<16xi32>
    %gather3A_1183 = tpu.vector_load_idx %arg10[%get3A_1174] : memref<8192xi32, #tpu.memory_space<vmem>>[vector<16xi32>], vector<16xi32>,
    %eq3A_1184 = arith.constant 0 : i32
    %eq3A_1185 = vector.broadcast %eq3A_1184 : i32 to vector<16xi32>
    %eq3A_1186 = arith.cmpi eq, %get3A_1176, %eq3A_1185 : vector<16xi32>
    %add3A_1187 = arith.constant 6144 : i32
    %add3A_1188 = vector.broadcast %add3A_1187 : i32 to vector<16xi32>
    %add3A_1189 = arith.addi %add3A_1188, %gather3A_1183 : vector<16xi32>
    %select_n3A_1190 = arith.select %eq3A_1186, %add3A_1189, %sub3A_1182 : vector<16xi1>, vector<16xi32>
    %swap3A_1191 = arith.constant 464 : index
    %swap3A_1192 = tpu.vector_load %arg12[%swap3A_1191] {strides = array<i32>} : memref<512xi32, #tpu.memory_space<vmem>>, vector<16xi32>,
    tpu.vector_store %arg12[%swap3A_1191], %select_n3A_1190 {strides = array<i32>} : memref<512xi32, #tpu.memory_space<vmem>>, vector<16xi32>,
    %reduce_sum3A_1193 = arith.constant true
    %reduce_sum3A_1194 = vector.broadcast %reduce_sum3A_1193 : i1 to vector<16xi1>
    %reduce_sum3A_1195 = tpu.scan <sum>, %get3A_1176 masked %reduce_sum3A_1194 : vector<16xi32>, vector<16xi1> -> vector<16xi32>
    %reduce_sum3A_1196 = vector.extract %reduce_sum3A_1195[15] : i32 from vector<16xi32>
    %add3A_1197 = arith.addi %add3A_1172, %reduce_sum3A_1196 : i32
    %get3A_1198 = arith.constant 480 : index
    %get3A_1199 = tpu.vector_load %arg8[%get3A_1198] {strides = array<i32>} : memref<512xi32, #tpu.memory_space<vmem>>, vector<16xi32>,
    %get3A_1200 = arith.constant 480 : index
    %get3A_1201 = tpu.vector_load %arg11[%get3A_1200] {strides = array<i32>} : memref<512xi32, #tpu.memory_space<vmem>>, vector<16xi32>,
    %broadcast_in_dim3A_1202 = arith.constant true
    %broadcast_in_dim3A_1203 = vector.broadcast %broadcast_in_dim3A_1202 : i1 to vector<16xi1>
    %masked_cumsum3A_1204 = tpu.scan <sum>, %get3A_1201 masked %broadcast_in_dim3A_1203 : vector<16xi32>, vector<16xi1> -> vector<16xi32>
    %add3A_1205 = vector.broadcast %add3A_1197 : i32 to vector<16xi32>
    %add3A_1206 = arith.addi %add3A_1205, %masked_cumsum3A_1204 : vector<16xi32>
    %sub3A_1207 = arith.subi %add3A_1206, %get3A_1201 : vector<16xi32>
    %gather3A_1208 = tpu.vector_load_idx %arg10[%get3A_1199] : memref<8192xi32, #tpu.memory_space<vmem>>[vector<16xi32>], vector<16xi32>,
    %eq3A_1209 = arith.constant 0 : i32
    %eq3A_1210 = vector.broadcast %eq3A_1209 : i32 to vector<16xi32>
    %eq3A_1211 = arith.cmpi eq, %get3A_1201, %eq3A_1210 : vector<16xi32>
    %add3A_1212 = arith.constant 6144 : i32
    %add3A_1213 = vector.broadcast %add3A_1212 : i32 to vector<16xi32>
    %add3A_1214 = arith.addi %add3A_1213, %gather3A_1208 : vector<16xi32>
    %select_n3A_1215 = arith.select %eq3A_1211, %add3A_1214, %sub3A_1207 : vector<16xi1>, vector<16xi32>
    %swap3A_1216 = arith.constant 480 : index
    %swap3A_1217 = tpu.vector_load %arg12[%swap3A_1216] {strides = array<i32>} : memref<512xi32, #tpu.memory_space<vmem>>, vector<16xi32>,
    tpu.vector_store %arg12[%swap3A_1216], %select_n3A_1215 {strides = array<i32>} : memref<512xi32, #tpu.memory_space<vmem>>, vector<16xi32>,
    %reduce_sum3A_1218 = arith.constant true
    %reduce_sum3A_1219 = vector.broadcast %reduce_sum3A_1218 : i1 to vector<16xi1>
    %reduce_sum3A_1220 = tpu.scan <sum>, %get3A_1201 masked %reduce_sum3A_1219 : vector<16xi32>, vector<16xi1> -> vector<16xi32>
    %reduce_sum3A_1221 = vector.extract %reduce_sum3A_1220[15] : i32 from vector<16xi32>
    %add3A_1222 = arith.addi %add3A_1197, %reduce_sum3A_1221 : i32
    %get3A_1223 = arith.constant 496 : index
    %get3A_1224 = tpu.vector_load %arg8[%get3A_1223] {strides = array<i32>} : memref<512xi32, #tpu.memory_space<vmem>>, vector<16xi32>,
    %get3A_1225 = arith.constant 496 : index
    %get3A_1226 = tpu.vector_load %arg11[%get3A_1225] {strides = array<i32>} : memref<512xi32, #tpu.memory_space<vmem>>, vector<16xi32>,
    %broadcast_in_dim3A_1227 = arith.constant true
    %broadcast_in_dim3A_1228 = vector.broadcast %broadcast_in_dim3A_1227 : i1 to vector<16xi1>
    %masked_cumsum3A_1229 = tpu.scan <sum>, %get3A_1226 masked %broadcast_in_dim3A_1228 : vector<16xi32>, vector<16xi1> -> vector<16xi32>
    %add3A_1230 = vector.broadcast %add3A_1222 : i32 to vector<16xi32>
    %add3A_1231 = arith.addi %add3A_1230, %masked_cumsum3A_1229 : vector<16xi32>
    %sub3A_1232 = arith.subi %add3A_1231, %get3A_1226 : vector<16xi32>
    %gather3A_1233 = tpu.vector_load_idx %arg10[%get3A_1224] : memref<8192xi32, #tpu.memory_space<vmem>>[vector<16xi32>], vector<16xi32>,
    %eq3A_1234 = arith.constant 0 : i32
    %eq3A_1235 = vector.broadcast %eq3A_1234 : i32 to vector<16xi32>
    %eq3A_1236 = arith.cmpi eq, %get3A_1226, %eq3A_1235 : vector<16xi32>
    %add3A_1237 = arith.constant 6144 : i32
    %add3A_1238 = vector.broadcast %add3A_1237 : i32 to vector<16xi32>
    %add3A_1239 = arith.addi %add3A_1238, %gather3A_1233 : vector<16xi32>
    %select_n3A_1240 = arith.select %eq3A_1236, %add3A_1239, %sub3A_1232 : vector<16xi1>, vector<16xi32>
    %swap3A_1241 = arith.constant 496 : index
    %swap3A_1242 = tpu.vector_load %arg12[%swap3A_1241] {strides = array<i32>} : memref<512xi32, #tpu.memory_space<vmem>>, vector<16xi32>,
    tpu.vector_store %arg12[%swap3A_1241], %select_n3A_1240 {strides = array<i32>} : memref<512xi32, #tpu.memory_space<vmem>>, vector<16xi32>,
    %reduce_sum3A_1243 = arith.constant true
    %reduce_sum3A_1244 = vector.broadcast %reduce_sum3A_1243 : i1 to vector<16xi1>
    %reduce_sum3A_1245 = tpu.scan <sum>, %get3A_1226 masked %reduce_sum3A_1244 : vector<16xi32>, vector<16xi1> -> vector<16xi32>
    %reduce_sum3A_1246 = vector.extract %reduce_sum3A_1245[15] : i32 from vector<16xi32>
    %add3A_1247 = arith.addi %add3A_1222, %reduce_sum3A_1246 : i32
    %multiple_of3A_1248 = tpu.assume_multiple %mul3A_0, 16 : i32
    "tpu.region"() ({
      %run_scoped3A = tpu.sem_alloc : memref<!tpu.dma_semaphore, #tpu.memory_space<semaphore_mem>>
      %dma_start3A_1394 = tpu.memref_slice %arg18[%multiple_of3A_1248] : memref<8192xi32, #tpu.memory_space<vmem_shared>> -> memref<512xi32, #tpu.memory_space<vmem_shared>>
      %dma_start3A_1395 = tpu.memref_slice %arg18[%multiple_of3A_1248] : memref<8192xi32, #tpu.memory_space<vmem_shared>> -> memref<512xi32, #tpu.memory_space<vmem_shared>>
      tpu.enqueue_dma source(%arg12 : memref<512xi32, #tpu.memory_space<vmem>>) target(%dma_start3A_1395 : memref<512xi32, #tpu.memory_space<vmem_shared>>) target_semaphore(%run_scoped3A : memref<!tpu.dma_semaphore, #tpu.memory_space<semaphore_mem>>)
      %dma_wait3A_1396 = tpu.memref_slice %arg18[%multiple_of3A_1248] : memref<8192xi32, #tpu.memory_space<vmem_shared>> -> memref<512xi32, #tpu.memory_space<vmem_shared>>
      %dma_wait3A_1397 = tpu.memref_slice %arg18[%multiple_of3A_1248] : memref<8192xi32, #tpu.memory_space<vmem_shared>> -> memref<512xi32, #tpu.memory_space<vmem_shared>>
      tpu.wait_dma2 semaphore(%run_scoped3A : memref<!tpu.dma_semaphore, #tpu.memory_space<semaphore_mem>>) src(%arg12 : memref<512xi32, #tpu.memory_space<vmem>>) dst(%dma_wait3A_1397 : memref<512xi32, #tpu.memory_space<vmem_shared>>)
      tpu.yield
    }) : () -> ()
    %barrier3A_1249 = arith.constant 0 : index
    tpu.barrier barrier_id(%barrier3A_1249)
    %eq3A_1250 = arith.constant 0 : i32
    %eq3A_1251 = arith.cmpi eq, %arg1, %eq3A_1250 : i32
    %convert_element_type3A = arith.extui %eq3A_1251 : i1 to i32
    %cond3A = arith.constant 0 : i32
    %cond3A_1252 = arith.cmpi ne, %convert_element_type3A, %cond3A : i32
    scf.if %cond3A_1252 {
      "tpu.region"() ({
        %run_scoped3A = tpu.sem_alloc : memref<!tpu.dma_semaphore, #tpu.memory_space<semaphore_mem>>
        tpu.enqueue_dma source(%arg18 : memref<8192xi32, #tpu.memory_space<vmem_shared>>) target(%arg15 : memref<8192xi32, #tpu.memory_space<vmem>>) target_semaphore(%run_scoped3A : memref<!tpu.dma_semaphore, #tpu.memory_space<semaphore_mem>>)
        tpu.wait_dma2 semaphore(%run_scoped3A : memref<!tpu.dma_semaphore, #tpu.memory_space<semaphore_mem>>) src(%arg18 : memref<8192xi32, #tpu.memory_space<vmem_shared>>) dst(%arg15 : memref<8192xi32, #tpu.memory_space<vmem>>)
        tpu.yield
      }) : () -> ()
      %scan3A_1394 = arith.constant 0 : i32
      %scan3A_1395 = arith.constant 0 : i32
      %scan3A_1396 = arith.constant 64 : i32
      %scan3A_1397 = arith.addi %scan3A_1395, %scan3A_1396 : i32
      %scan3A_1398 = arith.constant 1 : i32
      %scan3A_1399 = scf.for %scan3A_1401 = %scan3A_1395 to %scan3A_1397 step %scan3A_1398 iter_args(%scan3A_1402 = %scan3A_1394) -> (i32)  : i32 {
        %mul3A_1403 = arith.constant 8 : i32
        %mul3A_1404 = arith.muli %scan3A_1401, %mul3A_1403 : i32
        %add3A_1405 = arith.constant 0 : i32
        %add3A_1406 = arith.addi %mul3A_1404, %add3A_1405 : i32
        %mul3A_1407 = arith.constant 16 : i32
        %mul3A_1408 = arith.muli %add3A_1406, %mul3A_1407 : i32
        %multiple_of3A_1409 = tpu.assume_multiple %mul3A_1408, 16 : i32
        %get3A_1410 = arith.index_cast %multiple_of3A_1409 : i32 to index
        %get3A_1411 = tpu.vector_load %arg15[%get3A_1410] {strides = array<i32>} : memref<8192xi32, #tpu.memory_space<vmem>>, vector<16xi32>,
        %mul3A_1412 = arith.constant 16 : i32
        %mul3A_1413 = arith.muli %add3A_1406, %mul3A_1412 : i32
        %iota3A = tpu.iota {dimensions = array<i32: 0>} : vector<16xi32>
        %add3A_1414 = vector.broadcast %mul3A_1413 : i32 to vector<16xi32>
        %add3A_1415 = arith.addi %add3A_1414, %iota3A : vector<16xi32>
        tpu.vector_store_idx %arg16[%get3A_1411], %add3A_1415 : memref<8192xi32, #tpu.memory_space<vmem>>[vector<16xi32>], vector<16xi32>,
        %mul3A_1416 = arith.constant 8 : i32
        %mul3A_1417 = arith.muli %scan3A_1401, %mul3A_1416 : i32
        %add3A_1418 = arith.constant 1 : i32
        %add3A_1419 = arith.addi %mul3A_1417, %add3A_1418 : i32
        %mul3A_1420 = arith.constant 16 : i32
        %mul3A_1421 = arith.muli %add3A_1419, %mul3A_1420 : i32
        %multiple_of3A_1422 = tpu.assume_multiple %mul3A_1421, 16 : i32
        %get3A_1423 = arith.index_cast %multiple_of3A_1422 : i32 to index
        %get3A_1424 = tpu.vector_load %arg15[%get3A_1423] {strides = array<i32>} : memref<8192xi32, #tpu.memory_space<vmem>>, vector<16xi32>,
        %mul3A_1425 = arith.constant 16 : i32
        %mul3A_1426 = arith.muli %add3A_1419, %mul3A_1425 : i32
        %iota3A_1427 = tpu.iota {dimensions = array<i32: 0>} : vector<16xi32>
        %add3A_1428 = vector.broadcast %mul3A_1426 : i32 to vector<16xi32>
        %add3A_1429 = arith.addi %add3A_1428, %iota3A_1427 : vector<16xi32>
        tpu.vector_store_idx %arg16[%get3A_1424], %add3A_1429 : memref<8192xi32, #tpu.memory_space<vmem>>[vector<16xi32>], vector<16xi32>,
        %mul3A_1430 = arith.constant 8 : i32
        %mul3A_1431 = arith.muli %scan3A_1401, %mul3A_1430 : i32
        %add3A_1432 = arith.constant 2 : i32
        %add3A_1433 = arith.addi %mul3A_1431, %add3A_1432 : i32
        %mul3A_1434 = arith.constant 16 : i32
        %mul3A_1435 = arith.muli %add3A_1433, %mul3A_1434 : i32
        %multiple_of3A_1436 = tpu.assume_multiple %mul3A_1435, 16 : i32
        %get3A_1437 = arith.index_cast %multiple_of3A_1436 : i32 to index
        %get3A_1438 = tpu.vector_load %arg15[%get3A_1437] {strides = array<i32>} : memref<8192xi32, #tpu.memory_space<vmem>>, vector<16xi32>,
        %mul3A_1439 = arith.constant 16 : i32
        %mul3A_1440 = arith.muli %add3A_1433, %mul3A_1439 : i32
        %iota3A_1441 = tpu.iota {dimensions = array<i32: 0>} : vector<16xi32>
        %add3A_1442 = vector.broadcast %mul3A_1440 : i32 to vector<16xi32>
        %add3A_1443 = arith.addi %add3A_1442, %iota3A_1441 : vector<16xi32>
        tpu.vector_store_idx %arg16[%get3A_1438], %add3A_1443 : memref<8192xi32, #tpu.memory_space<vmem>>[vector<16xi32>], vector<16xi32>,
        %mul3A_1444 = arith.constant 8 : i32
        %mul3A_1445 = arith.muli %scan3A_1401, %mul3A_1444 : i32
        %add3A_1446 = arith.constant 3 : i32
        %add3A_1447 = arith.addi %mul3A_1445, %add3A_1446 : i32
        %mul3A_1448 = arith.constant 16 : i32
        %mul3A_1449 = arith.muli %add3A_1447, %mul3A_1448 : i32
        %multiple_of3A_1450 = tpu.assume_multiple %mul3A_1449, 16 : i32
        %get3A_1451 = arith.index_cast %multiple_of3A_1450 : i32 to index
        %get3A_1452 = tpu.vector_load %arg15[%get3A_1451] {strides = array<i32>} : memref<8192xi32, #tpu.memory_space<vmem>>, vector<16xi32>,
        %mul3A_1453 = arith.constant 16 : i32
        %mul3A_1454 = arith.muli %add3A_1447, %mul3A_1453 : i32
        %iota3A_1455 = tpu.iota {dimensions = array<i32: 0>} : vector<16xi32>
        %add3A_1456 = vector.broadcast %mul3A_1454 : i32 to vector<16xi32>
        %add3A_1457 = arith.addi %add3A_1456, %iota3A_1455 : vector<16xi32>
        tpu.vector_store_idx %arg16[%get3A_1452], %add3A_1457 : memref<8192xi32, #tpu.memory_space<vmem>>[vector<16xi32>], vector<16xi32>,
        %mul3A_1458 = arith.constant 8 : i32
        %mul3A_1459 = arith.muli %scan3A_1401, %mul3A_1458 : i32
        %add3A_1460 = arith.constant 4 : i32
        %add3A_1461 = arith.addi %mul3A_1459, %add3A_1460 : i32
        %mul3A_1462 = arith.constant 16 : i32
        %mul3A_1463 = arith.muli %add3A_1461, %mul3A_1462 : i32
        %multiple_of3A_1464 = tpu.assume_multiple %mul3A_1463, 16 : i32
        %get3A_1465 = arith.index_cast %multiple_of3A_1464 : i32 to index
        %get3A_1466 = tpu.vector_load %arg15[%get3A_1465] {strides = array<i32>} : memref<8192xi32, #tpu.memory_space<vmem>>, vector<16xi32>,
        %mul3A_1467 = arith.constant 16 : i32
        %mul3A_1468 = arith.muli %add3A_1461, %mul3A_1467 : i32
        %iota3A_1469 = tpu.iota {dimensions = array<i32: 0>} : vector<16xi32>
        %add3A_1470 = vector.broadcast %mul3A_1468 : i32 to vector<16xi32>
        %add3A_1471 = arith.addi %add3A_1470, %iota3A_1469 : vector<16xi32>
        tpu.vector_store_idx %arg16[%get3A_1466], %add3A_1471 : memref<8192xi32, #tpu.memory_space<vmem>>[vector<16xi32>], vector<16xi32>,
        %mul3A_1472 = arith.constant 8 : i32
        %mul3A_1473 = arith.muli %scan3A_1401, %mul3A_1472 : i32
        %add3A_1474 = arith.constant 5 : i32
        %add3A_1475 = arith.addi %mul3A_1473, %add3A_1474 : i32
        %mul3A_1476 = arith.constant 16 : i32
        %mul3A_1477 = arith.muli %add3A_1475, %mul3A_1476 : i32
        %multiple_of3A_1478 = tpu.assume_multiple %mul3A_1477, 16 : i32
        %get3A_1479 = arith.index_cast %multiple_of3A_1478 : i32 to index
        %get3A_1480 = tpu.vector_load %arg15[%get3A_1479] {strides = array<i32>} : memref<8192xi32, #tpu.memory_space<vmem>>, vector<16xi32>,
        %mul3A_1481 = arith.constant 16 : i32
        %mul3A_1482 = arith.muli %add3A_1475, %mul3A_1481 : i32
        %iota3A_1483 = tpu.iota {dimensions = array<i32: 0>} : vector<16xi32>
        %add3A_1484 = vector.broadcast %mul3A_1482 : i32 to vector<16xi32>
        %add3A_1485 = arith.addi %add3A_1484, %iota3A_1483 : vector<16xi32>
        tpu.vector_store_idx %arg16[%get3A_1480], %add3A_1485 : memref<8192xi32, #tpu.memory_space<vmem>>[vector<16xi32>], vector<16xi32>,
        %mul3A_1486 = arith.constant 8 : i32
        %mul3A_1487 = arith.muli %scan3A_1401, %mul3A_1486 : i32
        %add3A_1488 = arith.constant 6 : i32
        %add3A_1489 = arith.addi %mul3A_1487, %add3A_1488 : i32
        %mul3A_1490 = arith.constant 16 : i32
        %mul3A_1491 = arith.muli %add3A_1489, %mul3A_1490 : i32
        %multiple_of3A_1492 = tpu.assume_multiple %mul3A_1491, 16 : i32
        %get3A_1493 = arith.index_cast %multiple_of3A_1492 : i32 to index
        %get3A_1494 = tpu.vector_load %arg15[%get3A_1493] {strides = array<i32>} : memref<8192xi32, #tpu.memory_space<vmem>>, vector<16xi32>,
        %mul3A_1495 = arith.constant 16 : i32
        %mul3A_1496 = arith.muli %add3A_1489, %mul3A_1495 : i32
        %iota3A_1497 = tpu.iota {dimensions = array<i32: 0>} : vector<16xi32>
        %add3A_1498 = vector.broadcast %mul3A_1496 : i32 to vector<16xi32>
        %add3A_1499 = arith.addi %add3A_1498, %iota3A_1497 : vector<16xi32>
        tpu.vector_store_idx %arg16[%get3A_1494], %add3A_1499 : memref<8192xi32, #tpu.memory_space<vmem>>[vector<16xi32>], vector<16xi32>,
        %mul3A_1500 = arith.constant 8 : i32
        %mul3A_1501 = arith.muli %scan3A_1401, %mul3A_1500 : i32
        %add3A_1502 = arith.constant 7 : i32
        %add3A_1503 = arith.addi %mul3A_1501, %add3A_1502 : i32
        %mul3A_1504 = arith.constant 16 : i32
        %mul3A_1505 = arith.muli %add3A_1503, %mul3A_1504 : i32
        %multiple_of3A_1506 = tpu.assume_multiple %mul3A_1505, 16 : i32
        %get3A_1507 = arith.index_cast %multiple_of3A_1506 : i32 to index
        %get3A_1508 = tpu.vector_load %arg15[%get3A_1507] {strides = array<i32>} : memref<8192xi32, #tpu.memory_space<vmem>>, vector<16xi32>,
        %mul3A_1509 = arith.constant 16 : i32
        %mul3A_1510 = arith.muli %add3A_1503, %mul3A_1509 : i32
        %iota3A_1511 = tpu.iota {dimensions = array<i32: 0>} : vector<16xi32>
        %add3A_1512 = vector.broadcast %mul3A_1510 : i32 to vector<16xi32>
        %add3A_1513 = arith.addi %add3A_1512, %iota3A_1511 : vector<16xi32>
        tpu.vector_store_idx %arg16[%get3A_1508], %add3A_1513 : memref<8192xi32, #tpu.memory_space<vmem>>[vector<16xi32>], vector<16xi32>,
        %scan3A_1514 = arith.constant 0 : i32
        scf.yield %scan3A_1514 : i32
      }
      %scan3A_1400 = arith.constant 64 : i32
      "tpu.region"() ({
        %run_scoped3A = tpu.sem_alloc : memref<!tpu.dma_semaphore, #tpu.memory_space<semaphore_mem>>
        tpu.enqueue_dma source(%arg16 : memref<8192xi32, #tpu.memory_space<vmem>>) target(%arg6 : memref<8192xi32, #tpu.memory_space<hbm>>) target_semaphore(%run_scoped3A : memref<!tpu.dma_semaphore, #tpu.memory_space<semaphore_mem>>)
        tpu.wait_dma2 semaphore(%run_scoped3A : memref<!tpu.dma_semaphore, #tpu.memory_space<semaphore_mem>>) src(%arg16 : memref<8192xi32, #tpu.memory_space<vmem>>) dst(%arg6 : memref<8192xi32, #tpu.memory_space<hbm>>)
        tpu.yield
      }) : () -> ()
      "tpu.region"() ({
        %run_scoped3A = tpu.sem_alloc : memref<!tpu.dma_semaphore, #tpu.memory_space<semaphore_mem>>
        %dma_start3A_1401 = arith.constant 6144 : i32
        %dma_start3A_1402 = tpu.memref_slice %arg16[%dma_start3A_1401] : memref<8192xi32, #tpu.memory_space<vmem>> -> memref<2048xi32, #tpu.memory_space<vmem>>
        %dma_start3A_1403 = arith.constant 6144 : i32
        %dma_start3A_1404 = tpu.memref_slice %arg16[%dma_start3A_1403] : memref<8192xi32, #tpu.memory_space<vmem>> -> memref<2048xi32, #tpu.memory_space<vmem>>
        tpu.enqueue_dma source(%dma_start3A_1404 : memref<2048xi32, #tpu.memory_space<vmem>>) target(%arg19 : memref<2048xi32, #tpu.memory_space<vmem_shared>>) target_semaphore(%run_scoped3A : memref<!tpu.dma_semaphore, #tpu.memory_space<semaphore_mem>>)
        %dma_wait3A_1405 = arith.constant 6144 : i32
        %dma_wait3A_1406 = tpu.memref_slice %arg16[%dma_wait3A_1405] : memref<8192xi32, #tpu.memory_space<vmem>> -> memref<2048xi32, #tpu.memory_space<vmem>>
        %dma_wait3A_1407 = arith.constant 6144 : i32
        %dma_wait3A_1408 = tpu.memref_slice %arg16[%dma_wait3A_1407] : memref<8192xi32, #tpu.memory_space<vmem>> -> memref<2048xi32, #tpu.memory_space<vmem>>
        tpu.wait_dma2 semaphore(%run_scoped3A : memref<!tpu.dma_semaphore, #tpu.memory_space<semaphore_mem>>) src(%dma_wait3A_1408 : memref<2048xi32, #tpu.memory_space<vmem>>) dst(%arg19 : memref<2048xi32, #tpu.memory_space<vmem_shared>>)
        tpu.yield
      }) : () -> ()
    } else {
    }
    %barrier3A_1253 = arith.constant 0 : index
    tpu.barrier barrier_id(%barrier3A_1253)
    %mul3A_1254 = arith.constant 128 : i32
    %mul3A_1255 = arith.muli %arg1, %mul3A_1254 : i32
    %multiple_of3A_1256 = tpu.assume_multiple %mul3A_1255, 16 : i32
    "tpu.region"() ({
      %run_scoped3A = tpu.sem_alloc : memref<!tpu.dma_semaphore, #tpu.memory_space<semaphore_mem>>
      %dma_start3A_1394 = tpu.memref_slice %arg19[%multiple_of3A_1256] : memref<2048xi32, #tpu.memory_space<vmem_shared>> -> memref<128xi32, #tpu.memory_space<vmem_shared>>
      %dma_start3A_1395 = tpu.memref_slice %arg19[%multiple_of3A_1256] : memref<2048xi32, #tpu.memory_space<vmem_shared>> -> memref<128xi32, #tpu.memory_space<vmem_shared>>
      tpu.enqueue_dma source(%dma_start3A_1395 : memref<128xi32, #tpu.memory_space<vmem_shared>>) target(%arg20 : memref<128xi32, #tpu.memory_space<vmem>>) target_semaphore(%run_scoped3A : memref<!tpu.dma_semaphore, #tpu.memory_space<semaphore_mem>>)
      %dma_wait3A_1396 = tpu.memref_slice %arg19[%multiple_of3A_1256] : memref<2048xi32, #tpu.memory_space<vmem_shared>> -> memref<128xi32, #tpu.memory_space<vmem_shared>>
      %dma_wait3A_1397 = tpu.memref_slice %arg19[%multiple_of3A_1256] : memref<2048xi32, #tpu.memory_space<vmem_shared>> -> memref<128xi32, #tpu.memory_space<vmem_shared>>
      tpu.wait_dma2 semaphore(%run_scoped3A : memref<!tpu.dma_semaphore, #tpu.memory_space<semaphore_mem>>) src(%dma_wait3A_1397 : memref<128xi32, #tpu.memory_space<vmem_shared>>) dst(%arg20 : memref<128xi32, #tpu.memory_space<vmem>>)
      tpu.yield
    }) : () -> ()
    %dma_start3A = arith.constant 0 : i32
    %dma_start3A_1257 = arith.constant 0 : i32
    %dma_start3A_1258 = tpu.memref_slice %arg5[%dma_start3A, %dma_start3A_1257] : memref<8192x512xf32, #tpu.memory_space<hbm>> -> memref<8192x512xf32, #tpu.memory_space<hbm>>
    tpu.enqueue_indirect_dma source(%dma_start3A_1258 : memref<8192x512xf32, #tpu.memory_space<hbm>>) target(%arg21 : memref<128x512xf32, #tpu.memory_space<vmem>>) offsets(%arg20 : memref<128xi32, #tpu.memory_space<vmem>>) semaphore(%arg23 : memref<!tpu.dma_semaphore, #tpu.memory_space<semaphore_mem>>)
    %dma_wait3A = arith.constant 0 : i32
    %dma_wait3A_1259 = arith.constant 0 : i32
    %dma_wait3A_1260 = tpu.memref_slice %arg5[%dma_wait3A, %dma_wait3A_1259] : memref<8192x512xf32, #tpu.memory_space<hbm>> -> memref<8192x512xf32, #tpu.memory_space<hbm>>
    tpu.wait_indirect_dma semaphore(%arg23 : memref<!tpu.dma_semaphore, #tpu.memory_space<semaphore_mem>>) src(%dma_wait3A_1260 : memref<8192x512xf32, #tpu.memory_space<hbm>>) dst(%arg21 : memref<128x512xf32, #tpu.memory_space<vmem>>)
    %broadcast_in_dim3A_1261 = arith.constant 0.000000e+00 : f32
    %broadcast_in_dim3A_1262 = vector.broadcast %broadcast_in_dim3A_1261 : f32 to vector<16xf32>
    %broadcast_in_dim3A_1263 = arith.constant 0.000000e+00 : f32
    %broadcast_in_dim3A_1264 = vector.broadcast %broadcast_in_dim3A_1263 : f32 to vector<16xf32>
    %broadcast_in_dim3A_1265 = arith.constant 0.000000e+00 : f32
    %broadcast_in_dim3A_1266 = vector.broadcast %broadcast_in_dim3A_1265 : f32 to vector<16xf32>
    %broadcast_in_dim3A_1267 = arith.constant 0.000000e+00 : f32
    %broadcast_in_dim3A_1268 = vector.broadcast %broadcast_in_dim3A_1267 : f32 to vector<16xf32>
    %broadcast_in_dim3A_1269 = arith.constant 0.000000e+00 : f32
    %broadcast_in_dim3A_1270 = vector.broadcast %broadcast_in_dim3A_1269 : f32 to vector<16xf32>
    %broadcast_in_dim3A_1271 = arith.constant 0.000000e+00 : f32
    %broadcast_in_dim3A_1272 = vector.broadcast %broadcast_in_dim3A_1271 : f32 to vector<16xf32>
    %broadcast_in_dim3A_1273 = arith.constant 0.000000e+00 : f32
    %broadcast_in_dim3A_1274 = vector.broadcast %broadcast_in_dim3A_1273 : f32 to vector<16xf32>
    %broadcast_in_dim3A_1275 = arith.constant 0.000000e+00 : f32
    %broadcast_in_dim3A_1276 = vector.broadcast %broadcast_in_dim3A_1275 : f32 to vector<16xf32>
    %broadcast_in_dim3A_1277 = arith.constant 0.000000e+00 : f32
    %broadcast_in_dim3A_1278 = vector.broadcast %broadcast_in_dim3A_1277 : f32 to vector<16xf32>
    %broadcast_in_dim3A_1279 = arith.constant 0.000000e+00 : f32
    %broadcast_in_dim3A_1280 = vector.broadcast %broadcast_in_dim3A_1279 : f32 to vector<16xf32>
    %broadcast_in_dim3A_1281 = arith.constant 0.000000e+00 : f32
    %broadcast_in_dim3A_1282 = vector.broadcast %broadcast_in_dim3A_1281 : f32 to vector<16xf32>
    %broadcast_in_dim3A_1283 = arith.constant 0.000000e+00 : f32
    %broadcast_in_dim3A_1284 = vector.broadcast %broadcast_in_dim3A_1283 : f32 to vector<16xf32>
    %broadcast_in_dim3A_1285 = arith.constant 0.000000e+00 : f32
    %broadcast_in_dim3A_1286 = vector.broadcast %broadcast_in_dim3A_1285 : f32 to vector<16xf32>
    %broadcast_in_dim3A_1287 = arith.constant 0.000000e+00 : f32
    %broadcast_in_dim3A_1288 = vector.broadcast %broadcast_in_dim3A_1287 : f32 to vector<16xf32>
    %broadcast_in_dim3A_1289 = arith.constant 0.000000e+00 : f32
    %broadcast_in_dim3A_1290 = vector.broadcast %broadcast_in_dim3A_1289 : f32 to vector<16xf32>
    %broadcast_in_dim3A_1291 = arith.constant 0.000000e+00 : f32
    %broadcast_in_dim3A_1292 = vector.broadcast %broadcast_in_dim3A_1291 : f32 to vector<16xf32>
    %broadcast_in_dim3A_1293 = arith.constant 0.000000e+00 : f32
    %broadcast_in_dim3A_1294 = vector.broadcast %broadcast_in_dim3A_1293 : f32 to vector<16xf32>
    %broadcast_in_dim3A_1295 = arith.constant 0.000000e+00 : f32
    %broadcast_in_dim3A_1296 = vector.broadcast %broadcast_in_dim3A_1295 : f32 to vector<16xf32>
    %broadcast_in_dim3A_1297 = arith.constant 0.000000e+00 : f32
    %broadcast_in_dim3A_1298 = vector.broadcast %broadcast_in_dim3A_1297 : f32 to vector<16xf32>
    %broadcast_in_dim3A_1299 = arith.constant 0.000000e+00 : f32
    %broadcast_in_dim3A_1300 = vector.broadcast %broadcast_in_dim3A_1299 : f32 to vector<16xf32>
    %broadcast_in_dim3A_1301 = arith.constant 0.000000e+00 : f32
    %broadcast_in_dim3A_1302 = vector.broadcast %broadcast_in_dim3A_1301 : f32 to vector<16xf32>
    %broadcast_in_dim3A_1303 = arith.constant 0.000000e+00 : f32
    %broadcast_in_dim3A_1304 = vector.broadcast %broadcast_in_dim3A_1303 : f32 to vector<16xf32>
    %broadcast_in_dim3A_1305 = arith.constant 0.000000e+00 : f32
    %broadcast_in_dim3A_1306 = vector.broadcast %broadcast_in_dim3A_1305 : f32 to vector<16xf32>
    %broadcast_in_dim3A_1307 = arith.constant 0.000000e+00 : f32
    %broadcast_in_dim3A_1308 = vector.broadcast %broadcast_in_dim3A_1307 : f32 to vector<16xf32>
    %broadcast_in_dim3A_1309 = arith.constant 0.000000e+00 : f32
    %broadcast_in_dim3A_1310 = vector.broadcast %broadcast_in_dim3A_1309 : f32 to vector<16xf32>
    %broadcast_in_dim3A_1311 = arith.constant 0.000000e+00 : f32
    %broadcast_in_dim3A_1312 = vector.broadcast %broadcast_in_dim3A_1311 : f32 to vector<16xf32>
    %broadcast_in_dim3A_1313 = arith.constant 0.000000e+00 : f32
    %broadcast_in_dim3A_1314 = vector.broadcast %broadcast_in_dim3A_1313 : f32 to vector<16xf32>
    %broadcast_in_dim3A_1315 = arith.constant 0.000000e+00 : f32
    %broadcast_in_dim3A_1316 = vector.broadcast %broadcast_in_dim3A_1315 : f32 to vector<16xf32>
    %broadcast_in_dim3A_1317 = arith.constant 0.000000e+00 : f32
    %broadcast_in_dim3A_1318 = vector.broadcast %broadcast_in_dim3A_1317 : f32 to vector<16xf32>
    %broadcast_in_dim3A_1319 = arith.constant 0.000000e+00 : f32
    %broadcast_in_dim3A_1320 = vector.broadcast %broadcast_in_dim3A_1319 : f32 to vector<16xf32>
    %broadcast_in_dim3A_1321 = arith.constant 0.000000e+00 : f32
    %broadcast_in_dim3A_1322 = vector.broadcast %broadcast_in_dim3A_1321 : f32 to vector<16xf32>
    %broadcast_in_dim3A_1323 = arith.constant 0.000000e+00 : f32
    %broadcast_in_dim3A_1324 = vector.broadcast %broadcast_in_dim3A_1323 : f32 to vector<16xf32>
    %scan3A = arith.constant 0 : i32
    %scan3A_1325 = arith.constant 128 : i32
    %scan3A_1326 = arith.addi %scan3A, %scan3A_1325 : i32
    %scan3A_1327 = arith.constant 1 : i32
    %scan3A_1328:32 = scf.for %scan3A_1394 = %scan3A to %scan3A_1326 step %scan3A_1327 iter_args(%scan3A_1395 = %broadcast_in_dim3A_1262, %scan3A_1396 = %broadcast_in_dim3A_1264, %scan3A_1397 = %broadcast_in_dim3A_1266, %scan3A_1398 = %broadcast_in_dim3A_1268, %scan3A_1399 = %broadcast_in_dim3A_1270, %scan3A_1400 = %broadcast_in_dim3A_1272, %scan3A_1401 = %broadcast_in_dim3A_1274, %scan3A_1402 = %broadcast_in_dim3A_1276, %scan3A_1403 = %broadcast_in_dim3A_1278, %scan3A_1404 = %broadcast_in_dim3A_1280, %scan3A_1405 = %broadcast_in_dim3A_1282, %scan3A_1406 = %broadcast_in_dim3A_1284, %scan3A_1407 = %broadcast_in_dim3A_1286, %scan3A_1408 = %broadcast_in_dim3A_1288, %scan3A_1409 = %broadcast_in_dim3A_1290, %scan3A_1410 = %broadcast_in_dim3A_1292, %scan3A_1411 = %broadcast_in_dim3A_1294, %scan3A_1412 = %broadcast_in_dim3A_1296, %scan3A_1413 = %broadcast_in_dim3A_1298, %scan3A_1414 = %broadcast_in_dim3A_1300, %scan3A_1415 = %broadcast_in_dim3A_1302, %scan3A_1416 = %broadcast_in_dim3A_1304, %scan3A_1417 = %broadcast_in_dim3A_1306, %scan3A_1418 = %broadcast_in_dim3A_1308, %scan3A_1419 = %broadcast_in_dim3A_1310, %scan3A_1420 = %broadcast_in_dim3A_1312, %scan3A_1421 = %broadcast_in_dim3A_1314, %scan3A_1422 = %broadcast_in_dim3A_1316, %scan3A_1423 = %broadcast_in_dim3A_1318, %scan3A_1424 = %broadcast_in_dim3A_1320, %scan3A_1425 = %broadcast_in_dim3A_1322, %scan3A_1426 = %broadcast_in_dim3A_1324) -> (vector<16xf32>, vector<16xf32>, vector<16xf32>, vector<16xf32>, vector<16xf32>, vector<16xf32>, vector<16xf32>, vector<16xf32>, vector<16xf32>, vector<16xf32>, vector<16xf32>, vector<16xf32>, vector<16xf32>, vector<16xf32>, vector<16xf32>, vector<16xf32>, vector<16xf32>, vector<16xf32>, vector<16xf32>, vector<16xf32>, vector<16xf32>, vector<16xf32>, vector<16xf32>, vector<16xf32>, vector<16xf32>, vector<16xf32>, vector<16xf32>, vector<16xf32>, vector<16xf32>, vector<16xf32>, vector<16xf32>, vector<16xf32>)  : i32 {
      %get3A_1427 = arith.index_cast %scan3A_1394 : i32 to index
      %get3A_1428 = arith.constant 0 : index
      %get3A_1429 = tpu.vector_load %arg21[%get3A_1427, %get3A_1428] {strides = array<i32>} : memref<128x512xf32, #tpu.memory_space<vmem>>, vector<16xf32>,
      %add3A_1430 = arith.addf %scan3A_1395, %get3A_1429 : vector<16xf32>
      %get3A_1431 = arith.index_cast %scan3A_1394 : i32 to index
      %get3A_1432 = arith.constant 16 : index
      %get3A_1433 = tpu.vector_load %arg21[%get3A_1431, %get3A_1432] {strides = array<i32>} : memref<128x512xf32, #tpu.memory_space<vmem>>, vector<16xf32>,
      %add3A_1434 = arith.addf %scan3A_1396, %get3A_1433 : vector<16xf32>
      %get3A_1435 = arith.index_cast %scan3A_1394 : i32 to index
      %get3A_1436 = arith.constant 32 : index
      %get3A_1437 = tpu.vector_load %arg21[%get3A_1435, %get3A_1436] {strides = array<i32>} : memref<128x512xf32, #tpu.memory_space<vmem>>, vector<16xf32>,
      %add3A_1438 = arith.addf %scan3A_1397, %get3A_1437 : vector<16xf32>
      %get3A_1439 = arith.index_cast %scan3A_1394 : i32 to index
      %get3A_1440 = arith.constant 48 : index
      %get3A_1441 = tpu.vector_load %arg21[%get3A_1439, %get3A_1440] {strides = array<i32>} : memref<128x512xf32, #tpu.memory_space<vmem>>, vector<16xf32>,
      %add3A_1442 = arith.addf %scan3A_1398, %get3A_1441 : vector<16xf32>
      %get3A_1443 = arith.index_cast %scan3A_1394 : i32 to index
      %get3A_1444 = arith.constant 64 : index
      %get3A_1445 = tpu.vector_load %arg21[%get3A_1443, %get3A_1444] {strides = array<i32>} : memref<128x512xf32, #tpu.memory_space<vmem>>, vector<16xf32>,
      %add3A_1446 = arith.addf %scan3A_1399, %get3A_1445 : vector<16xf32>
      %get3A_1447 = arith.index_cast %scan3A_1394 : i32 to index
      %get3A_1448 = arith.constant 80 : index
      %get3A_1449 = tpu.vector_load %arg21[%get3A_1447, %get3A_1448] {strides = array<i32>} : memref<128x512xf32, #tpu.memory_space<vmem>>, vector<16xf32>,
      %add3A_1450 = arith.addf %scan3A_1400, %get3A_1449 : vector<16xf32>
      %get3A_1451 = arith.index_cast %scan3A_1394 : i32 to index
      %get3A_1452 = arith.constant 96 : index
      %get3A_1453 = tpu.vector_load %arg21[%get3A_1451, %get3A_1452] {strides = array<i32>} : memref<128x512xf32, #tpu.memory_space<vmem>>, vector<16xf32>,
      %add3A_1454 = arith.addf %scan3A_1401, %get3A_1453 : vector<16xf32>
      %get3A_1455 = arith.index_cast %scan3A_1394 : i32 to index
      %get3A_1456 = arith.constant 112 : index
      %get3A_1457 = tpu.vector_load %arg21[%get3A_1455, %get3A_1456] {strides = array<i32>} : memref<128x512xf32, #tpu.memory_space<vmem>>, vector<16xf32>,
      %add3A_1458 = arith.addf %scan3A_1402, %get3A_1457 : vector<16xf32>
      %get3A_1459 = arith.index_cast %scan3A_1394 : i32 to index
      %get3A_1460 = arith.constant 128 : index
      %get3A_1461 = tpu.vector_load %arg21[%get3A_1459, %get3A_1460] {strides = array<i32>} : memref<128x512xf32, #tpu.memory_space<vmem>>, vector<16xf32>,
      %add3A_1462 = arith.addf %scan3A_1403, %get3A_1461 : vector<16xf32>
      %get3A_1463 = arith.index_cast %scan3A_1394 : i32 to index
      %get3A_1464 = arith.constant 144 : index
      %get3A_1465 = tpu.vector_load %arg21[%get3A_1463, %get3A_1464] {strides = array<i32>} : memref<128x512xf32, #tpu.memory_space<vmem>>, vector<16xf32>,
      %add3A_1466 = arith.addf %scan3A_1404, %get3A_1465 : vector<16xf32>
      %get3A_1467 = arith.index_cast %scan3A_1394 : i32 to index
      %get3A_1468 = arith.constant 160 : index
      %get3A_1469 = tpu.vector_load %arg21[%get3A_1467, %get3A_1468] {strides = array<i32>} : memref<128x512xf32, #tpu.memory_space<vmem>>, vector<16xf32>,
      %add3A_1470 = arith.addf %scan3A_1405, %get3A_1469 : vector<16xf32>
      %get3A_1471 = arith.index_cast %scan3A_1394 : i32 to index
      %get3A_1472 = arith.constant 176 : index
      %get3A_1473 = tpu.vector_load %arg21[%get3A_1471, %get3A_1472] {strides = array<i32>} : memref<128x512xf32, #tpu.memory_space<vmem>>, vector<16xf32>,
      %add3A_1474 = arith.addf %scan3A_1406, %get3A_1473 : vector<16xf32>
      %get3A_1475 = arith.index_cast %scan3A_1394 : i32 to index
      %get3A_1476 = arith.constant 192 : index
      %get3A_1477 = tpu.vector_load %arg21[%get3A_1475, %get3A_1476] {strides = array<i32>} : memref<128x512xf32, #tpu.memory_space<vmem>>, vector<16xf32>,
      %add3A_1478 = arith.addf %scan3A_1407, %get3A_1477 : vector<16xf32>
      %get3A_1479 = arith.index_cast %scan3A_1394 : i32 to index
      %get3A_1480 = arith.constant 208 : index
      %get3A_1481 = tpu.vector_load %arg21[%get3A_1479, %get3A_1480] {strides = array<i32>} : memref<128x512xf32, #tpu.memory_space<vmem>>, vector<16xf32>,
      %add3A_1482 = arith.addf %scan3A_1408, %get3A_1481 : vector<16xf32>
      %get3A_1483 = arith.index_cast %scan3A_1394 : i32 to index
      %get3A_1484 = arith.constant 224 : index
      %get3A_1485 = tpu.vector_load %arg21[%get3A_1483, %get3A_1484] {strides = array<i32>} : memref<128x512xf32, #tpu.memory_space<vmem>>, vector<16xf32>,
      %add3A_1486 = arith.addf %scan3A_1409, %get3A_1485 : vector<16xf32>
      %get3A_1487 = arith.index_cast %scan3A_1394 : i32 to index
      %get3A_1488 = arith.constant 240 : index
      %get3A_1489 = tpu.vector_load %arg21[%get3A_1487, %get3A_1488] {strides = array<i32>} : memref<128x512xf32, #tpu.memory_space<vmem>>, vector<16xf32>,
      %add3A_1490 = arith.addf %scan3A_1410, %get3A_1489 : vector<16xf32>
      %get3A_1491 = arith.index_cast %scan3A_1394 : i32 to index
      %get3A_1492 = arith.constant 256 : index
      %get3A_1493 = tpu.vector_load %arg21[%get3A_1491, %get3A_1492] {strides = array<i32>} : memref<128x512xf32, #tpu.memory_space<vmem>>, vector<16xf32>,
      %add3A_1494 = arith.addf %scan3A_1411, %get3A_1493 : vector<16xf32>
      %get3A_1495 = arith.index_cast %scan3A_1394 : i32 to index
      %get3A_1496 = arith.constant 272 : index
      %get3A_1497 = tpu.vector_load %arg21[%get3A_1495, %get3A_1496] {strides = array<i32>} : memref<128x512xf32, #tpu.memory_space<vmem>>, vector<16xf32>,
      %add3A_1498 = arith.addf %scan3A_1412, %get3A_1497 : vector<16xf32>
      %get3A_1499 = arith.index_cast %scan3A_1394 : i32 to index
      %get3A_1500 = arith.constant 288 : index
      %get3A_1501 = tpu.vector_load %arg21[%get3A_1499, %get3A_1500] {strides = array<i32>} : memref<128x512xf32, #tpu.memory_space<vmem>>, vector<16xf32>,
      %add3A_1502 = arith.addf %scan3A_1413, %get3A_1501 : vector<16xf32>
      %get3A_1503 = arith.index_cast %scan3A_1394 : i32 to index
      %get3A_1504 = arith.constant 304 : index
      %get3A_1505 = tpu.vector_load %arg21[%get3A_1503, %get3A_1504] {strides = array<i32>} : memref<128x512xf32, #tpu.memory_space<vmem>>, vector<16xf32>,
      %add3A_1506 = arith.addf %scan3A_1414, %get3A_1505 : vector<16xf32>
      %get3A_1507 = arith.index_cast %scan3A_1394 : i32 to index
      %get3A_1508 = arith.constant 320 : index
      %get3A_1509 = tpu.vector_load %arg21[%get3A_1507, %get3A_1508] {strides = array<i32>} : memref<128x512xf32, #tpu.memory_space<vmem>>, vector<16xf32>,
      %add3A_1510 = arith.addf %scan3A_1415, %get3A_1509 : vector<16xf32>
      %get3A_1511 = arith.index_cast %scan3A_1394 : i32 to index
      %get3A_1512 = arith.constant 336 : index
      %get3A_1513 = tpu.vector_load %arg21[%get3A_1511, %get3A_1512] {strides = array<i32>} : memref<128x512xf32, #tpu.memory_space<vmem>>, vector<16xf32>,
      %add3A_1514 = arith.addf %scan3A_1416, %get3A_1513 : vector<16xf32>
      %get3A_1515 = arith.index_cast %scan3A_1394 : i32 to index
      %get3A_1516 = arith.constant 352 : index
      %get3A_1517 = tpu.vector_load %arg21[%get3A_1515, %get3A_1516] {strides = array<i32>} : memref<128x512xf32, #tpu.memory_space<vmem>>, vector<16xf32>,
      %add3A_1518 = arith.addf %scan3A_1417, %get3A_1517 : vector<16xf32>
      %get3A_1519 = arith.index_cast %scan3A_1394 : i32 to index
      %get3A_1520 = arith.constant 368 : index
      %get3A_1521 = tpu.vector_load %arg21[%get3A_1519, %get3A_1520] {strides = array<i32>} : memref<128x512xf32, #tpu.memory_space<vmem>>, vector<16xf32>,
      %add3A_1522 = arith.addf %scan3A_1418, %get3A_1521 : vector<16xf32>
      %get3A_1523 = arith.index_cast %scan3A_1394 : i32 to index
      %get3A_1524 = arith.constant 384 : index
      %get3A_1525 = tpu.vector_load %arg21[%get3A_1523, %get3A_1524] {strides = array<i32>} : memref<128x512xf32, #tpu.memory_space<vmem>>, vector<16xf32>,
      %add3A_1526 = arith.addf %scan3A_1419, %get3A_1525 : vector<16xf32>
      %get3A_1527 = arith.index_cast %scan3A_1394 : i32 to index
      %get3A_1528 = arith.constant 400 : index
      %get3A_1529 = tpu.vector_load %arg21[%get3A_1527, %get3A_1528] {strides = array<i32>} : memref<128x512xf32, #tpu.memory_space<vmem>>, vector<16xf32>,
      %add3A_1530 = arith.addf %scan3A_1420, %get3A_1529 : vector<16xf32>
      %get3A_1531 = arith.index_cast %scan3A_1394 : i32 to index
      %get3A_1532 = arith.constant 416 : index
      %get3A_1533 = tpu.vector_load %arg21[%get3A_1531, %get3A_1532] {strides = array<i32>} : memref<128x512xf32, #tpu.memory_space<vmem>>, vector<16xf32>,
      %add3A_1534 = arith.addf %scan3A_1421, %get3A_1533 : vector<16xf32>
      %get3A_1535 = arith.index_cast %scan3A_1394 : i32 to index
      %get3A_1536 = arith.constant 432 : index
      %get3A_1537 = tpu.vector_load %arg21[%get3A_1535, %get3A_1536] {strides = array<i32>} : memref<128x512xf32, #tpu.memory_space<vmem>>, vector<16xf32>,
      %add3A_1538 = arith.addf %scan3A_1422, %get3A_1537 : vector<16xf32>
      %get3A_1539 = arith.index_cast %scan3A_1394 : i32 to index
      %get3A_1540 = arith.constant 448 : index
      %get3A_1541 = tpu.vector_load %arg21[%get3A_1539, %get3A_1540] {strides = array<i32>} : memref<128x512xf32, #tpu.memory_space<vmem>>, vector<16xf32>,
      %add3A_1542 = arith.addf %scan3A_1423, %get3A_1541 : vector<16xf32>
      %get3A_1543 = arith.index_cast %scan3A_1394 : i32 to index
      %get3A_1544 = arith.constant 464 : index
      %get3A_1545 = tpu.vector_load %arg21[%get3A_1543, %get3A_1544] {strides = array<i32>} : memref<128x512xf32, #tpu.memory_space<vmem>>, vector<16xf32>,
      %add3A_1546 = arith.addf %scan3A_1424, %get3A_1545 : vector<16xf32>
      %get3A_1547 = arith.index_cast %scan3A_1394 : i32 to index
      %get3A_1548 = arith.constant 480 : index
      %get3A_1549 = tpu.vector_load %arg21[%get3A_1547, %get3A_1548] {strides = array<i32>} : memref<128x512xf32, #tpu.memory_space<vmem>>, vector<16xf32>,
      %add3A_1550 = arith.addf %scan3A_1425, %get3A_1549 : vector<16xf32>
      %get3A_1551 = arith.index_cast %scan3A_1394 : i32 to index
      %get3A_1552 = arith.constant 496 : index
      %get3A_1553 = tpu.vector_load %arg21[%get3A_1551, %get3A_1552] {strides = array<i32>} : memref<128x512xf32, #tpu.memory_space<vmem>>, vector<16xf32>,
      %add3A_1554 = arith.addf %scan3A_1426, %get3A_1553 : vector<16xf32>
      scf.yield %add3A_1430, %add3A_1434, %add3A_1438, %add3A_1442, %add3A_1446, %add3A_1450, %add3A_1454, %add3A_1458, %add3A_1462, %add3A_1466, %add3A_1470, %add3A_1474, %add3A_1478, %add3A_1482, %add3A_1486, %add3A_1490, %add3A_1494, %add3A_1498, %add3A_1502, %add3A_1506, %add3A_1510, %add3A_1514, %add3A_1518, %add3A_1522, %add3A_1526, %add3A_1530, %add3A_1534, %add3A_1538, %add3A_1542, %add3A_1546, %add3A_1550, %add3A_1554 : vector<16xf32>, vector<16xf32>, vector<16xf32>, vector<16xf32>, vector<16xf32>, vector<16xf32>, vector<16xf32>, vector<16xf32>, vector<16xf32>, vector<16xf32>, vector<16xf32>, vector<16xf32>, vector<16xf32>, vector<16xf32>, vector<16xf32>, vector<16xf32>, vector<16xf32>, vector<16xf32>, vector<16xf32>, vector<16xf32>, vector<16xf32>, vector<16xf32>, vector<16xf32>, vector<16xf32>, vector<16xf32>, vector<16xf32>, vector<16xf32>, vector<16xf32>, vector<16xf32>, vector<16xf32>, vector<16xf32>, vector<16xf32>
    }
    %scan3A_1329 = arith.constant 128 : i32
    %swap3A_1330 = arith.constant 0 : index
    %swap3A_1331 = tpu.vector_load %arg22[%swap3A_1330] {strides = array<i32>} : memref<512xf32, #tpu.memory_space<vmem>>, vector<16xf32>,
    tpu.vector_store %arg22[%swap3A_1330], %scan3A_1328#0 {strides = array<i32>} : memref<512xf32, #tpu.memory_space<vmem>>, vector<16xf32>,
    %swap3A_1332 = arith.constant 16 : index
    %swap3A_1333 = tpu.vector_load %arg22[%swap3A_1332] {strides = array<i32>} : memref<512xf32, #tpu.memory_space<vmem>>, vector<16xf32>,
    tpu.vector_store %arg22[%swap3A_1332], %scan3A_1328#1 {strides = array<i32>} : memref<512xf32, #tpu.memory_space<vmem>>, vector<16xf32>,
    %swap3A_1334 = arith.constant 32 : index
    %swap3A_1335 = tpu.vector_load %arg22[%swap3A_1334] {strides = array<i32>} : memref<512xf32, #tpu.memory_space<vmem>>, vector<16xf32>,
    tpu.vector_store %arg22[%swap3A_1334], %scan3A_1328#2 {strides = array<i32>} : memref<512xf32, #tpu.memory_space<vmem>>, vector<16xf32>,
    %swap3A_1336 = arith.constant 48 : index
    %swap3A_1337 = tpu.vector_load %arg22[%swap3A_1336] {strides = array<i32>} : memref<512xf32, #tpu.memory_space<vmem>>, vector<16xf32>,
    tpu.vector_store %arg22[%swap3A_1336], %scan3A_1328#3 {strides = array<i32>} : memref<512xf32, #tpu.memory_space<vmem>>, vector<16xf32>,
    %swap3A_1338 = arith.constant 64 : index
    %swap3A_1339 = tpu.vector_load %arg22[%swap3A_1338] {strides = array<i32>} : memref<512xf32, #tpu.memory_space<vmem>>, vector<16xf32>,
    tpu.vector_store %arg22[%swap3A_1338], %scan3A_1328#4 {strides = array<i32>} : memref<512xf32, #tpu.memory_space<vmem>>, vector<16xf32>,
    %swap3A_1340 = arith.constant 80 : index
    %swap3A_1341 = tpu.vector_load %arg22[%swap3A_1340] {strides = array<i32>} : memref<512xf32, #tpu.memory_space<vmem>>, vector<16xf32>,
    tpu.vector_store %arg22[%swap3A_1340], %scan3A_1328#5 {strides = array<i32>} : memref<512xf32, #tpu.memory_space<vmem>>, vector<16xf32>,
    %swap3A_1342 = arith.constant 96 : index
    %swap3A_1343 = tpu.vector_load %arg22[%swap3A_1342] {strides = array<i32>} : memref<512xf32, #tpu.memory_space<vmem>>, vector<16xf32>,
    tpu.vector_store %arg22[%swap3A_1342], %scan3A_1328#6 {strides = array<i32>} : memref<512xf32, #tpu.memory_space<vmem>>, vector<16xf32>,
    %swap3A_1344 = arith.constant 112 : index
    %swap3A_1345 = tpu.vector_load %arg22[%swap3A_1344] {strides = array<i32>} : memref<512xf32, #tpu.memory_space<vmem>>, vector<16xf32>,
    tpu.vector_store %arg22[%swap3A_1344], %scan3A_1328#7 {strides = array<i32>} : memref<512xf32, #tpu.memory_space<vmem>>, vector<16xf32>,
    %swap3A_1346 = arith.constant 128 : index
    %swap3A_1347 = tpu.vector_load %arg22[%swap3A_1346] {strides = array<i32>} : memref<512xf32, #tpu.memory_space<vmem>>, vector<16xf32>,
    tpu.vector_store %arg22[%swap3A_1346], %scan3A_1328#8 {strides = array<i32>} : memref<512xf32, #tpu.memory_space<vmem>>, vector<16xf32>,
    %swap3A_1348 = arith.constant 144 : index
    %swap3A_1349 = tpu.vector_load %arg22[%swap3A_1348] {strides = array<i32>} : memref<512xf32, #tpu.memory_space<vmem>>, vector<16xf32>,
    tpu.vector_store %arg22[%swap3A_1348], %scan3A_1328#9 {strides = array<i32>} : memref<512xf32, #tpu.memory_space<vmem>>, vector<16xf32>,
    %swap3A_1350 = arith.constant 160 : index
    %swap3A_1351 = tpu.vector_load %arg22[%swap3A_1350] {strides = array<i32>} : memref<512xf32, #tpu.memory_space<vmem>>, vector<16xf32>,
    tpu.vector_store %arg22[%swap3A_1350], %scan3A_1328#10 {strides = array<i32>} : memref<512xf32, #tpu.memory_space<vmem>>, vector<16xf32>,
    %swap3A_1352 = arith.constant 176 : index
    %swap3A_1353 = tpu.vector_load %arg22[%swap3A_1352] {strides = array<i32>} : memref<512xf32, #tpu.memory_space<vmem>>, vector<16xf32>,
    tpu.vector_store %arg22[%swap3A_1352], %scan3A_1328#11 {strides = array<i32>} : memref<512xf32, #tpu.memory_space<vmem>>, vector<16xf32>,
    %swap3A_1354 = arith.constant 192 : index
    %swap3A_1355 = tpu.vector_load %arg22[%swap3A_1354] {strides = array<i32>} : memref<512xf32, #tpu.memory_space<vmem>>, vector<16xf32>,
    tpu.vector_store %arg22[%swap3A_1354], %scan3A_1328#12 {strides = array<i32>} : memref<512xf32, #tpu.memory_space<vmem>>, vector<16xf32>,
    %swap3A_1356 = arith.constant 208 : index
    %swap3A_1357 = tpu.vector_load %arg22[%swap3A_1356] {strides = array<i32>} : memref<512xf32, #tpu.memory_space<vmem>>, vector<16xf32>,
    tpu.vector_store %arg22[%swap3A_1356], %scan3A_1328#13 {strides = array<i32>} : memref<512xf32, #tpu.memory_space<vmem>>, vector<16xf32>,
    %swap3A_1358 = arith.constant 224 : index
    %swap3A_1359 = tpu.vector_load %arg22[%swap3A_1358] {strides = array<i32>} : memref<512xf32, #tpu.memory_space<vmem>>, vector<16xf32>,
    tpu.vector_store %arg22[%swap3A_1358], %scan3A_1328#14 {strides = array<i32>} : memref<512xf32, #tpu.memory_space<vmem>>, vector<16xf32>,
    %swap3A_1360 = arith.constant 240 : index
    %swap3A_1361 = tpu.vector_load %arg22[%swap3A_1360] {strides = array<i32>} : memref<512xf32, #tpu.memory_space<vmem>>, vector<16xf32>,
    tpu.vector_store %arg22[%swap3A_1360], %scan3A_1328#15 {strides = array<i32>} : memref<512xf32, #tpu.memory_space<vmem>>, vector<16xf32>,
    %swap3A_1362 = arith.constant 256 : index
    %swap3A_1363 = tpu.vector_load %arg22[%swap3A_1362] {strides = array<i32>} : memref<512xf32, #tpu.memory_space<vmem>>, vector<16xf32>,
    tpu.vector_store %arg22[%swap3A_1362], %scan3A_1328#16 {strides = array<i32>} : memref<512xf32, #tpu.memory_space<vmem>>, vector<16xf32>,
    %swap3A_1364 = arith.constant 272 : index
    %swap3A_1365 = tpu.vector_load %arg22[%swap3A_1364] {strides = array<i32>} : memref<512xf32, #tpu.memory_space<vmem>>, vector<16xf32>,
    tpu.vector_store %arg22[%swap3A_1364], %scan3A_1328#17 {strides = array<i32>} : memref<512xf32, #tpu.memory_space<vmem>>, vector<16xf32>,
    %swap3A_1366 = arith.constant 288 : index
    %swap3A_1367 = tpu.vector_load %arg22[%swap3A_1366] {strides = array<i32>} : memref<512xf32, #tpu.memory_space<vmem>>, vector<16xf32>,
    tpu.vector_store %arg22[%swap3A_1366], %scan3A_1328#18 {strides = array<i32>} : memref<512xf32, #tpu.memory_space<vmem>>, vector<16xf32>,
    %swap3A_1368 = arith.constant 304 : index
    %swap3A_1369 = tpu.vector_load %arg22[%swap3A_1368] {strides = array<i32>} : memref<512xf32, #tpu.memory_space<vmem>>, vector<16xf32>,
    tpu.vector_store %arg22[%swap3A_1368], %scan3A_1328#19 {strides = array<i32>} : memref<512xf32, #tpu.memory_space<vmem>>, vector<16xf32>,
    %swap3A_1370 = arith.constant 320 : index
    %swap3A_1371 = tpu.vector_load %arg22[%swap3A_1370] {strides = array<i32>} : memref<512xf32, #tpu.memory_space<vmem>>, vector<16xf32>,
    tpu.vector_store %arg22[%swap3A_1370], %scan3A_1328#20 {strides = array<i32>} : memref<512xf32, #tpu.memory_space<vmem>>, vector<16xf32>,
    %swap3A_1372 = arith.constant 336 : index
    %swap3A_1373 = tpu.vector_load %arg22[%swap3A_1372] {strides = array<i32>} : memref<512xf32, #tpu.memory_space<vmem>>, vector<16xf32>,
    tpu.vector_store %arg22[%swap3A_1372], %scan3A_1328#21 {strides = array<i32>} : memref<512xf32, #tpu.memory_space<vmem>>, vector<16xf32>,
    %swap3A_1374 = arith.constant 352 : index
    %swap3A_1375 = tpu.vector_load %arg22[%swap3A_1374] {strides = array<i32>} : memref<512xf32, #tpu.memory_space<vmem>>, vector<16xf32>,
    tpu.vector_store %arg22[%swap3A_1374], %scan3A_1328#22 {strides = array<i32>} : memref<512xf32, #tpu.memory_space<vmem>>, vector<16xf32>,
    %swap3A_1376 = arith.constant 368 : index
    %swap3A_1377 = tpu.vector_load %arg22[%swap3A_1376] {strides = array<i32>} : memref<512xf32, #tpu.memory_space<vmem>>, vector<16xf32>,
    tpu.vector_store %arg22[%swap3A_1376], %scan3A_1328#23 {strides = array<i32>} : memref<512xf32, #tpu.memory_space<vmem>>, vector<16xf32>,
    %swap3A_1378 = arith.constant 384 : index
    %swap3A_1379 = tpu.vector_load %arg22[%swap3A_1378] {strides = array<i32>} : memref<512xf32, #tpu.memory_space<vmem>>, vector<16xf32>,
    tpu.vector_store %arg22[%swap3A_1378], %scan3A_1328#24 {strides = array<i32>} : memref<512xf32, #tpu.memory_space<vmem>>, vector<16xf32>,
    %swap3A_1380 = arith.constant 400 : index
    %swap3A_1381 = tpu.vector_load %arg22[%swap3A_1380] {strides = array<i32>} : memref<512xf32, #tpu.memory_space<vmem>>, vector<16xf32>,
    tpu.vector_store %arg22[%swap3A_1380], %scan3A_1328#25 {strides = array<i32>} : memref<512xf32, #tpu.memory_space<vmem>>, vector<16xf32>,
    %swap3A_1382 = arith.constant 416 : index
    %swap3A_1383 = tpu.vector_load %arg22[%swap3A_1382] {strides = array<i32>} : memref<512xf32, #tpu.memory_space<vmem>>, vector<16xf32>,
    tpu.vector_store %arg22[%swap3A_1382], %scan3A_1328#26 {strides = array<i32>} : memref<512xf32, #tpu.memory_space<vmem>>, vector<16xf32>,
    %swap3A_1384 = arith.constant 432 : index
    %swap3A_1385 = tpu.vector_load %arg22[%swap3A_1384] {strides = array<i32>} : memref<512xf32, #tpu.memory_space<vmem>>, vector<16xf32>,
    tpu.vector_store %arg22[%swap3A_1384], %scan3A_1328#27 {strides = array<i32>} : memref<512xf32, #tpu.memory_space<vmem>>, vector<16xf32>,
    %swap3A_1386 = arith.constant 448 : index
    %swap3A_1387 = tpu.vector_load %arg22[%swap3A_1386] {strides = array<i32>} : memref<512xf32, #tpu.memory_space<vmem>>, vector<16xf32>,
    tpu.vector_store %arg22[%swap3A_1386], %scan3A_1328#28 {strides = array<i32>} : memref<512xf32, #tpu.memory_space<vmem>>, vector<16xf32>,
    %swap3A_1388 = arith.constant 464 : index
    %swap3A_1389 = tpu.vector_load %arg22[%swap3A_1388] {strides = array<i32>} : memref<512xf32, #tpu.memory_space<vmem>>, vector<16xf32>,
    tpu.vector_store %arg22[%swap3A_1388], %scan3A_1328#29 {strides = array<i32>} : memref<512xf32, #tpu.memory_space<vmem>>, vector<16xf32>,
    %swap3A_1390 = arith.constant 480 : index
    %swap3A_1391 = tpu.vector_load %arg22[%swap3A_1390] {strides = array<i32>} : memref<512xf32, #tpu.memory_space<vmem>>, vector<16xf32>,
    tpu.vector_store %arg22[%swap3A_1390], %scan3A_1328#30 {strides = array<i32>} : memref<512xf32, #tpu.memory_space<vmem>>, vector<16xf32>,
    %swap3A_1392 = arith.constant 496 : index
    %swap3A_1393 = tpu.vector_load %arg22[%swap3A_1392] {strides = array<i32>} : memref<512xf32, #tpu.memory_space<vmem>>, vector<16xf32>,
    tpu.vector_store %arg22[%swap3A_1392], %scan3A_1328#31 {strides = array<i32>} : memref<512xf32, #tpu.memory_space<vmem>>, vector<16xf32>,
    "tpu.region"() ({
      %run_scoped3A = tpu.sem_alloc : memref<!tpu.dma_semaphore, #tpu.memory_space<semaphore_mem>>
      %dma_start3A_1394 = arith.constant 0 : i32
      %dma_start3A_1395 = tpu.memref_slice %arg7[%arg1, %dma_start3A_1394] : memref<16x512xf32, #tpu.memory_space<hbm>> -> memref<1x512xf32, #tpu.memory_space<hbm>>
      %dma_start3A_1396 = tpu.memref_squeeze %dma_start3A_1395 : memref<1x512xf32, #tpu.memory_space<hbm>> -> memref<512xf32, #tpu.memory_space<hbm>>
      %dma_start3A_1397 = arith.constant 0 : i32
      %dma_start3A_1398 = tpu.memref_slice %arg7[%arg1, %dma_start3A_1397] : memref<16x512xf32, #tpu.memory_space<hbm>> -> memref<1x512xf32, #tpu.memory_space<hbm>>
      %dma_start3A_1399 = tpu.memref_squeeze %dma_start3A_1398 : memref<1x512xf32, #tpu.memory_space<hbm>> -> memref<512xf32, #tpu.memory_space<hbm>>
      tpu.enqueue_dma source(%arg22 : memref<512xf32, #tpu.memory_space<vmem>>) target(%dma_start3A_1399 : memref<512xf32, #tpu.memory_space<hbm>>) target_semaphore(%run_scoped3A : memref<!tpu.dma_semaphore, #tpu.memory_space<semaphore_mem>>)
      %dma_wait3A_1400 = arith.constant 0 : i32
      %dma_wait3A_1401 = tpu.memref_slice %arg7[%arg1, %dma_wait3A_1400] : memref<16x512xf32, #tpu.memory_space<hbm>> -> memref<1x512xf32, #tpu.memory_space<hbm>>
      %dma_wait3A_1402 = tpu.memref_squeeze %dma_wait3A_1401 : memref<1x512xf32, #tpu.memory_space<hbm>> -> memref<512xf32, #tpu.memory_space<hbm>>
      %dma_wait3A_1403 = arith.constant 0 : i32
      %dma_wait3A_1404 = tpu.memref_slice %arg7[%arg1, %dma_wait3A_1403] : memref<16x512xf32, #tpu.memory_space<hbm>> -> memref<1x512xf32, #tpu.memory_space<hbm>>
      %dma_wait3A_1405 = tpu.memref_squeeze %dma_wait3A_1404 : memref<1x512xf32, #tpu.memory_space<hbm>> -> memref<512xf32, #tpu.memory_space<hbm>>
      tpu.wait_dma2 semaphore(%run_scoped3A : memref<!tpu.dma_semaphore, #tpu.memory_space<semaphore_mem>>) src(%arg22 : memref<512xf32, #tpu.memory_space<vmem>>) dst(%dma_wait3A_1405 : memref<512xf32, #tpu.memory_space<hbm>>)
      tpu.yield
    }) : () -> ()
    return
  }
}

module attributes {stable_mosaic.version = 14 : i64} {
  func.func @_fused_body(%arg0: i32, %arg1: i32, %arg2: memref<1024x1xf32, #tpu.memory_space<vmem>>, %arg3: memref<1x1024xf32, #tpu.memory_space<vmem>>, %arg4: memref<1024x1024xf32, #tpu.memory_space<vmem>>, %arg5: memref<512x1024xf32, #tpu.memory_space<vmem>>, %arg6: memref<1x512xf32, #tpu.memory_space<vmem>>, %arg7: memref<1024x1xi32, #tpu.memory_space<vmem>>, %arg8: memref<1024x512xf32, #tpu.memory_space<vmem>>, %arg9: memref<1x512xf32, #tpu.memory_space<vmem>>, %arg10: memref<1024x128xi32, #tpu.memory_space<vmem>>) attributes {dimension_semantics = [#tpu.dimension_semantics<arbitrary>, #tpu.dimension_semantics<arbitrary>], iteration_bounds = array<i64: 8, 8>, scalar_prefetch = 0 : i64, scratch_operands = 1 : i64, tpu.core_type = #tpu.core_type<tc>, window_params = [{transform_indices = @transform_0, window_bounds = array<i64: 1024, 1>}, {transform_indices = @transform_1, window_bounds = array<i64: 1, 1024>}, {transform_indices = @transform_2, window_bounds = array<i64: 1024, 1024>}, {pipeline_mode = #tpu.pipeline_mode<synchronous>, transform_indices = @transform_3, window_bounds = array<i64: 512, 1024>}, {pipeline_mode = #tpu.pipeline_mode<synchronous>, transform_indices = @transform_4, window_bounds = array<i64: 1, 512>}, {transform_indices = @transform_5, window_bounds = array<i64: 1024, 1>}, {transform_indices = @transform_6, window_bounds = array<i64: 1024, 512>}, {pipeline_mode = #tpu.pipeline_mode<synchronous>, transform_indices = @transform_7, window_bounds = array<i64: 1, 512>}]} {
    %eq3A = arith.constant 0 : i32
    %eq3A_0 = arith.cmpi eq, %arg1, %eq3A : i32
    %convert_element_type3A = arith.extui %eq3A_0 : i1 to i32
    %cond3A = arith.constant 0 : i32
    %cond3A_1 = arith.cmpi ne, %convert_element_type3A, %cond3A : i32
    scf.if %cond3A_1 {
      %get3A_22 = arith.constant 0 : index
      %get3A_23 = arith.constant 0 : index
      %get3A_24 = vector.load %arg4[%get3A_22, %get3A_23] : memref<1024x1024xf32, #tpu.memory_space<vmem>>, vector<1024x1024xf32>
      %get3A_25 = arith.constant 0 : index
      %get3A_26 = arith.constant 0 : index
      %get3A_27 = vector.load %arg5[%get3A_25, %get3A_26] : memref<512x1024xf32, #tpu.memory_space<vmem>>, vector<512x1024xf32>
      %dot_general3A = arith.constant dense<0.000000e+00> : vector<1024x512xf32>
      %dot_general3A_28 = tpu.matmul %get3A_24, %get3A_27, %dot_general3A {dimension_numbers = #tpu.dot_dimension_numbers<[1], [1], [0], [0], [0, 0, 1, 0], [], []>, transpose_lhs_hint = false} : vector<1024x1024xf32>, vector<512x1024xf32>, vector<1024x512xf32> -> vector<1024x512xf32>
      %get3A_29 = arith.constant 0 : index
      %get3A_30 = arith.constant 0 : index
      %get3A_31 = vector.load %arg6[%get3A_29, %get3A_30] : memref<1x512xf32, #tpu.memory_space<vmem>>, vector<1x512xf32>
      %add3A = vector.broadcast %get3A_31 : vector<1x512xf32> to vector<1024x512xf32>
      %add3A_32 = arith.addf %dot_general3A_28, %add3A : vector<1024x512xf32>
      %max3A = arith.constant 0.000000e+00 : f32
      %max3A_33 = vector.broadcast %max3A : f32 to vector<1024x512xf32>
      %max3A_34 = arith.maximumf %add3A_32, %max3A_33 : vector<1024x512xf32>
      %swap3A = arith.constant 0 : index
      %swap3A_35 = arith.constant 0 : index
      %swap3A_36 = vector.load %arg8[%swap3A, %swap3A_35] : memref<1024x512xf32, #tpu.memory_space<vmem>>, vector<1024x512xf32>
      tpu.vector_store %arg8[%swap3A, %swap3A_35], %max3A_34 {strides = array<i32>} : memref<1024x512xf32, #tpu.memory_space<vmem>>, vector<1024x512xf32>,
      %eq3A_37 = arith.constant 0 : i32
      %eq3A_38 = arith.cmpi eq, %arg0, %eq3A_37 : i32
      %convert_element_type3A_39 = arith.extui %eq3A_38 : i1 to i32
      %cond3A_40 = arith.constant 0 : i32
      %cond3A_41 = arith.cmpi ne, %convert_element_type3A_39, %cond3A_40 : i32
      scf.if %cond3A_41 {
        %broadcast_in_dim3A_55 = arith.constant 0.000000e+00 : f32
        %broadcast_in_dim3A_56 = vector.broadcast %broadcast_in_dim3A_55 : f32 to vector<1x512xf32>
        %swap3A_57 = arith.constant 0 : index
        %swap3A_58 = arith.constant 0 : index
        %swap3A_59 = vector.load %arg9[%swap3A_57, %swap3A_58] : memref<1x512xf32, #tpu.memory_space<vmem>>, vector<1x512xf32>
        tpu.vector_store %arg9[%swap3A_57, %swap3A_58], %broadcast_in_dim3A_56 {strides = array<i32>} : memref<1x512xf32, #tpu.memory_space<vmem>>, vector<1x512xf32>,
      } else {
      }
      %get3A_42 = arith.constant 0 : index
      %get3A_43 = arith.constant 0 : index
      %get3A_44 = vector.load %arg9[%get3A_42, %get3A_43] : memref<1x512xf32, #tpu.memory_space<vmem>>, vector<1x512xf32>
      %reduce_sum3A = arith.constant dense<0.000000e+00> : vector<512xf32>
      %reduce_sum3A_45 = vector.multi_reduction <add>, %max3A_34, %reduce_sum3A [0] : vector<1024x512xf32> to vector<512xf32>
      %broadcast_in_dim3A = vector.shape_cast %reduce_sum3A_45 : vector<512xf32> to vector<1x512xf32>
      %add3A_46 = arith.addf %get3A_44, %broadcast_in_dim3A : vector<1x512xf32>
      %swap3A_47 = arith.constant 0 : index
      %swap3A_48 = arith.constant 0 : index
      %swap3A_49 = vector.load %arg9[%swap3A_47, %swap3A_48] : memref<1x512xf32, #tpu.memory_space<vmem>>, vector<1x512xf32>
      tpu.vector_store %arg9[%swap3A_47, %swap3A_48], %add3A_46 {strides = array<i32>} : memref<1x512xf32, #tpu.memory_space<vmem>>, vector<1x512xf32>,
      %broadcast_in_dim3A_50 = arith.constant 0 : i32
      %broadcast_in_dim3A_51 = vector.broadcast %broadcast_in_dim3A_50 : i32 to vector<1024x128xi32>
      %swap3A_52 = arith.constant 0 : index
      %swap3A_53 = arith.constant 0 : index
      %swap3A_54 = vector.load %arg10[%swap3A_52, %swap3A_53] : memref<1024x128xi32, #tpu.memory_space<vmem>>, vector<1024x128xi32>
      tpu.vector_store %arg10[%swap3A_52, %swap3A_53], %broadcast_in_dim3A_51 {strides = array<i32>} : memref<1024x128xi32, #tpu.memory_space<vmem>>, vector<1024x128xi32>,
    } else {
    }
    %get3A = arith.constant 0 : index
    %get3A_2 = arith.constant 0 : index
    %get3A_3 = vector.load %arg2[%get3A, %get3A_2] : memref<1024x1xf32, #tpu.memory_space<vmem>>, vector<1024x1xf32>
    %get3A_4 = arith.constant 0 : index
    %get3A_5 = arith.constant 0 : index
    %get3A_6 = vector.load %arg3[%get3A_4, %get3A_5] : memref<1x1024xf32, #tpu.memory_space<vmem>>, vector<1x1024xf32>
    %lt3A = arith.cmpi slt, %arg1, %arg0 : i32
    %convert_element_type3A_7 = arith.extui %lt3A : i1 to i32
    %cond3A_8 = arith.constant 0 : i32
    %cond3A_9 = arith.cmpi ne, %convert_element_type3A_7, %cond3A_8 : i32
    scf.if %cond3A_9 {
      %le3A = vector.broadcast %get3A_6 : vector<1x1024xf32> to vector<1024x1024xf32>
      %le3A_22 = vector.broadcast %get3A_3 : vector<1024x1xf32> to vector<1024x1024xf32>
      %le3A_23 = arith.cmpf ole, %le3A, %le3A_22 : vector<1024x1024xf32>
      %convert_element_type3A_24 = arith.extui %le3A_23 : vector<1024x1024xi1> to vector<1024x1024xi32>
      %get3A_25 = arith.constant 0 : index
      %get3A_26 = arith.constant 0 : index
      %get3A_27 = vector.load %arg10[%get3A_25, %get3A_26] : memref<1024x128xi32, #tpu.memory_space<vmem>>, vector<1024x128xi32>
      %slice3A = vector.extract_strided_slice %convert_element_type3A_24 {offsets = [0, 0], sizes = [1024, 128], strides = [1, 1]} : vector<1024x1024xi32> to vector<1024x128xi32>
      %slice3A_28 = vector.extract_strided_slice %convert_element_type3A_24 {offsets = [0, 128], sizes = [1024, 128], strides = [1, 1]} : vector<1024x1024xi32> to vector<1024x128xi32>
      %add3A = arith.addi %slice3A, %slice3A_28 : vector<1024x128xi32>
      %slice3A_29 = vector.extract_strided_slice %convert_element_type3A_24 {offsets = [0, 256], sizes = [1024, 128], strides = [1, 1]} : vector<1024x1024xi32> to vector<1024x128xi32>
      %slice3A_30 = vector.extract_strided_slice %convert_element_type3A_24 {offsets = [0, 384], sizes = [1024, 128], strides = [1, 1]} : vector<1024x1024xi32> to vector<1024x128xi32>
      %add3A_31 = arith.addi %slice3A_29, %slice3A_30 : vector<1024x128xi32>
      %add3A_32 = arith.addi %add3A, %add3A_31 : vector<1024x128xi32>
      %slice3A_33 = vector.extract_strided_slice %convert_element_type3A_24 {offsets = [0, 512], sizes = [1024, 128], strides = [1, 1]} : vector<1024x1024xi32> to vector<1024x128xi32>
      %slice3A_34 = vector.extract_strided_slice %convert_element_type3A_24 {offsets = [0, 640], sizes = [1024, 128], strides = [1, 1]} : vector<1024x1024xi32> to vector<1024x128xi32>
      %add3A_35 = arith.addi %slice3A_33, %slice3A_34 : vector<1024x128xi32>
      %add3A_36 = arith.addi %add3A_32, %add3A_35 : vector<1024x128xi32>
      %slice3A_37 = vector.extract_strided_slice %convert_element_type3A_24 {offsets = [0, 768], sizes = [1024, 128], strides = [1, 1]} : vector<1024x1024xi32> to vector<1024x128xi32>
      %slice3A_38 = vector.extract_strided_slice %convert_element_type3A_24 {offsets = [0, 896], sizes = [1024, 128], strides = [1, 1]} : vector<1024x1024xi32> to vector<1024x128xi32>
      %add3A_39 = arith.addi %slice3A_37, %slice3A_38 : vector<1024x128xi32>
      %add3A_40 = arith.addi %add3A_36, %add3A_39 : vector<1024x128xi32>
      %add3A_41 = arith.addi %get3A_27, %add3A_40 : vector<1024x128xi32>
      %swap3A = arith.constant 0 : index
      %swap3A_42 = arith.constant 0 : index
      %swap3A_43 = vector.load %arg10[%swap3A, %swap3A_42] : memref<1024x128xi32, #tpu.memory_space<vmem>>, vector<1024x128xi32>
      tpu.vector_store %arg10[%swap3A, %swap3A_42], %add3A_41 {strides = array<i32>} : memref<1024x128xi32, #tpu.memory_space<vmem>>, vector<1024x128xi32>,
    } else {
    }
    %gt3A = arith.cmpi sgt, %arg1, %arg0 : i32
    %convert_element_type3A_10 = arith.extui %gt3A : i1 to i32
    %cond3A_11 = arith.constant 0 : i32
    %cond3A_12 = arith.cmpi ne, %convert_element_type3A_10, %cond3A_11 : i32
    scf.if %cond3A_12 {
      %lt3A_22 = vector.broadcast %get3A_6 : vector<1x1024xf32> to vector<1024x1024xf32>
      %lt3A_23 = vector.broadcast %get3A_3 : vector<1024x1xf32> to vector<1024x1024xf32>
      %lt3A_24 = arith.cmpf olt, %lt3A_22, %lt3A_23 : vector<1024x1024xf32>
      %convert_element_type3A_25 = arith.extui %lt3A_24 : vector<1024x1024xi1> to vector<1024x1024xi32>
      %get3A_26 = arith.constant 0 : index
      %get3A_27 = arith.constant 0 : index
      %get3A_28 = vector.load %arg10[%get3A_26, %get3A_27] : memref<1024x128xi32, #tpu.memory_space<vmem>>, vector<1024x128xi32>
      %slice3A = vector.extract_strided_slice %convert_element_type3A_25 {offsets = [0, 0], sizes = [1024, 128], strides = [1, 1]} : vector<1024x1024xi32> to vector<1024x128xi32>
      %slice3A_29 = vector.extract_strided_slice %convert_element_type3A_25 {offsets = [0, 128], sizes = [1024, 128], strides = [1, 1]} : vector<1024x1024xi32> to vector<1024x128xi32>
      %add3A = arith.addi %slice3A, %slice3A_29 : vector<1024x128xi32>
      %slice3A_30 = vector.extract_strided_slice %convert_element_type3A_25 {offsets = [0, 256], sizes = [1024, 128], strides = [1, 1]} : vector<1024x1024xi32> to vector<1024x128xi32>
      %slice3A_31 = vector.extract_strided_slice %convert_element_type3A_25 {offsets = [0, 384], sizes = [1024, 128], strides = [1, 1]} : vector<1024x1024xi32> to vector<1024x128xi32>
      %add3A_32 = arith.addi %slice3A_30, %slice3A_31 : vector<1024x128xi32>
      %add3A_33 = arith.addi %add3A, %add3A_32 : vector<1024x128xi32>
      %slice3A_34 = vector.extract_strided_slice %convert_element_type3A_25 {offsets = [0, 512], sizes = [1024, 128], strides = [1, 1]} : vector<1024x1024xi32> to vector<1024x128xi32>
      %slice3A_35 = vector.extract_strided_slice %convert_element_type3A_25 {offsets = [0, 640], sizes = [1024, 128], strides = [1, 1]} : vector<1024x1024xi32> to vector<1024x128xi32>
      %add3A_36 = arith.addi %slice3A_34, %slice3A_35 : vector<1024x128xi32>
      %add3A_37 = arith.addi %add3A_33, %add3A_36 : vector<1024x128xi32>
      %slice3A_38 = vector.extract_strided_slice %convert_element_type3A_25 {offsets = [0, 768], sizes = [1024, 128], strides = [1, 1]} : vector<1024x1024xi32> to vector<1024x128xi32>
      %slice3A_39 = vector.extract_strided_slice %convert_element_type3A_25 {offsets = [0, 896], sizes = [1024, 128], strides = [1, 1]} : vector<1024x1024xi32> to vector<1024x128xi32>
      %add3A_40 = arith.addi %slice3A_38, %slice3A_39 : vector<1024x128xi32>
      %add3A_41 = arith.addi %add3A_37, %add3A_40 : vector<1024x128xi32>
      %add3A_42 = arith.addi %get3A_28, %add3A_41 : vector<1024x128xi32>
      %swap3A = arith.constant 0 : index
      %swap3A_43 = arith.constant 0 : index
      %swap3A_44 = vector.load %arg10[%swap3A, %swap3A_43] : memref<1024x128xi32, #tpu.memory_space<vmem>>, vector<1024x128xi32>
      tpu.vector_store %arg10[%swap3A, %swap3A_43], %add3A_42 {strides = array<i32>} : memref<1024x128xi32, #tpu.memory_space<vmem>>, vector<1024x128xi32>,
    } else {
    }
    %eq3A_13 = arith.cmpi eq, %arg1, %arg0 : i32
    %convert_element_type3A_14 = arith.extui %eq3A_13 : i1 to i32
    %cond3A_15 = arith.constant 0 : i32
    %cond3A_16 = arith.cmpi ne, %convert_element_type3A_14, %cond3A_15 : i32
    scf.if %cond3A_16 {
      %mul3A = arith.constant 1024 : i32
      %mul3A_22 = arith.muli %arg0, %mul3A : i32
      %iota3A = tpu.iota {dimensions = array<i32: 0>} : vector<1024x1xi32>
      %add3A = vector.broadcast %mul3A_22 : i32 to vector<1024x1xi32>
      %add3A_23 = arith.addi %add3A, %iota3A : vector<1024x1xi32>
      %mul3A_24 = arith.constant 1024 : i32
      %mul3A_25 = arith.muli %arg1, %mul3A_24 : i32
      %iota3A_26 = tpu.iota {dimensions = array<i32: 1>} : vector<1x1024xi32>
      %add3A_27 = vector.broadcast %mul3A_25 : i32 to vector<1x1024xi32>
      %add3A_28 = arith.addi %add3A_27, %iota3A_26 : vector<1x1024xi32>
      %lt3A_29 = vector.broadcast %get3A_6 : vector<1x1024xf32> to vector<1024x1024xf32>
      %lt3A_30 = vector.broadcast %get3A_3 : vector<1024x1xf32> to vector<1024x1024xf32>
      %lt3A_31 = arith.cmpf olt, %lt3A_29, %lt3A_30 : vector<1024x1024xf32>
      %eq3A_32 = vector.broadcast %get3A_6 : vector<1x1024xf32> to vector<1024x1024xf32>
      %eq3A_33 = vector.broadcast %get3A_3 : vector<1024x1xf32> to vector<1024x1024xf32>
      %eq3A_34 = arith.cmpf oeq, %eq3A_32, %eq3A_33 : vector<1024x1024xf32>
      %lt3A_35 = vector.broadcast %add3A_28 : vector<1x1024xi32> to vector<1024x1024xi32>
      %lt3A_36 = vector.broadcast %add3A_23 : vector<1024x1xi32> to vector<1024x1024xi32>
      %lt3A_37 = arith.cmpi slt, %lt3A_35, %lt3A_36 : vector<1024x1024xi32>
      %and3A = arith.andi %eq3A_34, %lt3A_37 : vector<1024x1024xi1>
      %or3A = arith.ori %lt3A_31, %and3A : vector<1024x1024xi1>
      %convert_element_type3A_38 = arith.extui %or3A : vector<1024x1024xi1> to vector<1024x1024xi32>
      %get3A_39 = arith.constant 0 : index
      %get3A_40 = arith.constant 0 : index
      %get3A_41 = vector.load %arg10[%get3A_39, %get3A_40] : memref<1024x128xi32, #tpu.memory_space<vmem>>, vector<1024x128xi32>
      %slice3A = vector.extract_strided_slice %convert_element_type3A_38 {offsets = [0, 0], sizes = [1024, 128], strides = [1, 1]} : vector<1024x1024xi32> to vector<1024x128xi32>
      %slice3A_42 = vector.extract_strided_slice %convert_element_type3A_38 {offsets = [0, 128], sizes = [1024, 128], strides = [1, 1]} : vector<1024x1024xi32> to vector<1024x128xi32>
      %add3A_43 = arith.addi %slice3A, %slice3A_42 : vector<1024x128xi32>
      %slice3A_44 = vector.extract_strided_slice %convert_element_type3A_38 {offsets = [0, 256], sizes = [1024, 128], strides = [1, 1]} : vector<1024x1024xi32> to vector<1024x128xi32>
      %slice3A_45 = vector.extract_strided_slice %convert_element_type3A_38 {offsets = [0, 384], sizes = [1024, 128], strides = [1, 1]} : vector<1024x1024xi32> to vector<1024x128xi32>
      %add3A_46 = arith.addi %slice3A_44, %slice3A_45 : vector<1024x128xi32>
      %add3A_47 = arith.addi %add3A_43, %add3A_46 : vector<1024x128xi32>
      %slice3A_48 = vector.extract_strided_slice %convert_element_type3A_38 {offsets = [0, 512], sizes = [1024, 128], strides = [1, 1]} : vector<1024x1024xi32> to vector<1024x128xi32>
      %slice3A_49 = vector.extract_strided_slice %convert_element_type3A_38 {offsets = [0, 640], sizes = [1024, 128], strides = [1, 1]} : vector<1024x1024xi32> to vector<1024x128xi32>
      %add3A_50 = arith.addi %slice3A_48, %slice3A_49 : vector<1024x128xi32>
      %add3A_51 = arith.addi %add3A_47, %add3A_50 : vector<1024x128xi32>
      %slice3A_52 = vector.extract_strided_slice %convert_element_type3A_38 {offsets = [0, 768], sizes = [1024, 128], strides = [1, 1]} : vector<1024x1024xi32> to vector<1024x128xi32>
      %slice3A_53 = vector.extract_strided_slice %convert_element_type3A_38 {offsets = [0, 896], sizes = [1024, 128], strides = [1, 1]} : vector<1024x1024xi32> to vector<1024x128xi32>
      %add3A_54 = arith.addi %slice3A_52, %slice3A_53 : vector<1024x128xi32>
      %add3A_55 = arith.addi %add3A_51, %add3A_54 : vector<1024x128xi32>
      %add3A_56 = arith.addi %get3A_41, %add3A_55 : vector<1024x128xi32>
      %swap3A = arith.constant 0 : index
      %swap3A_57 = arith.constant 0 : index
      %swap3A_58 = vector.load %arg10[%swap3A, %swap3A_57] : memref<1024x128xi32, #tpu.memory_space<vmem>>, vector<1024x128xi32>
      tpu.vector_store %arg10[%swap3A, %swap3A_57], %add3A_56 {strides = array<i32>} : memref<1024x128xi32, #tpu.memory_space<vmem>>, vector<1024x128xi32>,
    } else {
    }
    %eq3A_17 = arith.constant 7 : i32
    %eq3A_18 = arith.cmpi eq, %arg1, %eq3A_17 : i32
    %convert_element_type3A_19 = arith.extui %eq3A_18 : i1 to i32
    %cond3A_20 = arith.constant 0 : i32
    %cond3A_21 = arith.cmpi ne, %convert_element_type3A_19, %cond3A_20 : i32
    scf.if %cond3A_21 {
      %get3A_22 = arith.constant 0 : index
      %get3A_23 = arith.constant 0 : index
      %get3A_24 = vector.load %arg10[%get3A_22, %get3A_23] : memref<1024x128xi32, #tpu.memory_space<vmem>>, vector<1024x128xi32>
      %reduce_sum3A = arith.constant dense<0> : vector<1024xi32>
      %reduce_sum3A_25 = vector.multi_reduction <add>, %get3A_24, %reduce_sum3A [1] : vector<1024x128xi32> to vector<1024xi32>
      %broadcast_in_dim3A = vector.shape_cast %reduce_sum3A_25 : vector<1024xi32> to vector<1024x1xi32>
      %swap3A = arith.constant 0 : index
      %swap3A_26 = arith.constant 0 : index
      %swap3A_27 = vector.load %arg7[%swap3A, %swap3A_26] : memref<1024x1xi32, #tpu.memory_space<vmem>>, vector<1024x1xi32>
      tpu.vector_store %arg7[%swap3A, %swap3A_26], %broadcast_in_dim3A {strides = array<i32>} : memref<1024x1xi32, #tpu.memory_space<vmem>>, vector<1024x1xi32>,
    } else {
    }
    return
  }
  func.func @transform_0(%arg0: i32, %arg1: i32) -> (i32, i32) {
    %c0_i32 = arith.constant 0 : i32
    %c0_i32_0 = arith.constant 0 : i32
    return %arg0, %c0_i32 : i32, i32
  }
  func.func @transform_1(%arg0: i32, %arg1: i32) -> (i32, i32) {
    %c0_i32 = arith.constant 0 : i32
    %c0_i32_0 = arith.constant 0 : i32
    return %c0_i32, %arg1 : i32, i32
  }
  func.func @transform_2(%arg0: i32, %arg1: i32) -> (i32, i32) {
    %c0_i32 = arith.constant 0 : i32
    %c0_i32_0 = arith.constant 0 : i32
    return %arg0, %c0_i32 : i32, i32
  }
  func.func @transform_3(%arg0: i32, %arg1: i32) -> (i32, i32) {
    %c0_i32 = arith.constant 0 : i32
    %c0_i32_0 = arith.constant 0 : i32
    %c0_i32_1 = arith.constant 0 : i32
    return %c0_i32, %c0_i32_0 : i32, i32
  }
  func.func @transform_4(%arg0: i32, %arg1: i32) -> (i32, i32) {
    %c0_i32 = arith.constant 0 : i32
    %c0_i32_0 = arith.constant 0 : i32
    %c0_i32_1 = arith.constant 0 : i32
    return %c0_i32, %c0_i32_0 : i32, i32
  }
  func.func @transform_5(%arg0: i32, %arg1: i32) -> (i32, i32) {
    %c0_i32 = arith.constant 0 : i32
    %c0_i32_0 = arith.constant 0 : i32
    return %arg0, %c0_i32 : i32, i32
  }
  func.func @transform_6(%arg0: i32, %arg1: i32) -> (i32, i32) {
    %c0_i32 = arith.constant 0 : i32
    %c0_i32_0 = arith.constant 0 : i32
    return %arg0, %c0_i32 : i32, i32
  }
  func.func @transform_7(%arg0: i32, %arg1: i32) -> (i32, i32) {
    %c0_i32 = arith.constant 0 : i32
    %c0_i32_0 = arith.constant 0 : i32
    %c0_i32_1 = arith.constant 0 : i32
    return %c0_i32, %c0_i32_0 : i32, i32
  }
}

module attributes {stable_mosaic.version = 14 : i64} {
  func.func @_combine_body(%arg0: memref<1x512xf32, #tpu.memory_space<vmem>>, %arg1: memref<16x512xf32, #tpu.memory_space<vmem>>, %arg2: memref<2x512xf32, #tpu.memory_space<vmem>>, %arg3: memref<1x2xf32, #tpu.memory_space<vmem>>, %arg4: memref<1x2xf32, #tpu.memory_space<vmem>>, %arg5: memref<1x2xf32, #tpu.memory_space<vmem>>, %arg6: memref<1x1xf32, #tpu.memory_space<vmem>>) attributes {dimension_semantics = [], scalar_prefetch = 0 : i64, scratch_operands = 0 : i64, tpu.core_type = #tpu.core_type<tc>} {
    %get3A = arith.constant 0 : index
    %get3A_0 = arith.constant 0 : index
    %get3A_1 = vector.load %arg0[%get3A, %get3A_0] : memref<1x512xf32, #tpu.memory_space<vmem>>, vector<1x512xf32>
    %get3A_2 = arith.constant 0 : index
    %get3A_3 = arith.constant 0 : index
    %get3A_4 = vector.load %arg1[%get3A_2, %get3A_3] : memref<16x512xf32, #tpu.memory_space<vmem>>, vector<16x512xf32>
    %reduce_sum3A = arith.constant dense<0.000000e+00> : vector<512xf32>
    %reduce_sum3A_5 = vector.multi_reduction <add>, %get3A_4, %reduce_sum3A [0] : vector<16x512xf32> to vector<512xf32>
    %broadcast_in_dim3A = vector.shape_cast %reduce_sum3A_5 : vector<512xf32> to vector<1x512xf32>
    %sub3A = arith.subf %get3A_1, %broadcast_in_dim3A : vector<1x512xf32>
    %mul3A = arith.constant 1.62760422E-4 : f32
    %mul3A_6 = vector.broadcast %mul3A : f32 to vector<1x512xf32>
    %mul3A_7 = arith.mulf %sub3A, %mul3A_6 : vector<1x512xf32>
    %get3A_8 = arith.constant 0 : index
    %get3A_9 = arith.constant 0 : index
    %get3A_10 = vector.load %arg2[%get3A_8, %get3A_9] : memref<2x512xf32, #tpu.memory_space<vmem>>, vector<2x512xf32>
    %dot_general3A = arith.constant dense<0.000000e+00> : vector<1x2xf32>
    %dot_general3A_11 = tpu.matmul %mul3A_7, %get3A_10, %dot_general3A {dimension_numbers = #tpu.dot_dimension_numbers<[1], [1], [0], [0], [0, 0, 1, 0], [], []>, transpose_lhs_hint = false} : vector<1x512xf32>, vector<2x512xf32>, vector<1x2xf32> -> vector<1x2xf32>
    %get3A_12 = arith.constant 0 : index
    %get3A_13 = arith.constant 0 : index
    %get3A_14 = vector.load %arg3[%get3A_12, %get3A_13] : memref<1x2xf32, #tpu.memory_space<vmem>>, vector<1x2xf32>
    %add3A = arith.addf %dot_general3A_11, %get3A_14 : vector<1x2xf32>
    %swap3A = arith.constant 0 : index
    %swap3A_15 = arith.constant 0 : index
    %swap3A_16 = vector.load %arg5[%swap3A, %swap3A_15] : memref<1x2xf32, #tpu.memory_space<vmem>>, vector<1x2xf32>
    tpu.vector_store %arg5[%swap3A, %swap3A_15], %add3A {strides = array<i32>} : memref<1x2xf32, #tpu.memory_space<vmem>>, vector<1x2xf32>,
    %get3A_17 = arith.constant 0 : index
    %get3A_18 = arith.constant 0 : index
    %get3A_19 = vector.load %arg4[%get3A_17, %get3A_18] : memref<1x2xf32, #tpu.memory_space<vmem>>, vector<1x2xf32>
    %reduce_max3A = arith.constant dense<0xFF800000> : vector<1xf32>
    %reduce_max3A_20 = vector.multi_reduction <maximumf>, %get3A_19, %reduce_max3A [1] : vector<1x2xf32> to vector<1xf32>
    %broadcast_in_dim3A_21 = vector.shape_cast %reduce_max3A_20 : vector<1xf32> to vector<1x1xf32>
    %sub3A_22 = vector.broadcast %broadcast_in_dim3A_21 : vector<1x1xf32> to vector<1x2xf32>
    %sub3A_23 = arith.subf %get3A_19, %sub3A_22 : vector<1x2xf32>
    %exp3A = math.exp %sub3A_23 : vector<1x2xf32>
    %reduce_sum3A_24 = arith.constant dense<0.000000e+00> : vector<1xf32>
    %reduce_sum3A_25 = vector.multi_reduction <add>, %exp3A, %reduce_sum3A_24 [1] : vector<1x2xf32> to vector<1xf32>
    %broadcast_in_dim3A_26 = vector.shape_cast %reduce_sum3A_25 : vector<1xf32> to vector<1x1xf32>
    %div3A = vector.broadcast %broadcast_in_dim3A_26 : vector<1x1xf32> to vector<1x2xf32>
    %div3A_27 = arith.divf %exp3A, %div3A : vector<1x2xf32>
    %reduce_max3A_28 = arith.constant dense<0xFF800000> : vector<1xf32>
    %reduce_max3A_29 = vector.multi_reduction <maximumf>, %add3A, %reduce_max3A_28 [1] : vector<1x2xf32> to vector<1xf32>
    %broadcast_in_dim3A_30 = vector.shape_cast %reduce_max3A_29 : vector<1xf32> to vector<1x1xf32>
    %sub3A_31 = vector.broadcast %broadcast_in_dim3A_30 : vector<1x1xf32> to vector<1x2xf32>
    %sub3A_32 = arith.subf %add3A, %sub3A_31 : vector<1x2xf32>
    %exp3A_33 = math.exp %sub3A_32 : vector<1x2xf32>
    %reduce_sum3A_34 = arith.constant dense<0.000000e+00> : vector<1xf32>
    %reduce_sum3A_35 = vector.multi_reduction <add>, %exp3A_33, %reduce_sum3A_34 [1] : vector<1x2xf32> to vector<1xf32>
    %broadcast_in_dim3A_36 = vector.shape_cast %reduce_sum3A_35 : vector<1xf32> to vector<1x1xf32>
    %log3A = math.log %broadcast_in_dim3A_36 : vector<1x1xf32>
    %sub3A_37 = vector.broadcast %log3A : vector<1x1xf32> to vector<1x2xf32>
    %sub3A_38 = arith.subf %sub3A_32, %sub3A_37 : vector<1x2xf32>
    %neg3A = arith.constant 0.000000e+00 : f32
    %neg3A_39 = vector.broadcast %neg3A : f32 to vector<1x2xf32>
    %neg3A_40 = arith.subf %neg3A_39, %div3A_27 : vector<1x2xf32>
    %mul3A_41 = arith.mulf %neg3A_40, %sub3A_38 : vector<1x2xf32>
    %reduce_sum3A_42 = arith.constant dense<0.000000e+00> : vector<1xf32>
    %reduce_sum3A_43 = vector.multi_reduction <add>, %mul3A_41, %reduce_sum3A_42 [1] : vector<1x2xf32> to vector<1xf32>
    %broadcast_in_dim3A_44 = vector.shape_cast %reduce_sum3A_43 : vector<1xf32> to vector<1x1xf32>
    %swap3A_45 = arith.constant 0 : index
    %swap3A_46 = arith.constant 0 : index
    %swap3A_47 = vector.load %arg6[%swap3A_45, %swap3A_46] : memref<1x1xf32, #tpu.memory_space<vmem>>, vector<1x1xf32>
    tpu.vector_store %arg6[%swap3A_45, %swap3A_46], %broadcast_in_dim3A_44 {strides = array<i32>} : memref<1x1xf32, #tpu.memory_space<vmem>>, vector<1x1xf32>,
    return
  }
}

</mosaic_0001>

<sc_bundles>
// kernel: kernel.5.cloned.1.call-start
scs
__scs_entry_jumppad:
0x0: {  	(pc) =	sbr.rel $0x88, $3  }
0x1: {  	(tag) =	ssettag $0x0;
	lr =	simm.s32 $0x1  }
0x2: {  	[smem:$0x3F9A] =	sst lr;
	_ =	strace $0xD0000000  }
0x3: {  	_ = 	snop  }
0x4: {  	_ = 	snop  }
0x5: {  	_ = 	snop  }
0x6: {  	_ = 	snop  }
0x7: {  	_ = 	snop  }
__scs_overlays_trampoline_lowered:
0x8: {  	[smem:$0x3FA9] =	sst s0  }
0x9: {  	[smem:$0x3FAA] =	sst s1  }
0xa: {  	[smem:$0x3FAB] =	sst s2  }
0xb: {  	[smem:$0x3FAC] =	sst s3  }
0xc: {  	[smem:$0x3FAD] =	sst s4  }
0xd: {  	[smem:$0x3FAE] =	sst s5  }
0xe: {  	[smem:$0x3FAF] =	sst s6  }
0xf: {  	[smem:$0x3FB0] =	sst s7  }
0x10: {  	[smem:$0x3FB1] =	sst s8  }
0x11: {  	[smem:$0x3FB2] =	sst s9;
	s0 =	simm.s32 @!p0 $0x0  }
0x12: {  	s1 =	sld [smem:$0x3F98];
	s0 =	simm.s32 @p0 $0x1  }
0x13: {  	[smem:$0x3FB3] =	sst s0;
	s0 =	simm.s32 @!p1 $0x0  }
0x14: {  	s2 =	sld [smem:$0x3F97];
	s0 =	simm.s32 @p1 $0x1  }
0x15: {  	[smem:$0x3FB4] =	sst s0;
	s0 =	simm.s32 @!p2 $0x0  }
0x16: {  	s3 =	sld [smem:$0x3FDB];
	s0 =	simm.s32 @p2 $0x1  }
0x17: {  	s4 =	simm.s32 $0x1BF5;
	[smem:$0x3FB6] =	sst s0  }
0x18: {  	s0 =	sld [smem:$0x3F99];
	_ =	swait.ge [sflag:s4], $0x0  }
0x19: {  	s7 =	sld [smem:$0x3F9A]  }
0x1a: {  	s8 =	sadd.s32 $0xFFFFE003, lr  }
0x1b: {  	s9 =	sadd.s32 $0xFFFFFEF7, lr;
	s5 =	simm.s32 $0xFFFFFFFF;
	p2 =	slt.u32 s8, $0xFFFFF086  }
0x1c: {  	p1 =	slt.u32 s9, $0xF7A;
	s5 =	simm.s32 @!p2 $0x0  }
0x1d: {  	s5 =	simm.s32 @p1 $0x1;
	p0 =	seq.s32 s7, s2  }
0x1e: {  	s7 =	smul.u32 @!p0 $0xF7A, s2;
	p2 =	seq.s32 @!p0 s5, $0x0  }
0x1f: {  	s9 =	smul.u32 $0xF7A, s1;
	s8 =	simm.s32 @!p0 $0x1BF5;
	p2 =	por !p2, p0  }
0x20: {  	[sflag:s8] =	ssyncset.s32 @!p0 $0xFFFFF086;
	s6 =	sadd.s32 @!p0 s3, s7;
	s7 =	simm.s32 @!p0 $0x108  }
0x21: {  	s3 =	sadd.s32 s3, s9;
	s6 =	sadd.s32 @!p0 $0x88, s6;
	s7 =	simm.s32 @p2 $0x1082  }
0x22: {  	[simem:s7], [sflag:s8] =	dma.local @!p0 [hbm:s6], $0xF7A  }
0x23: {  	s9 =	sor.u32 $0xD0000000, s2;
	s6 =	simm.s32 $0x108;
	_ =	swait.ge @!p0 [sflag:s8], $0x0  }
0x24: {  	s3 =	sadd.s32 $0x88, s3;
	s6 =	simm.s32 @!p1 $0x1082;
	[sflag:s4] =	ssyncset.s32 $0xFFFFF086  }
0x25: {  	[simem:s6], [sflag:s4] =	dma.local [hbm:s3], $0xF7A  }
0x26: {  	[smem:$0x3F9A] =	sst s1;
	(tag) =	ssettag s2;
	_ =	strace s9  }
0x27: {  	s1 =	sld [smem:$0x3FAA]  }
0x28: {  	s2 =	sld [smem:$0x3FAB]  }
0x29: {  	s4 =	sld [smem:$0x3FAD]  }
0x2a: {  	p0 =	seq.s32 s5, $0x0;
	s5 =	sld [smem:$0x3FAE]  }
0x2b: {  	s6 =	sld [smem:$0x3FAF]  }
0x2c: {  	s7 =	sld [smem:$0x3FB0]  }
0x2d: {  	s3 =	simm.s32 $0x108;
	s8 =	sld [smem:$0x3FB1]  }
0x2e: {  	s3 =	simm.s32 @!p0 $0x1082;
	s9 =	sld [smem:$0x3FB2]  }
0x2f: {  	lr =	sadd.s32 s0, s3;
	s0 =	sld [smem:$0x3FA9]  }
0x30: {  	s3 =	sld [smem:$0x3FAC]  }
0x31: {  	[smem:$0x3FB5] =	sst s10  }
0x32: {  	s10 =	sld [smem:$0x3FB3];
	_ =	sdelay $0x3  }
0x33: {  	p0 =	seq.s32 s10, $0x1;
	s10 =	sld [smem:$0x3FB5];
	_ =	sdelay $0x3  }
0x34: {  	[smem:$0x3FB5] =	sst s10  }
0x35: {  	s10 =	sld [smem:$0x3FB4];
	_ =	sdelay $0x3  }
0x36: {  	p1 =	seq.s32 s10, $0x1;
	s10 =	sld [smem:$0x3FB5];
	_ =	sdelay $0x3  }
0x37: {  	[smem:$0x3FB5] =	sst s10  }
0x38: {  	s10 =	sld [smem:$0x3FB6]  }
0x39: {  	_ = 	snop;
	(pc) =	sbr.ind lr, $3  }
0x3a: {  	_ = 	snop  }
0x3b: {  	_ = 	snop  }
0x3c: {  	p2 =	seq.s32 s10, $0x1;
	s10 =	sld [smem:$0x3FB5]  }
0x3d: {  	_ =	shalt  }
0x3e: {  	_ =	shalt  }
0x3f: {  	_ =	shalt  }
0x40: {  	_ =	shalt  }
0x41: {  	_ =	shalt  }
0x42: {  	_ =	shalt  }
0x43: {  	_ =	shalt  }
0x44: {  	_ =	shalt  }
0x45: {  	_ =	shalt  }
0x46: {  	_ =	shalt  }
0x47: {  	_ =	shalt  }
0x48: {  	_ =	shalt  }
0x49: {  	_ =	shalt  }
0x4a: {  	_ =	shalt  }
0x4b: {  	_ =	shalt  }
0x4c: {  	_ =	shalt  }
0x4d: {  	_ =	shalt  }
0x4e: {  	_ =	shalt  }
0x4f: {  	_ =	shalt  }
0x50: {  	_ =	shalt  }
0x51: {  	_ =	shalt  }
0x52: {  	_ =	shalt  }
0x53: {  	_ =	shalt  }
0x54: {  	_ =	shalt  }
0x55: {  	_ =	shalt  }
0x56: {  	_ =	shalt  }
0x57: {  	_ =	shalt  }
0x58: {  	_ =	shalt  }
0x59: {  	_ =	shalt  }
0x5a: {  	_ =	shalt  }
0x5b: {  	_ =	shalt  }
0x5c: {  	_ =	shalt  }
0x5d: {  	_ =	shalt  }
0x5e: {  	_ =	shalt  }
0x5f: {  	_ =	shalt  }
0x60: {  	_ =	shalt  }
0x61: {  	_ =	shalt  }
0x62: {  	_ =	shalt  }
0x63: {  	_ =	shalt  }
0x64: {  	_ =	shalt  }
0x65: {  	_ =	shalt  }
0x66: {  	_ =	shalt  }
0x67: {  	_ =	shalt  }
0x68: {  	_ =	shalt  }
0x69: {  	_ =	shalt  }
0x6a: {  	_ =	shalt  }
0x6b: {  	_ =	shalt  }
0x6c: {  	_ =	shalt  }
0x6d: {  	_ =	shalt  }
0x6e: {  	_ =	shalt  }
0x6f: {  	_ =	shalt  }
0x70: {  	_ =	shalt  }
0x71: {  	_ =	shalt  }
0x72: {  	_ =	shalt  }
0x73: {  	_ =	shalt  }
0x74: {  	_ =	shalt  }
0x75: {  	_ =	shalt  }
0x76: {  	_ =	shalt  }
0x77: {  	_ =	shalt  }
0x78: {  	_ =	shalt  }
0x79: {  	_ =	shalt  }
0x7a: {  	_ =	shalt  }
0x7b: {  	_ =	shalt  }
0x7c: {  	_ =	shalt  }
0x7d: {  	_ =	shalt  }
0x7e: {  	_ =	shalt  }
0x7f: {  	_ =	shalt  }
0x80: {  	_ =	shalt  }
0x81: {  	_ =	shalt  }
0x82: {  	_ =	shalt  }
0x83: {  	_ =	shalt  }
0x84: {  	_ =	shalt  }
0x85: {  	_ =	shalt  }
0x86: {  	_ =	shalt  }
0x87: {  	_ =	shalt  }
.Lfunc_end0:
.L_simem_size_0:
called_computation_lowered:
.L_overlay_start_0:
0x88: {  	s0 =	sld [smem:$0x3FD9]  }
0x89: {  	s1 =	sld [smem:$0x3FFE];
	_ =	sdelay $0x3  }
0x8a: {  	s0 =	sadd.s32 s1, s0  }
0x8b: {  	[smem:$0x3FC1] =	sst s0  }
0x8c: {  	_ = 	snop  }
0x8d: {  	s0 =	sld [smem:$0x3FD0];
	_ =	sdelay $0x2  }
0x8e: {  	s13 =	simm.s32 $0xA;
	s2 =	simm.s32 $0x10  }
0x8f: {  	[smem:s2], [sflag:s13] =	dma.local [hbm:s0], $0x1  }
0x90: {  	_ =	swait.eq [sflag:s13], $0x1  }
0x91: {  	[sflag:s13] =	ssyncset.done $0x0  }
0x92: {  	[sflag:s13] =	ssyncadd.s32 $0xFFFFFFFF  }
0x93: {  	s14 =	sld [smem:$0x12];
	(tm) =	ssettm $0x1  }
0x94: {  	s15 =	sld [smem:$0x3FFB];
	_ =	sdelay $0x3  }
0x95: {  	_ =	strace s15  }
0x96: {  	s1 =	sld [smem:$0x3FFC];
	_ =	sdelay $0x3  }
0x97: {  	_ =	strace s1  }
0x98: {  	s1 =	sld [smem:$0x3FFD];
	_ =	sdelay $0x3  }
0x99: {  	_ =	strace s1  }
0x9a: {  	_ =	strace $0x8FFFFFFF  }
0x9b: {  	s16 =	sld [smem:$0x3FDB];
	_ =	sdelay $0x1  }
0x9c: {  	s17 =	simm.s32 $_scs_section_size  }
0x9d: {  	s3 =	simm.s32 $_size__tile_overlayer_lowered;
	s4 =	simm.s32 $_tile_overlayer_lowered  }
0x9e: {  	s20 =	simm.s32 $0x1BFF;
	s19 =	sshll.u32 s4, $0x1;
	s1 =	sadd.s32 s17, s16  }
0x9f: {  	s5 =	simm.s32 $0x0;
	s18 =	sshll.u32 s3, $0x1;
	s3 =	sadd.s32 s19, s1  }
0xa0: {  	[timem:s5], [sflag:s20] =	dma.local [hbm:s3], s18  }
0xa1: {  	_ =	swait.ge [sflag:s20], s18  }
0xa2: {  	s2 =	ssub.s32 $0x0, s18;
	[sflag:s20] =	ssyncset.done $0x0  }
0xa3: {  	[sflag:s20] =	ssyncadd.s32 s2;
	_ =	sdelay $0x1  }
0xa4: {  	s21 =	simm.s32 $0x1B8B  }
0xa5: {  	_ =	swait.ge [sflag:s21], $0x1  }
0xa6: {  	[sflag:s21] =	ssyncset.done $0x0  }
0xa7: {  	s23 =	simm.s32 $0x1B8E;
	s22 =	sld [smem:$0x3FFE];
	[sflag:s21] =	ssyncadd.s32 $0xFFFFFFFF  }
0xa8: {  	s24 =	simm.s32 $execute0_lowered;
	[smem:$0x3FD2] =	sst s23  }
0xa9: {  	s3 =	sshll.u32 s24, $0x1;
	_ =	strace $0x80000046;
	[dreg:$0x1] =	wrdreg $0xFFFFFFFF  }
0xaa: {  	s25 =	simm.s32 $_size_execute0_lowered;
	s1 =	sadd.s32 s1, s3;
	[dreg:$0x0] =	wrdreg $0x0  }
0xab: {  	s3 =	sshll.u32 s25, $0x1;
	[dreg:$0x2] =	wrdreg s1  }
0xac: {  	[dreg:$0x3] =	wrdreg s3  }
0xad: {  	[dreg:$0x4] =	wrdreg $0xC0  }
0xae: {  	_ =	task [dreg:s5], $0x5FFFF  }
0xaf: {  	[dreg:$0x1] =	wrdreg $0xFFFFFFFF  }
0xb0: {  	[dreg:$0x0] =	wrdreg $0x60  }
0xb1: {  	[dreg:$0x2] =	wrdreg s22  }
0xb2: {  	[dreg:$0x3] =	wrdreg s14  }
0xb3: {  	[dreg:$0x4] =	wrdreg $0x8E800  }
0xb4: {  	[dreg:$0x5] =	wrdreg $0x8E900  }
0xb5: {  	[dreg:$0x6] =	wrdreg $0x90900  }
0xb6: {  	[dreg:$0x7] =	wrdreg $0x9  }
0xb7: {  	_ =	task.clear_ibuf [dreg:s5], $0x8FFFF;
	_ =	strace $0x90000046  }
0xb8: {  	s26 =	simm.s32 $0x9;
	_ =	strace $0x80000048  }
0xb9: {  	_ =	swait.ge [sflag:s26], $0x1  }
0xba: {  	[sflag:s26] =	ssyncadd.s32 $0xFFFFFFFF  }
0xbb: {  	_ =	strace $0x90000048  }
0xbc: {  	_ =	sfence  }
0xbd: {  	s28 =	sld [smem:$0x0];
	_ =	sdelay $0x1  }
0xbe: {  	s29 =	srdreg.scid  }
0xbf: {  	s30 =	sshll.u32 s29, $0xD;
	s31 =	sshrl.u32 s29, $0x2  }
0xc0: {  	s2 =	sand.u32 $0x4000, s30;
	s1 =	sand.u32 $0x1, s29;
	s0 =	sadd.s32 s31, s28  }
0xc1: {  	s1 =	sor.u32 s2, s1;
	s0 =	sshll.u32 s0, $0x11  }
0xc2: {  	s0 =	sor.u32 s0, s1  }
0xc3: {  	s0 =	sadd.s32 $0x8F2B, s0  }
0xc4: {  	[sflag:s0] =	ssyncadd.remote.s32 $0x1  }
0xc5: {  	_ =	sfence.sel $0xFFFF  }
0xc6: {  	[dreg:$0x0] =	wrdreg $0xFFFFFFFF;
	(pc) =	sbr.abs _section_cstart, $3  }
0xc7: {  	[dreg:$0x1] =	wrdreg $0xFFFFFFFF  }
0xc8: {  	_ =	task.clear_ibuf [dreg:s5], $0x2FFFF;
	_ =	strace $0x9FFFFFFF  }
0xc9: {  	(tm) =	ssettm $0x7FFFFFFF  }
tec
execute0_lowered:
.L_overlay_start_1:
0x0: {  	(tag) =	ssettag $0x1  }
0x1: {  	s6 =	rddreg [dreg:$0x0]  }
0x2: {  	s4 =	rddreg [dreg:$0x1]  }
0x3: {  	s11 =	rddreg [dreg:$0x2]  }
0x4: {  	s5 =	rddreg [dreg:$0x3];
	s7 =	stileid.u32  }
0x5: {  	s2 =	rddreg [dreg:$0x4];
	s1 =	simm.s32 $0x0;
	s3 =	sshll.u32 s7, $0x6  }
0x6: {  	[smem:$0x7FF] =	sst s1;
	s3 =	sadd.s32 s3, s6  }
0x7: {  	s0 =	rddreg [dreg:$0x5];
	_ =	strace $0x80000047;
	s3 =	sadd.s32 $0x81A00, s3  }
0x8: {  	[tilespmem:s1], [sflag:$0x2] =	stream.linear.gather [hbm4b:s3+s1], $0x200, $0x38;
	[tilespmem:$0x19390] =	vst v63  }
0x9: {  	s3 =	simm.s32 $0x2  }
0xa: {  	_ =	swait.ge [sflag:s3], $0x200  }
0xb: {  	[sflag:s3] =	ssyncset.done $0x0  }
0xc: {  	s9 =	simm.s32 $0x200;
	s8 =	sadd.s32 $0x82200, s6;
	[sflag:s3] =	ssyncadd.s32 $0xFFFFFE00  }
0xd: {  	[tilespmem:s9], [sflag:$0x2] =	stream.linear.gather [hbm4b:s8+s1], $0x2000, $0x38;
	[tilespmem:$0x19390] =	vst v63  }
0xe: {  	_ =	swait.ge [sflag:s3], $0x2000  }
0xf: {  	[sflag:s3] =	ssyncset.done $0x0  }
0x10: {  	s10 =	sadd.s32 $0x81E00, s6;
	s8 =	simm.s32 $0x2200;
	[sflag:s3] =	ssyncadd.s32 $0xFFFFE000  }
0x11: {  	[tilespmem:s8], [sflag:$0x2] =	stream.linear.gather [hbm4b:s10+s1], $0x2000, $0x38;
	[tilespmem:$0x19390] =	vst v63  }
0x12: {  	_ =	swait.ge [sflag:s3], $0x2000  }
0x13: {  	[sflag:s3] =	ssyncset.done $0x0  }
0x14: {  	[sflag:s3] =	ssyncadd.s32 $0xFFFFE000  }
0x15: {  	v0 =	vld [tilespmem:$0x0];
	_ =	sdelay $0x6  }
0x16: {  	v1 =	vld [tilespmem:$0x10]  }
0x17: {  	v0 =	vld.idx.msk [tilespmem:v0+s9+$0x0], $0xffff;
	_ =	sdelay $0x4  }
0x18: {  	v0 =	vsub.s32 $0x1, v0  }
0x19: {  	v2 =	vld [tilespmem:$0x20];
	[tilespmem:$0x4200] =	vst v0  }
0x1a: {  	v1 =	vld.idx.msk [tilespmem:v1+s9+$0x0], $0xffff;
	_ =	sdelay $0x4  }
0x1b: {  	v1 =	vsub.s32 $0x1, v1  }
0x1c: {  	v3 =	vld [tilespmem:$0x30];
	[tilespmem:$0x4210] =	vst v1  }
0x1d: {  	v2 =	vld.idx.msk [tilespmem:v2+s9+$0x0], $0xffff;
	_ =	sdelay $0x4  }
0x1e: {  	v2 =	vsub.s32 $0x1, v2  }
0x1f: {  	v4 =	vld [tilespmem:$0x40];
	[tilespmem:$0x4220] =	vst v2  }
0x20: {  	v3 =	vld.idx.msk [tilespmem:v3+s9+$0x0], $0xffff;
	_ =	sdelay $0x4  }
0x21: {  	v3 =	vsub.s32 $0x1, v3  }
0x22: {  	v5 =	vld [tilespmem:$0x50];
	[tilespmem:$0x4230] =	vst v3  }
0x23: {  	v4 =	vld.idx.msk [tilespmem:v4+s9+$0x0], $0xffff;
	_ =	sdelay $0x4  }
0x24: {  	v4 =	vsub.s32 $0x1, v4  }
0x25: {  	v6 =	vld [tilespmem:$0x60];
	[tilespmem:$0x4240] =	vst v4  }
0x26: {  	v5 =	vld.idx.msk [tilespmem:v5+s9+$0x0], $0xffff;
	_ =	sdelay $0x4  }
0x27: {  	v5 =	vsub.s32 $0x1, v5  }
0x28: {  	v7 =	vld [tilespmem:$0x70];
	[tilespmem:$0x4250] =	vst v5  }
0x29: {  	v6 =	vld.idx.msk [tilespmem:v6+s9+$0x0], $0xffff;
	_ =	sdelay $0x4  }
0x2a: {  	v6 =	vsub.s32 $0x1, v6  }
0x2b: {  	v8 =	vld [tilespmem:$0x80];
	[tilespmem:$0x4260] =	vst v6  }
0x2c: {  	v7 =	vld.idx.msk [tilespmem:v7+s9+$0x0], $0xffff;
	_ =	sdelay $0x4  }
0x2d: {  	v7 =	vsub.s32 $0x1, v7  }
0x2e: {  	v9 =	vld [tilespmem:$0x90];
	[tilespmem:$0x4270] =	vst v7  }
0x2f: {  	v8 =	vld.idx.msk [tilespmem:v8+s9+$0x0], $0xffff;
	_ =	sdelay $0x4  }
0x30: {  	v8 =	vsub.s32 $0x1, v8  }
0x31: {  	v10 =	vld [tilespmem:$0xA0];
	[tilespmem:$0x4280] =	vst v8  }
0x32: {  	v9 =	vld.idx.msk [tilespmem:v9+s9+$0x0], $0xffff;
	_ =	sdelay $0x4  }
0x33: {  	v9 =	vsub.s32 $0x1, v9  }
0x34: {  	v11 =	vld [tilespmem:$0xB0];
	[tilespmem:$0x4290] =	vst v9  }
0x35: {  	v10 =	vld.idx.msk [tilespmem:v10+s9+$0x0], $0xffff;
	_ =	sdelay $0x4  }
0x36: {  	v10 =	vsub.s32 $0x1, v10  }
0x37: {  	v12 =	vld [tilespmem:$0xC0];
	[tilespmem:$0x42A0] =	vst v10  }
0x38: {  	v11 =	vld.idx.msk [tilespmem:v11+s9+$0x0], $0xffff;
	_ =	sdelay $0x4  }
0x39: {  	v11 =	vsub.s32 $0x1, v11  }
0x3a: {  	v13 =	vld [tilespmem:$0xD0];
	[tilespmem:$0x42B0] =	vst v11  }
0x3b: {  	v12 =	vld.idx.msk [tilespmem:v12+s9+$0x0], $0xffff;
	_ =	sdelay $0x4  }
0x3c: {  	v12 =	vsub.s32 $0x1, v12  }
0x3d: {  	v14 =	vld [tilespmem:$0xE0];
	[tilespmem:$0x42C0] =	vst v12  }
0x3e: {  	v13 =	vld.idx.msk [tilespmem:v13+s9+$0x0], $0xffff;
	_ =	sdelay $0x4  }
0x3f: {  	v13 =	vsub.s32 $0x1, v13  }
0x40: {  	v15 =	vld [tilespmem:$0xF0];
	[tilespmem:$0x42D0] =	vst v13  }
0x41: {  	v14 =	vld.idx.msk [tilespmem:v14+s9+$0x0], $0xffff;
	_ =	sdelay $0x4  }
0x42: {  	v14 =	vsub.s32 $0x1, v14  }
0x43: {  	v16 =	vld [tilespmem:$0x100];
	[tilespmem:$0x42E0] =	vst v14  }
0x44: {  	v15 =	vld.idx.msk [tilespmem:v15+s9+$0x0], $0xffff;
	_ =	sdelay $0x4  }
0x45: {  	v15 =	vsub.s32 $0x1, v15  }
0x46: {  	v17 =	vld [tilespmem:$0x110];
	[tilespmem:$0x42F0] =	vst v15  }
0x47: {  	v16 =	vld.idx.msk [tilespmem:v16+s9+$0x0], $0xffff;
	_ =	sdelay $0x4  }
0x48: {  	v16 =	vsub.s32 $0x1, v16  }
0x49: {  	v18 =	vld [tilespmem:$0x120];
	[tilespmem:$0x4300] =	vst v16  }
0x4a: {  	v17 =	vld.idx.msk [tilespmem:v17+s9+$0x0], $0xffff;
	_ =	sdelay $0x4  }
0x4b: {  	v17 =	vsub.s32 $0x1, v17  }
0x4c: {  	v19 =	vld [tilespmem:$0x130];
	[tilespmem:$0x4310] =	vst v17  }
0x4d: {  	v18 =	vld.idx.msk [tilespmem:v18+s9+$0x0], $0xffff;
	_ =	sdelay $0x4  }
0x4e: {  	v18 =	vsub.s32 $0x1, v18  }
0x4f: {  	v20 =	vld [tilespmem:$0x140];
	[tilespmem:$0x4320] =	vst v18  }
0x50: {  	v19 =	vld.idx.msk [tilespmem:v19+s9+$0x0], $0xffff;
	_ =	sdelay $0x4  }
0x51: {  	v19 =	vsub.s32 $0x1, v19  }
0x52: {  	v21 =	vld [tilespmem:$0x150];
	[tilespmem:$0x4330] =	vst v19  }
0x53: {  	v20 =	vld.idx.msk [tilespmem:v20+s9+$0x0], $0xffff;
	_ =	sdelay $0x4  }
0x54: {  	v20 =	vsub.s32 $0x1, v20  }
0x55: {  	v22 =	vld [tilespmem:$0x160];
	[tilespmem:$0x4340] =	vst v20  }
0x56: {  	v21 =	vld.idx.msk [tilespmem:v21+s9+$0x0], $0xffff;
	_ =	sdelay $0x4  }
0x57: {  	v21 =	vsub.s32 $0x1, v21  }
0x58: {  	v23 =	vld [tilespmem:$0x170];
	[tilespmem:$0x4350] =	vst v21  }
0x59: {  	v22 =	vld.idx.msk [tilespmem:v22+s9+$0x0], $0xffff;
	_ =	sdelay $0x4  }
0x5a: {  	v22 =	vsub.s32 $0x1, v22  }
0x5b: {  	v24 =	vld [tilespmem:$0x180];
	[tilespmem:$0x4360] =	vst v22  }
0x5c: {  	v23 =	vld.idx.msk [tilespmem:v23+s9+$0x0], $0xffff;
	_ =	sdelay $0x4  }
0x5d: {  	v23 =	vsub.s32 $0x1, v23  }
0x5e: {  	v25 =	vld [tilespmem:$0x190];
	[tilespmem:$0x4370] =	vst v23  }
0x5f: {  	v24 =	vld.idx.msk [tilespmem:v24+s9+$0x0], $0xffff;
	_ =	sdelay $0x4  }
0x60: {  	v24 =	vsub.s32 $0x1, v24  }
0x61: {  	v26 =	vld [tilespmem:$0x1A0];
	[tilespmem:$0x4380] =	vst v24  }
0x62: {  	v25 =	vld.idx.msk [tilespmem:v25+s9+$0x0], $0xffff;
	_ =	sdelay $0x4  }
0x63: {  	v25 =	vsub.s32 $0x1, v25  }
0x64: {  	v27 =	vld [tilespmem:$0x1B0];
	[tilespmem:$0x4390] =	vst v25  }
0x65: {  	v26 =	vld.idx.msk [tilespmem:v26+s9+$0x0], $0xffff;
	_ =	sdelay $0x4  }
0x66: {  	v26 =	vsub.s32 $0x1, v26  }
0x67: {  	v28 =	vld [tilespmem:$0x1C0];
	[tilespmem:$0x43A0] =	vst v26  }
0x68: {  	v27 =	vld.idx.msk [tilespmem:v27+s9+$0x0], $0xffff;
	_ =	sdelay $0x3  }
0x69: {  	v0 =	vadd.s32 v0, v1  }
0x6a: {  	v0 =	vadd.s32 v2, v0;
	v52 =	vsub.s32 $0x1, v27  }
0x6b: {  	v53 =	vld [tilespmem:$0x1D0];
	v0 =	vadd.s32 v3, v0;
	[tilespmem:$0x43B0] =	vst v52  }
0x6c: {  	v0 =	vadd.s32 v4, v0;
	v54 =	vld.idx.msk [tilespmem:v28+s9+$0x0], $0xffff  }
0x6d: {  	v0 =	vadd.s32 v5, v0  }
0x6e: {  	v0 =	vadd.s32 v6, v0  }
0x6f: {  	v0 =	vadd.s32 v7, v0  }
0x70: {  	v0 =	vadd.s32 v8, v0  }
0x71: {  	v0 =	vadd.s32 v9, v0;
	v3 =	vsub.s32 $0x1, v54  }
0x72: {  	v55 =	vld [tilespmem:$0x1E0];
	v0 =	vadd.s32 v10, v0;
	[tilespmem:$0x43C0] =	vst v3  }
0x73: {  	v0 =	vadd.s32 v11, v0;
	v2 =	vld.idx.msk [tilespmem:v53+s9+$0x0], $0xffff  }
0x74: {  	v0 =	vadd.s32 v12, v0  }
0x75: {  	v0 =	vadd.s32 v13, v0  }
0x76: {  	v0 =	vadd.s32 v14, v0  }
0x77: {  	v0 =	vadd.s32 v15, v0  }
0x78: {  	v0 =	vadd.s32 v16, v0;
	v2 =	vsub.s32 $0x1, v2  }
0x79: {  	v56 =	vld [tilespmem:$0x1F0];
	v0 =	vadd.s32 v17, v0;
	[tilespmem:$0x43D0] =	vst v2  }
0x7a: {  	v0 =	vadd.s32 v18, v0;
	v4 =	vld.idx.msk [tilespmem:v55+s9+$0x0], $0xffff  }
0x7b: {  	v0 =	vadd.s32 v19, v0  }
0x7c: {  	v0 =	vadd.s32 v20, v0  }
0x7d: {  	v0 =	vadd.s32 v21, v0  }
0x7e: {  	v0 =	vadd.s32 v22, v0  }
0x7f: {  	v0 =	vadd.s32 v23, v0;
	v4 =	vsub.s32 $0x1, v4  }
0x80: {  	v0 =	vadd.s32 v24, v0;
	[tilespmem:$0x43E0] =	vst v4  }
0x81: {  	v0 =	vadd.s32 v25, v0;
	v5 =	vld.idx.msk [tilespmem:v56+s9+$0x0], $0xffff  }
0x82: {  	v0 =	vadd.s32 v26, v0  }
0x83: {  	v0 =	vadd.s32 v52, v0  }
0x84: {  	v0 =	vadd.s32 v3, v0  }
0x85: {  	v0 =	vadd.s32 v2, v0  }
0x86: {  	s10 =	sshll.u32 s7, $0x9;
	v0 =	vadd.s32 v4, v0;
	v57 =	vsub.s32 $0x1, v5  }
0x87: {  	s9 =	sshrl.u32 s10, $0x2;
	[tilespmem:$0x43F0] =	vst v57;
	v0 =	vadd.s32 v57, v0  }
0x88: {  	s13 =	simm.s32 $0x4600;
	s12 =	sadd.s32 s9, s11;
	[tilespmem:$0x4600] =	vst v0  }
0x89: {  	[spmem:s12] =	stream.linear.scatter [tilespmem:s13], [sflag:$0x2], $0x80, $0x38;
	[tilespmem:$0x19390] =	vst v63  }
0x8a: {  	_ =	swait.ge [sflag:s3], $0x80  }
0x8b: {  	[sflag:s3] =	ssyncset.done $0x0  }
0x8c: {  	[sflag:s3] =	ssyncadd.s32 $0xFFFFFF80  }
0x8d: {  	s13 =	simm.s32 $0x4680;
	[bflag:$0x0] =	sbarrier.arrive $0xFFFF  }
0x8e: {  	[tilespmem:s13], [sflag:$0x2] =	stream.linear.gather [spmem:s11], $0x800, $0x38;
	[tilespmem:$0x19390] =	vst v63  }
0x8f: {  	_ =	swait.ge [sflag:s3], $0x800  }
0x90: {  	[sflag:s3] =	ssyncset.done $0x0  }
0x91: {  	[sflag:s3] =	ssyncadd.s32 $0xFFFFF800  }
0x92: {  	v58 =	vld [tilespmem:$0x4680]  }
0x93: {  	v59 =	vld [tilespmem:$0x4700]  }
0x94: {  	v60 =	vld [tilespmem:$0x4780]  }
0x95: {  	v61 =	vld [tilespmem:$0x4800]  }
0x96: {  	v62 =	vld [tilespmem:$0x4880]  }
0x97: {  	p0 =	seq.s32 s7, $0x0;
	p1 =	sgt.u32 s7, $0x1;
	v63 =	vld [tilespmem:$0x4900]  }
0x98: {  	p6 =	sgt.u32 s7, $0x2;
	v9 =	vld [tilespmem:$0x4980];
	v0 =	vpsel p0, $0x0, v58;
	v1 =	vpsel !p1, $0x0, v59  }
0x99: {  	v10 =	vld [tilespmem:$0x4A00];
	v2 =	vpsel !p6, $0x0, v60;
	p1 =	sgt.u32 s7, $0x3;
	v0 =	vadd.s32 v0, v1  }
0x9a: {  	p2 =	sgt.u32 s7, $0x4;
	v11 =	vld [tilespmem:$0x4A80];
	v3 =	vpsel !p1, $0x0, v61;
	v0 =	vadd.s32 v2, v0  }
0x9b: {  	p3 =	sgt.u32 s7, $0x5;
	v12 =	vld [tilespmem:$0x4B00];
	v4 =	vpsel !p2, $0x0, v62;
	v0 =	vadd.s32 v3, v0  }
0x9c: {  	p4 =	sgt.u32 s7, $0x6;
	v13 =	vld [tilespmem:$0x4B80];
	v5 =	vpsel !p3, $0x0, v63;
	v0 =	vadd.s32 v4, v0  }
0x9d: {  	p5 =	sgt.u32 s7, $0x7;
	v14 =	vld [tilespmem:$0x4C00];
	v6 =	vpsel !p4, $0x0, v9;
	v0 =	vadd.s32 v5, v0  }
0x9e: {  	v15 =	vld [tilespmem:$0x4C80];
	p6 =	sgt.u32 s7, $0x8;
	v1 =	vpsel !p5, $0x0, v10;
	v0 =	vadd.s32 v6, v0  }
0x9f: {  	v16 =	vld [tilespmem:$0x4D00];
	p1 =	sgt.u32 s7, $0x9;
	v2 =	vpsel !p6, $0x0, v11;
	v0 =	vadd.s32 v1, v0  }
0xa0: {  	v17 =	vld [tilespmem:$0x4D80];
	p2 =	sgt.u32 s7, $0xA;
	v3 =	vpsel !p1, $0x0, v12;
	v0 =	vadd.s32 v2, v0  }
0xa1: {  	p3 =	sgt.u32 s7, $0xB;
	v4 =	vpsel !p2, $0x0, v13;
	v0 =	vadd.s32 v3, v0  }
0xa2: {  	p4 =	sgt.u32 s7, $0xC;
	v18 =	vpsel !p3, $0x0, v14;
	v0 =	vadd.s32 v4, v0  }
0xa3: {  	v20 =	vld [tilespmem:$0x4200];
	v19 =	vpsel !p4, $0x0, v15;
	p5 =	sgt.u32 s7, $0xD;
	v0 =	vadd.s32 v18, v0  }
0xa4: {  	p6 =	seq.s32 s7, $0xF;
	v1 =	vpsel !p5, $0x0, v16;
	v0 =	vadd.s32 v19, v0  }
0xa5: {  	v21 =	vpsel !p6, $0x0, v17;
	v0 =	vadd.s32 v1, v0  }
0xa6: {  	v0 =	vadd.s32 v21, v0  }
0xa7: {  	(xrf0) =	vadd.scan.msk.s32 $0xffff, v0  }
0xa8: {  	(xrf0) =	vadd.scan.msk.s32 $0xffff, v20;
	_ =	sdelay $0x1  }
0xa9: {  	v22 =	vld [tilespmem:$0x0]  }
0xaa: {  	v23 =	vld [tilespmem:$0x4210];
	_ =	sdelay $0x1  }
0xab: {  	v24, _, _ =	vpop (xrf0)  }
0xac: {  	(v2sf) =	vpush v24, $0xF;
	v25, _, _ =	vpop (xrf0)  }
0xad: {  	(v2sf) =	vpush v25, $0xF  }
0xae: {  	(xrf0) =	vadd.scan.msk.s32 $0xffff, v23  }
0xaf: {  	v26 =	vld [tilespmem:$0x10]  }
0xb0: {  	v27 =	vld [tilespmem:$0x4220]  }
0xb1: {  	v0 =	vld.idx.msk [tilespmem:v22+s8+$0x0], $0xffff;
	_ =	sdelay $0x2  }
0xb2: {  	v2 =	vbroadcast v24, $0xF;
	v28, _, _ =	vpop (xrf0)  }
0xb3: {  	v4 =	vsub.s32 v25, v20;
	(v2sf) =	vpush v28, $0xF  }
0xb4: {  	vm0 =	veq.s32 v20, $0x0;
	v0 =	vadd.s32 $0x1800, v0;
	v2 =	vadd.s32 v2, v4;
	(xrf0) =	vadd.scan.msk.s32 $0xffff, v27  }
0xb5: {  	v29 =	vld [tilespmem:$0x20];
	v0 =	vsel vm0, v0, v2  }
0xb6: {  	v30 =	vld [tilespmem:$0x4230];
	[tilespmem:$0x4400] =	vst v0  }
0xb7: {  	v0 =	vld.idx.msk [tilespmem:v26+s8+$0x0], $0xffff;
	_ =	sdelay $0x1  }
0xb8: {  	s14 =	spop (v2sf)  }
0xb9: {  	v31, _, _ =	vpop (xrf0);
	s15 =	spop (v2sf)  }
0xba: {  	v3 =	vsub.s32 v28, v23;
	(v2sf) =	vpush v31, $0xF;
	s11 =	sadd.s32 s15, s14  }
0xbb: {  	vm9 =	veq.s32 v23, $0x0;
	v0 =	vadd.s32 $0x1800, v0;
	(xrf0) =	vadd.scan.msk.s32 $0xffff, v30;
	v3 =	vadd.s32 s11, v3  }
0xbc: {  	v32 =	vld [tilespmem:$0x30];
	v0 =	vsel vm9, v0, v3  }
0xbd: {  	v33 =	vld [tilespmem:$0x4240];
	[tilespmem:$0x4410] =	vst v0  }
0xbe: {  	v0 =	vld.idx.msk [tilespmem:v29+s8+$0x0], $0xffff;
	_ =	sdelay $0x2  }
0xbf: {  	v34, _, _ =	vpop (xrf0);
	s16 =	spop (v2sf)  }
0xc0: {  	v1 =	vsub.s32 v31, v27;
	(v2sf) =	vpush v34, $0xF;
	s11 =	sadd.s32 s11, s16  }
0xc1: {  	vm10 =	veq.s32 v27, $0x0;
	(xrf0) =	vadd.scan.msk.s32 $0xffff, v33;
	v1 =	vadd.s32 s11, v1;
	v0 =	vadd.s32 $0x1800, v0  }
0xc2: {  	v35 =	vld [tilespmem:$0x40];
	v0 =	vsel vm10, v0, v1  }
0xc3: {  	v36 =	vld [tilespmem:$0x4250];
	[tilespmem:$0x4420] =	vst v0  }
0xc4: {  	v0 =	vld.idx.msk [tilespmem:v32+s8+$0x0], $0xffff;
	_ =	sdelay $0x2  }
0xc5: {  	v37, _, _ =	vpop (xrf0);
	s17 =	spop (v2sf)  }
0xc6: {  	v5 =	vsub.s32 v34, v30;
	(v2sf) =	vpush v37, $0xF;
	s11 =	sadd.s32 s11, s17  }
0xc7: {  	vm11 =	veq.s32 v30, $0x0;
	(xrf0) =	vadd.scan.msk.s32 $0xffff, v36;
	v5 =	vadd.s32 s11, v5;
	v0 =	vadd.s32 $0x1800, v0  }
0xc8: {  	v38 =	vld [tilespmem:$0x50];
	v0 =	vsel vm11, v0, v5  }
0xc9: {  	v39 =	vld [tilespmem:$0x4260];
	[tilespmem:$0x4430] =	vst v0  }
0xca: {  	v0 =	vld.idx.msk [tilespmem:v35+s8+$0x0], $0xffff;
	_ =	sdelay $0x2  }
0xcb: {  	v40, _, _ =	vpop (xrf0);
	s18 =	spop (v2sf)  }
0xcc: {  	v4 =	vsub.s32 v37, v33;
	(v2sf) =	vpush v40, $0xF;
	s11 =	sadd.s32 s11, s18  }
0xcd: {  	vm12 =	veq.s32 v33, $0x0;
	(xrf0) =	vadd.scan.msk.s32 $0xffff, v39;
	v4 =	vadd.s32 s11, v4;
	v0 =	vadd.s32 $0x1800, v0  }
0xce: {  	v41 =	vld [tilespmem:$0x60];
	v0 =	vsel vm12, v0, v4  }
0xcf: {  	v42 =	vld [tilespmem:$0x4270];
	[tilespmem:$0x4440] =	vst v0  }
0xd0: {  	v0 =	vld.idx.msk [tilespmem:v38+s8+$0x0], $0xffff;
	_ =	sdelay $0x2  }
0xd1: {  	v43, _, _ =	vpop (xrf0);
	s19 =	spop (v2sf)  }
0xd2: {  	v3 =	vsub.s32 v40, v36;
	(v2sf) =	vpush v43, $0xF;
	s11 =	sadd.s32 s11, s19  }
0xd3: {  	vm13 =	veq.s32 v36, $0x0;
	(xrf0) =	vadd.scan.msk.s32 $0xffff, v42;
	v3 =	vadd.s32 s11, v3;
	v0 =	vadd.s32 $0x1800, v0  }
0xd4: {  	v44 =	vld [tilespmem:$0x70];
	v0 =	vsel vm13, v0, v3  }
0xd5: {  	v45 =	vld [tilespmem:$0x4280];
	[tilespmem:$0x4450] =	vst v0  }
0xd6: {  	v0 =	vld.idx.msk [tilespmem:v41+s8+$0x0], $0xffff;
	_ =	sdelay $0x2  }
0xd7: {  	v46, _, _ =	vpop (xrf0);
	s20 =	spop (v2sf)  }
0xd8: {  	v2 =	vsub.s32 v43, v39;
	(v2sf) =	vpush v46, $0xF;
	s11 =	sadd.s32 s11, s20  }
0xd9: {  	vm14 =	veq.s32 v39, $0x0;
	(xrf0) =	vadd.scan.msk.s32 $0xffff, v45;
	v2 =	vadd.s32 s11, v2;
	v0 =	vadd.s32 $0x1800, v0  }
0xda: {  	v47 =	vld [tilespmem:$0x80];
	v0 =	vsel vm14, v0, v2  }
0xdb: {  	v48 =	vld [tilespmem:$0x4290];
	[tilespmem:$0x4460] =	vst v0  }
0xdc: {  	v0 =	vld.idx.msk [tilespmem:v44+s8+$0x0], $0xffff;
	_ =	sdelay $0x2  }
0xdd: {  	v49, _, _ =	vpop (xrf0);
	s21 =	spop (v2sf)  }
0xde: {  	v5 =	vsub.s32 v46, v42;
	(v2sf) =	vpush v49, $0xF;
	s11 =	sadd.s32 s11, s21  }
0xdf: {  	vm15 =	veq.s32 v42, $0x0;
	(xrf0) =	vadd.scan.msk.s32 $0xffff, v48;
	v5 =	vadd.s32 s11, v5;
	v0 =	vadd.s32 $0x1800, v0  }
0xe0: {  	v50 =	vld [tilespmem:$0x90];
	v0 =	vsel vm15, v0, v5  }
0xe1: {  	v51 =	vld [tilespmem:$0x42A0];
	[tilespmem:$0x4470] =	vst v0  }
0xe2: {  	v0 =	vld.idx.msk [tilespmem:v47+s8+$0x0], $0xffff;
	_ =	sdelay $0x2  }
0xe3: {  	v52, _, _ =	vpop (xrf0);
	s22 =	spop (v2sf)  }
0xe4: {  	v4 =	vsub.s32 v49, v45;
	(v2sf) =	vpush v52, $0xF;
	s11 =	sadd.s32 s11, s22  }
0xe5: {  	vm4 =	veq.s32 v45, $0x0;
	(xrf0) =	vadd.scan.msk.s32 $0xffff, v51;
	v4 =	vadd.s32 s11, v4;
	v0 =	vadd.s32 $0x1800, v0  }
0xe6: {  	v53 =	vld [tilespmem:$0xA0];
	v0 =	vsel vm4, v0, v4  }
0xe7: {  	v54 =	vld [tilespmem:$0x42B0];
	[tilespmem:$0x4480] =	vst v0  }
0xe8: {  	v0 =	vld.idx.msk [tilespmem:v50+s8+$0x0], $0xffff;
	_ =	sdelay $0x2  }
0xe9: {  	v55, _, _ =	vpop (xrf0);
	s23 =	spop (v2sf)  }
0xea: {  	v3 =	vsub.s32 v52, v48;
	(v2sf) =	vpush v55, $0xF;
	s11 =	sadd.s32 s11, s23  }
0xeb: {  	vm5 =	veq.s32 v48, $0x0;
	(xrf0) =	vadd.scan.msk.s32 $0xffff, v54;
	v3 =	vadd.s32 s11, v3;
	v0 =	vadd.s32 $0x1800, v0  }
0xec: {  	v56 =	vld [tilespmem:$0xB0];
	v0 =	vsel vm5, v0, v3  }
0xed: {  	v57 =	vld [tilespmem:$0x42C0];
	[tilespmem:$0x4490] =	vst v0  }
0xee: {  	v0 =	vld.idx.msk [tilespmem:v53+s8+$0x0], $0xffff;
	_ =	sdelay $0x2  }
0xef: {  	v58, _, _ =	vpop (xrf0);
	s24 =	spop (v2sf)  }
0xf0: {  	v2 =	vsub.s32 v55, v51;
	(v2sf) =	vpush v58, $0xF;
	s11 =	sadd.s32 s11, s24  }
0xf1: {  	vm6 =	veq.s32 v51, $0x0;
	(xrf0) =	vadd.scan.msk.s32 $0xffff, v57;
	v2 =	vadd.s32 s11, v2;
	v0 =	vadd.s32 $0x1800, v0  }
0xf2: {  	v59 =	vld [tilespmem:$0xC0];
	v0 =	vsel vm6, v0, v2  }
0xf3: {  	v60 =	vld [tilespmem:$0x42D0];
	[tilespmem:$0x44A0] =	vst v0  }
0xf4: {  	v0 =	vld.idx.msk [tilespmem:v56+s8+$0x0], $0xffff;
	_ =	sdelay $0x2  }
0xf5: {  	v61, _, _ =	vpop (xrf0);
	s25 =	spop (v2sf)  }
0xf6: {  	v5 =	vsub.s32 v58, v54;
	(v2sf) =	vpush v61, $0xF;
	s11 =	sadd.s32 s11, s25  }
0xf7: {  	vm7 =	veq.s32 v54, $0x0;
	(xrf0) =	vadd.scan.msk.s32 $0xffff, v60;
	v5 =	vadd.s32 s11, v5;
	v0 =	vadd.s32 $0x1800, v0  }
0xf8: {  	v62 =	vld [tilespmem:$0xD0];
	v0 =	vsel vm7, v0, v5  }
0xf9: {  	v63 =	vld [tilespmem:$0x42E0];
	[tilespmem:$0x44B0] =	vst v0  }
0xfa: {  	v0 =	vld.idx.msk [tilespmem:v59+s8+$0x0], $0xffff;
	_ =	sdelay $0x2  }
0xfb: {  	v8, _, _ =	vpop (xrf0);
	s26 =	spop (v2sf)  }
0xfc: {  	v4 =	vsub.s32 v61, v57;
	(v2sf) =	vpush v8, $0xF;
	s11 =	sadd.s32 s11, s26  }
0xfd: {  	vm8 =	veq.s32 v57, $0x0;
	(xrf0) =	vadd.scan.msk.s32 $0xffff, v63;
	v4 =	vadd.s32 s11, v4;
	v0 =	vadd.s32 $0x1800, v0  }
0xfe: {  	v9 =	vld [tilespmem:$0xE0];
	v0 =	vsel vm8, v0, v4  }
0xff: {  	v10 =	vld [tilespmem:$0x42F0];
	[tilespmem:$0x44C0] =	vst v0  }
0x100: {  	v0 =	vld.idx.msk [tilespmem:v62+s8+$0x0], $0xffff;
	_ =	sdelay $0x2  }
0x101: {  	v11, _, _ =	vpop (xrf0);
	s28 =	spop (v2sf)  }
0x102: {  	v3 =	vsub.s32 v8, v60;
	(v2sf) =	vpush v11, $0xF;
	s11 =	sadd.s32 s11, s28  }
0x103: {  	vm9 =	veq.s32 v60, $0x0;
	(xrf0) =	vadd.scan.msk.s32 $0xffff, v10;
	v3 =	vadd.s32 s11, v3;
	v0 =	vadd.s32 $0x1800, v0  }
0x104: {  	v12 =	vld [tilespmem:$0xF0];
	v0 =	vsel vm9, v0, v3  }
0x105: {  	v13 =	vld [tilespmem:$0x4300];
	[tilespmem:$0x44D0] =	vst v0  }
0x106: {  	v0 =	vld.idx.msk [tilespmem:v9+s8+$0x0], $0xffff;
	_ =	sdelay $0x2  }
0x107: {  	v14, _, _ =	vpop (xrf0);
	s29 =	spop (v2sf)  }
0x108: {  	v2 =	vsub.s32 v11, v63;
	(v2sf) =	vpush v14, $0xF;
	s11 =	sadd.s32 s11, s29  }
0x109: {  	vm10 =	veq.s32 v63, $0x0;
	(xrf0) =	vadd.scan.msk.s32 $0xffff, v13;
	v2 =	vadd.s32 s11, v2;
	v0 =	vadd.s32 $0x1800, v0  }
0x10a: {  	v15 =	vld [tilespmem:$0x100];
	v0 =	vsel vm10, v0, v2  }
0x10b: {  	v16 =	vld [tilespmem:$0x4310];
	[tilespmem:$0x44E0] =	vst v0  }
0x10c: {  	v0 =	vld.idx.msk [tilespmem:v12+s8+$0x0], $0xffff;
	_ =	sdelay $0x2  }
0x10d: {  	v17, _, _ =	vpop (xrf0);
	s30 =	spop (v2sf)  }
0x10e: {  	v5 =	vsub.s32 v14, v10;
	(v2sf) =	vpush v17, $0xF;
	s11 =	sadd.s32 s11, s30  }
0x10f: {  	vm11 =	veq.s32 v10, $0x0;
	(xrf0) =	vadd.scan.msk.s32 $0xffff, v16;
	v5 =	vadd.s32 s11, v5;
	v0 =	vadd.s32 $0x1800, v0  }
0x110: {  	v18 =	vld [tilespmem:$0x110];
	v0 =	vsel vm11, v0, v5  }
0x111: {  	v19 =	vld [tilespmem:$0x4320];
	[tilespmem:$0x44F0] =	vst v0  }
0x112: {  	v0 =	vld.idx.msk [tilespmem:v15+s8+$0x0], $0xffff;
	_ =	sdelay $0x2  }
0x113: {  	v20, _, _ =	vpop (xrf0);
	s31 =	spop (v2sf)  }
0x114: {  	v4 =	vsub.s32 v17, v13;
	(v2sf) =	vpush v20, $0xF;
	s11 =	sadd.s32 s11, s31  }
0x115: {  	vm12 =	veq.s32 v13, $0x0;
	(xrf0) =	vadd.scan.msk.s32 $0xffff, v19;
	v4 =	vadd.s32 s11, v4;
	v0 =	vadd.s32 $0x1800, v0  }
0x116: {  	v21 =	vld [tilespmem:$0x120];
	v0 =	vsel vm12, v0, v4  }
0x117: {  	v22 =	vld [tilespmem:$0x4330];
	[tilespmem:$0x4500] =	vst v0  }
0x118: {  	v0 =	vld.idx.msk [tilespmem:v18+s8+$0x0], $0xffff;
	_ =	sdelay $0x2  }
0x119: {  	v23, _, _ =	vpop (xrf0);
	s13 =	spop (v2sf)  }
0x11a: {  	v3 =	vsub.s32 v20, v16;
	(v2sf) =	vpush v23, $0xF;
	s11 =	sadd.s32 s11, s13  }
0x11b: {  	vm13 =	veq.s32 v16, $0x0;
	(xrf0) =	vadd.scan.msk.s32 $0xffff, v22;
	v3 =	vadd.s32 s11, v3;
	v0 =	vadd.s32 $0x1800, v0  }
0x11c: {  	v24 =	vld [tilespmem:$0x130];
	v0 =	vsel vm13, v0, v3  }
0x11d: {  	v25 =	vld [tilespmem:$0x4340];
	[tilespmem:$0x4510] =	vst v0  }
0x11e: {  	v0 =	vld.idx.msk [tilespmem:v21+s8+$0x0], $0xffff;
	_ =	sdelay $0x2  }
0x11f: {  	v26, _, _ =	vpop (xrf0);
	s14 =	spop (v2sf)  }
0x120: {  	v2 =	vsub.s32 v23, v19;
	(v2sf) =	vpush v26, $0xF;
	s11 =	sadd.s32 s11, s14  }
0x121: {  	vm14 =	veq.s32 v19, $0x0;
	(xrf0) =	vadd.scan.msk.s32 $0xffff, v25;
	v2 =	vadd.s32 s11, v2;
	v0 =	vadd.s32 $0x1800, v0  }
0x122: {  	v28 =	vld [tilespmem:$0x4350];
	v0 =	vsel vm14, v0, v2  }
0x123: {  	v27 =	vld [tilespmem:$0x140];
	[tilespmem:$0x4520] =	vst v0  }
0x124: {  	v0 =	vld.idx.msk [tilespmem:v24+s8+$0x0], $0xffff;
	_ =	sdelay $0x2  }
0x125: {  	v29, _, _ =	vpop (xrf0);
	s15 =	spop (v2sf)  }
0x126: {  	v5 =	vsub.s32 v26, v22;
	(v2sf) =	vpush v29, $0xF;
	s11 =	sadd.s32 s11, s15  }
0x127: {  	vm15 =	veq.s32 v22, $0x0;
	(xrf0) =	vadd.scan.msk.s32 $0xffff, v28;
	v5 =	vadd.s32 s11, v5;
	v0 =	vadd.s32 $0x1800, v0  }
0x128: {  	v31 =	vld [tilespmem:$0x4360];
	v0 =	vsel vm15, v0, v5  }
0x129: {  	v30 =	vld [tilespmem:$0x150];
	[tilespmem:$0x4530] =	vst v0  }
0x12a: {  	v0 =	vld.idx.msk [tilespmem:v27+s8+$0x0], $0xffff;
	_ =	sdelay $0x2  }
0x12b: {  	v32, _, _ =	vpop (xrf0);
	s16 =	spop (v2sf)  }
0x12c: {  	v4 =	vsub.s32 v29, v25;
	(v2sf) =	vpush v32, $0xF;
	s11 =	sadd.s32 s11, s16  }
0x12d: {  	vm4 =	veq.s32 v25, $0x0;
	(xrf0) =	vadd.scan.msk.s32 $0xffff, v31;
	v4 =	vadd.s32 s11, v4;
	v0 =	vadd.s32 $0x1800, v0  }
0x12e: {  	v34 =	vld [tilespmem:$0x4370];
	v0 =	vsel vm4, v0, v4  }
0x12f: {  	v33 =	vld [tilespmem:$0x160];
	[tilespmem:$0x4540] =	vst v0  }
0x130: {  	v0 =	vld.idx.msk [tilespmem:v30+s8+$0x0], $0xffff;
	_ =	sdelay $0x2  }
0x131: {  	v35, _, _ =	vpop (xrf0);
	s17 =	spop (v2sf)  }
0x132: {  	v3 =	vsub.s32 v32, v28;
	(v2sf) =	vpush v35, $0xF;
	s11 =	sadd.s32 s11, s17  }
0x133: {  	vm5 =	veq.s32 v28, $0x0;
	(xrf0) =	vadd.scan.msk.s32 $0xffff, v34;
	v3 =	vadd.s32 s11, v3;
	v0 =	vadd.s32 $0x1800, v0  }
0x134: {  	v36 =	vld [tilespmem:$0x170];
	v0 =	vsel vm5, v0, v3  }
0x135: {  	v37 =	vld [tilespmem:$0x4380];
	[tilespmem:$0x4550] =	vst v0  }
0x136: {  	v0 =	vld.idx.msk [tilespmem:v33+s8+$0x0], $0xffff;
	_ =	sdelay $0x2  }
0x137: {  	v38, _, _ =	vpop (xrf0);
	s18 =	spop (v2sf)  }
0x138: {  	v2 =	vsub.s32 v35, v31;
	(v2sf) =	vpush v38, $0xF;
	s11 =	sadd.s32 s11, s18  }
0x139: {  	vm6 =	veq.s32 v31, $0x0;
	(xrf0) =	vadd.scan.msk.s32 $0xffff, v37;
	v2 =	vadd.s32 s11, v2;
	v0 =	vadd.s32 $0x1800, v0  }
0x13a: {  	v40 =	vld [tilespmem:$0x4390];
	v0 =	vsel vm6, v0, v2  }
0x13b: {  	v39 =	vld [tilespmem:$0x180];
	[tilespmem:$0x4560] =	vst v0  }
0x13c: {  	v0 =	vld.idx.msk [tilespmem:v36+s8+$0x0], $0xffff;
	_ =	sdelay $0x2  }
0x13d: {  	v41, _, _ =	vpop (xrf0);
	s19 =	spop (v2sf)  }
0x13e: {  	v5 =	vsub.s32 v38, v34;
	(v2sf) =	vpush v41, $0xF;
	s11 =	sadd.s32 s11, s19  }
0x13f: {  	vm7 =	veq.s32 v34, $0x0;
	(xrf0) =	vadd.scan.msk.s32 $0xffff, v40;
	v5 =	vadd.s32 s11, v5;
	v0 =	vadd.s32 $0x1800, v0  }
0x140: {  	v42 =	vld [tilespmem:$0x190];
	v0 =	vsel vm7, v0, v5  }
0x141: {  	v43 =	vld [tilespmem:$0x43A0];
	[tilespmem:$0x4570] =	vst v0  }
0x142: {  	v0 =	vld.idx.msk [tilespmem:v39+s8+$0x0], $0xffff;
	_ =	sdelay $0x2  }
0x143: {  	v44, _, _ =	vpop (xrf0);
	s20 =	spop (v2sf)  }
0x144: {  	v4 =	vsub.s32 v41, v37;
	(v2sf) =	vpush v44, $0xF;
	s11 =	sadd.s32 s11, s20  }
0x145: {  	vm8 =	veq.s32 v37, $0x0;
	(xrf0) =	vadd.scan.msk.s32 $0xffff, v43;
	v4 =	vadd.s32 s11, v4;
	v0 =	vadd.s32 $0x1800, v0  }
0x146: {  	v45 =	vld [tilespmem:$0x1A0];
	v0 =	vsel vm8, v0, v4  }
0x147: {  	v46 =	vld [tilespmem:$0x43B0];
	[tilespmem:$0x4580] =	vst v0  }
0x148: {  	v0 =	vld.idx.msk [tilespmem:v42+s8+$0x0], $0xffff;
	_ =	sdelay $0x2  }
0x149: {  	v47, _, _ =	vpop (xrf0);
	s21 =	spop (v2sf)  }
0x14a: {  	v3 =	vsub.s32 v44, v40;
	(v2sf) =	vpush v47, $0xF;
	s11 =	sadd.s32 s11, s21  }
0x14b: {  	vm9 =	veq.s32 v40, $0x0;
	(xrf0) =	vadd.scan.msk.s32 $0xffff, v46;
	v3 =	vadd.s32 s11, v3;
	v0 =	vadd.s32 $0x1800, v0  }
0x14c: {  	v48 =	vld [tilespmem:$0x1B0];
	v0 =	vsel vm9, v0, v3  }
0x14d: {  	v49 =	vld [tilespmem:$0x43C0];
	[tilespmem:$0x4590] =	vst v0  }
0x14e: {  	v0 =	vld.idx.msk [tilespmem:v45+s8+$0x0], $0xffff;
	_ =	sdelay $0x2  }
0x14f: {  	v50, _, _ =	vpop (xrf0);
	s22 =	spop (v2sf)  }
0x150: {  	v2 =	vsub.s32 v47, v43;
	(v2sf) =	vpush v50, $0xF;
	s11 =	sadd.s32 s11, s22  }
0x151: {  	vm10 =	veq.s32 v43, $0x0;
	(xrf0) =	vadd.scan.msk.s32 $0xffff, v49;
	v2 =	vadd.s32 s11, v2;
	v0 =	vadd.s32 $0x1800, v0  }
0x152: {  	v51 =	vld [tilespmem:$0x1C0];
	v0 =	vsel vm10, v0, v2  }
0x153: {  	v53 =	vld [tilespmem:$0x43D0];
	[tilespmem:$0x45A0] =	vst v0  }
0x154: {  	v0 =	vld.idx.msk [tilespmem:v48+s8+$0x0], $0xffff;
	_ =	sdelay $0x2  }
0x155: {  	v54, _, _ =	vpop (xrf0);
	s23 =	spop (v2sf)  }
0x156: {  	v52 =	vsub.s32 v50, v46;
	(v2sf) =	vpush v54, $0xF;
	s11 =	sadd.s32 s11, s23  }
0x157: {  	vm11 =	veq.s32 v46, $0x0;
	(xrf0) =	vadd.scan.msk.s32 $0xffff, v53;
	v2 =	vadd.s32 s11, v52;
	v0 =	vadd.s32 $0x1800, v0  }
0x158: {  	v55 =	vld [tilespmem:$0x1D0];
	v0 =	vsel vm11, v0, v2  }
0x159: {  	v56 =	vld [tilespmem:$0x43E0];
	[tilespmem:$0x45B0] =	vst v0  }
0x15a: {  	v0 =	vld.idx.msk [tilespmem:v51+s8+$0x0], $0xffff;
	_ =	sdelay $0x2  }
0x15b: {  	v58, _, _ =	vpop (xrf0);
	s24 =	spop (v2sf)  }
0x15c: {  	v4 =	vsub.s32 v54, v49;
	(v2sf) =	vpush v58, $0xF;
	s11 =	sadd.s32 s11, s24  }
0x15d: {  	vm12 =	veq.s32 v49, $0x0;
	(xrf0) =	vadd.scan.msk.s32 $0xffff, v56;
	v57 =	vadd.s32 s11, v4;
	v0 =	vadd.s32 $0x1800, v0  }
0x15e: {  	v0 =	vsel vm12, v0, v57  }
0x15f: {  	v59 =	vld [tilespmem:$0x1E0];
	[tilespmem:$0x45C0] =	vst v0  }
0x160: {  	v0 =	vld.idx.msk [tilespmem:v55+s8+$0x0], $0xffff;
	_ =	sdelay $0x2  }
0x161: {  	v60, _, _ =	vpop (xrf0);
	s25 =	spop (v2sf)  }
0x162: {  	v3 =	vsub.s32 v58, v53;
	(v2sf) =	vpush v60, $0xF;
	s11 =	sadd.s32 s11, s25  }
0x163: {  	vm13 =	veq.s32 v53, $0x0;
	v3 =	vadd.s32 s11, v3;
	v0 =	vadd.s32 $0x1800, v0  }
0x164: {  	v61 =	vld [tilespmem:$0x1F0];
	v0 =	vsel vm13, v0, v3  }
0x165: {  	v62 =	vld [tilespmem:$0x43F0];
	[tilespmem:$0x45D0] =	vst v0  }
0x166: {  	v0 =	vld.idx.msk [tilespmem:v59+s8+$0x0], $0xffff;
	_ =	sdelay $0x2  }
0x167: {  	s26 =	spop (v2sf)  }
0x168: {  	v4 =	vsub.s32 v60, v56;
	s11 =	sadd.s32 s11, s26  }
0x169: {  	vm14 =	veq.s32 v56, $0x0;
	(xrf0) =	vadd.scan.msk.s32 $0xffff, v62;
	v4 =	vadd.s32 s11, v4;
	v0 =	vadd.s32 $0x1800, v0  }
0x16a: {  	v0 =	vsel vm14, v0, v4  }
0x16b: {  	[tilespmem:$0x45E0] =	vst v0  }
0x16c: {  	v0 =	vld.idx.msk [tilespmem:v61+s8+$0x0], $0xffff;
	_ =	sdelay $0x2  }
0x16d: {  	v63, _, _ =	vpop (xrf0);
	s28 =	spop (v2sf)  }
0x16e: {  	v1 =	vsub.s32 v63, v62;
	s8 =	sadd.s32 s11, s28  }
0x16f: {  	vm15 =	veq.s32 v62, $0x0;
	v1 =	vadd.s32 s8, v1;
	v0 =	vadd.s32 $0x1800, v0  }
0x170: {  	p0 =	sne.s32 s7, $0x0;
	v0 =	vsel vm15, v0, v1  }
0x171: {  	s29 =	sand.u32 $0x1000, s10;
	s10 =	sadd.s32 s10, s5;
	s31 =	simm.s32 $0x4400;
	[tilespmem:$0x45F0] =	vst v0  }
0x172: {  	[spmem:s10] =	stream.linear.scatter [tilespmem:s31], [sflag:$0x2], $0x200, $0x38;
	[tilespmem:$0x19390] =	vst v63  }
.Ltmp0:
0x173: {  	s30 =	sshll.u32 s7, $0x7;
	_ =	swait.ge [sflag:s3], $0x200;
	(pc) =	sbr.rel @p0 .LBB2_4-.Ltmp0, $4  }
0x174: {  	s11 =	sand.u32 $0x380, s30;
	[sflag:s3] =	ssyncset.done $0x0  }
0x175: {  	s8 =	sor.u32 s11, s29;
	[sflag:s3] =	ssyncadd.s32 $0xFFFFFE00  }
0x176: {  	s7 =	sadd.s32 s9, s2;
	s8 =	sshrl.u32 s8, $0x3;
	[bflag:$0x0] =	sbarrier.arrive $0xFFFF  }
0x177: {  	s8 =	sadd.s32 s8, s6;
	s10 =	sadd.s32 $0x1A00, s6;
	s6 =	sadd.s32 $0x1B00, s6  }
0x178: {  	s9 =	simm.s32 $0x4E80  }
0x179: {  	[tilespmem:s9], [sflag:$0x2] =	stream.linear.gather [spmem:s5], $0x2000, $0x38;
	[tilespmem:$0x19390] =	vst v63  }
0x17a: {  	_ =	swait.ge [sflag:s3], $0x2000  }
0x17b: {  	s11 =	simm.s32 $0x6E80;
	[sflag:s3] =	ssyncset.done $0x0  }
0x17c: {  	v0 =	vlaneseq.u32;
	s5 =	simm.s32 $0x70;
	s9 =	simm.s32 $0x4EC0;
	[sflag:s3] =	ssyncadd.s32 $0xFFFFE000  }
.LBB2_2:
0x17d: {  	v1 =	vld [tilespmem:s9+$0xFFFFFFC0];
	_ =	sdelay $0x5  }
0x17e: {  	s12 =	sadd.s32 $0xFFFFFF90, s5  }
0x17f: {  	v2 =	vor.u32 s12, v0  }
0x180: {  	[tilespmem:v1+s11+$0x0] =	vst.idx.msk $0xffff, v2  }
0x181: {  	v1 =	vld [tilespmem:s9+$0xFFFFFFD0];
	_ =	sdelay $0x5  }
0x182: {  	s25 =	sadd.s32 $0xFFFFFFA0, s5  }
0x183: {  	v2 =	vor.u32 s25, v0  }
0x184: {  	[tilespmem:v1+s11+$0x0] =	vst.idx.msk $0xffff, v2  }
0x185: {  	v1 =	vld [tilespmem:s9+$0xFFFFFFE0];
	_ =	sdelay $0x5  }
0x186: {  	s26 =	sadd.s32 $0xFFFFFFB0, s5  }
0x187: {  	v2 =	vor.u32 s26, v0  }
0x188: {  	[tilespmem:v1+s11+$0x0] =	vst.idx.msk $0xffff, v2  }
0x189: {  	v1 =	vld [tilespmem:s9+$0xFFFFFFF0];
	_ =	sdelay $0x5  }
0x18a: {  	s28 =	sadd.s32 $0xFFFFFFC0, s5  }
0x18b: {  	v2 =	vor.u32 s28, v0  }
0x18c: {  	[tilespmem:v1+s11+$0x0] =	vst.idx.msk $0xffff, v2  }
0x18d: {  	v1 =	vld [tilespmem:s9+$0x0];
	_ =	sdelay $0x5  }
0x18e: {  	s29 =	sadd.s32 $0xFFFFFFD0, s5  }
0x18f: {  	v2 =	vor.u32 s29, v0  }
0x190: {  	[tilespmem:v1+s11+$0x0] =	vst.idx.msk $0xffff, v2  }
0x191: {  	v1 =	vld [tilespmem:s9+$0x10];
	_ =	sdelay $0x5  }
0x192: {  	s30 =	sadd.s32 $0xFFFFFFE0, s5  }
0x193: {  	v2 =	vor.u32 s30, v0  }
0x194: {  	[tilespmem:v1+s11+$0x0] =	vst.idx.msk $0xffff, v2  }
0x195: {  	v1 =	vld [tilespmem:s9+$0x20];
	_ =	sdelay $0x5  }
0x196: {  	s31 =	sadd.s32 $0xFFFFFFF0, s5  }
0x197: {  	v2 =	vor.u32 s31, v0  }
0x198: {  	[tilespmem:v1+s11+$0x0] =	vst.idx.msk $0xffff, v2  }
0x199: {  	v1 =	vld [tilespmem:s9+$0x30];
	_ =	sdelay $0x2  }
0x19a: {  	p1 =	sne.s32 s5, $0x1FF0  }
.Ltmp1:
0x19b: {  	_ = 	snop;
	(pc) =	sbr.rel @p1 .LBB2_2-.Ltmp1, $3  }
0x19c: {  	_ =	sdelay $0x1  }
0x19d: {  	v2 =	vor.u32 s5, v0  }
0x19e: {  	s5 =	sadd.s32 $0x80, s5;
	s9 =	sadd.s32 $0x80, s9;
	[tilespmem:v1+s11+$0x0] =	vst.idx.msk $0xffff, v2  }
0x19f: {  	s5 =	simm.s32 $0x0;
	s9 =	simm.s32 $0x6E80;
	s30 =	simm.s32 $0x2  }
0x1a0: {  	[hbm4b:s4+s5] =	stream.linear.scatter [tilespmem:s9], [sflag:$0x2], $0x2000, $0x38;
	[tilespmem:$0x19390] =	vst v63  }
0x1a1: {  	_ =	swait.ge [sflag:s30], $0x2000  }
0x1a2: {  	[sflag:s30] =	ssyncset.done $0x0  }
0x1a3: {  	s31 =	simm.s32 $0x8680;
	[sflag:s30] =	ssyncadd.s32 $0xFFFFE000  }
0x1a4: {  	[spmem:s2] =	stream.linear.scatter [tilespmem:s31], [sflag:$0x2], $0x800, $0x38;
	[tilespmem:$0x19390] =	vst v63  }
0x1a5: {  	_ =	swait.ge [sflag:s30], $0x800  }
0x1a6: {  	[sflag:s30] =	ssyncset.done $0x0  }
0x1a7: {  	[sflag:s30] =	ssyncadd.s32 $0xFFFFF800  }
.LBB2_4:
0x1a8: {  	[bflag:$0x0] =	sbarrier.arrive $0xFFFF;
	s2 =	simm.s32 $0x9110  }
0x1a9: {  	[tilespmem:s2], [sflag:$0x2] =	stream.linear.gather [spmem:s7], $0x80, $0x38;
	[tilespmem:$0x19390] =	vst v63  }
0x1aa: {  	_ =	swait.ge [sflag:s3], $0x80  }
0x1ab: {  	[sflag:s3] =	ssyncset.done $0x0  }
0x1ac: {  	[sflag:s3] =	ssyncadd.s32 $0xFFFFFF80  }
0x1ad: {  	v0 =	vld [tilespmem:$0x9110];
	_ =	sdelay $0x4  }
0x1ae: {  	v1 =	vshll.u32 v0, $0x2  }
0x1af: {  	v2 =	vlaneseq.u32;
	v0 =	vand.u32 $0x7, v0;
	v1 =	vand.u32 $0xFFFFFFE0, v1  }
0x1b0: {  	v3 =	vshrl.u32 v2, $0x3;
	v0 =	vor.u32 v0, v1;
	v1 =	vand.u32 $0x7, v2  }
0x1b1: {  	v3 =	vmul.u32 $0x8, v3;
	v4 =	vperm.xlane v0, v1;
	_ =	sdelay $0x1  }
0x1b2: {  	v4 =	vadd.s32 v3, v4  }
0x1b3: {  	v2 =	vor.u32 $0x8, v2  }
0x1b4: {  	v0 =	vperm.xlane v0, v2;
	_ =	sdelay $0x1  }
0x1b5: {  	vm0 =	vmmov $0xffff;
	s21 =	simm.s32 $0x9190;
	v0 =	vadd.s32 v3, v0  }
0x1b6: {  	[tilespmem:s21], [sflag:$0x1] =	stream.indirect_vreg.gather [hbm4b:s10+s1], $0x80, v4, vm0, $0xb8;
	[tilespmem:$0x19390] =	vst v63  }
0x1b7: {  	s22 =	simm.s32 $0x9990  }
0x1b8: {  	[tilespmem:s22], [sflag:$0x1] =	stream.indirect_vreg.gather [hbm4b:s6+s1], $0x80, v4, vm0, $0xb8;
	[tilespmem:$0x19390] =	vst v63  }
0x1b9: {  	s23 =	simm.s32 $0xA190  }
0x1ba: {  	[tilespmem:s23], [sflag:$0x1] =	stream.indirect_vreg.gather [hbm4b:s10+s1], $0x80, v0, vm0, $0xb8;
	[tilespmem:$0x19390] =	vst v63  }
0x1bb: {  	s24 =	simm.s32 $0xA990  }
0x1bc: {  	[tilespmem:s24], [sflag:$0x1] =	stream.indirect_vreg.gather [hbm4b:s6+s1], $0x80, v0, vm0, $0xb8;
	[tilespmem:$0x19390] =	vst v63  }
0x1bd: {  	v0 =	vld [tilespmem:$0x9120];
	_ =	sdelay $0x4  }
0x1be: {  	v4 =	vshll.u32 v0, $0x2  }
0x1bf: {  	v0 =	vand.u32 $0x7, v0;
	v4 =	vand.u32 $0xFFFFFFE0, v4  }
0x1c0: {  	v0 =	vor.u32 v0, v4  }
0x1c1: {  	v4 =	vperm.xlane v0, v1;
	_ =	sdelay $0x1  }
0x1c2: {  	v4 =	vadd.s32 v3, v4;
	_ =	sdelay $0x1  }
0x1c3: {  	v0 =	vperm.xlane v0, v2;
	_ =	sdelay $0x1  }
0x1c4: {  	s25 =	simm.s32 $0xB190;
	v0 =	vadd.s32 v3, v0  }
0x1c5: {  	[tilespmem:s25], [sflag:$0x1] =	stream.indirect_vreg.gather [hbm4b:s10+s1], $0x80, v4, vm0, $0xb8;
	[tilespmem:$0x19390] =	vst v63  }
0x1c6: {  	s26 =	simm.s32 $0xB990  }
0x1c7: {  	[tilespmem:s26], [sflag:$0x1] =	stream.indirect_vreg.gather [hbm4b:s6+s1], $0x80, v4, vm0, $0xb8;
	[tilespmem:$0x19390] =	vst v63  }
0x1c8: {  	s28 =	simm.s32 $0xC190  }
0x1c9: {  	[tilespmem:s28], [sflag:$0x1] =	stream.indirect_vreg.gather [hbm4b:s10+s1], $0x80, v0, vm0, $0xb8;
	[tilespmem:$0x19390] =	vst v63  }
0x1ca: {  	s29 =	simm.s32 $0xC990  }
0x1cb: {  	[tilespmem:s29], [sflag:$0x1] =	stream.indirect_vreg.gather [hbm4b:s6+s1], $0x80, v0, vm0, $0xb8;
	[tilespmem:$0x19390] =	vst v63  }
0x1cc: {  	v0 =	vld [tilespmem:$0x9130];
	_ =	sdelay $0x4  }
0x1cd: {  	v4 =	vshll.u32 v0, $0x2  }
0x1ce: {  	v0 =	vand.u32 $0x7, v0;
	v4 =	vand.u32 $0xFFFFFFE0, v4  }
0x1cf: {  	v0 =	vor.u32 v0, v4  }
0x1d0: {  	v4 =	vperm.xlane v0, v1;
	_ =	sdelay $0x1  }
0x1d1: {  	v4 =	vadd.s32 v3, v4;
	_ =	sdelay $0x1  }
0x1d2: {  	v0 =	vperm.xlane v0, v2;
	_ =	sdelay $0x1  }
0x1d3: {  	s30 =	simm.s32 $0xD190;
	v0 =	vadd.s32 v3, v0  }
0x1d4: {  	[tilespmem:s30], [sflag:$0x1] =	stream.indirect_vreg.gather [hbm4b:s10+s1], $0x80, v4, vm0, $0xb8;
	[tilespmem:$0x19390] =	vst v63  }
0x1d5: {  	s31 =	simm.s32 $0xD990  }
0x1d6: {  	[tilespmem:s31], [sflag:$0x1] =	stream.indirect_vreg.gather [hbm4b:s6+s1], $0x80, v4, vm0, $0xb8;
	[tilespmem:$0x19390] =	vst v63  }
0x1d7: {  	s3 =	simm.s32 $0xE190  }
0x1d8: {  	[tilespmem:s3], [sflag:$0x1] =	stream.indirect_vreg.gather [hbm4b:s10+s1], $0x80, v0, vm0, $0xb8;
	[tilespmem:$0x19390] =	vst v63  }
0x1d9: {  	s4 =	simm.s32 $0xE990  }
0x1da: {  	[tilespmem:s4], [sflag:$0x1] =	stream.indirect_vreg.gather [hbm4b:s6+s1], $0x80, v0, vm0, $0xb8;
	[tilespmem:$0x19390] =	vst v63  }
0x1db: {  	v0 =	vld [tilespmem:$0x9140];
	_ =	sdelay $0x4  }
0x1dc: {  	v4 =	vshll.u32 v0, $0x2  }
0x1dd: {  	v0 =	vand.u32 $0x7, v0;
	v4 =	vand.u32 $0xFFFFFFE0, v4  }
0x1de: {  	v0 =	vor.u32 v0, v4  }
0x1df: {  	v4 =	vperm.xlane v0, v1;
	_ =	sdelay $0x1  }
0x1e0: {  	v4 =	vadd.s32 v3, v4;
	_ =	sdelay $0x1  }
0x1e1: {  	v0 =	vperm.xlane v0, v2;
	_ =	sdelay $0x1  }
0x1e2: {  	s5 =	simm.s32 $0xF190;
	v0 =	vadd.s32 v3, v0  }
0x1e3: {  	[tilespmem:s5], [sflag:$0x1] =	stream.indirect_vreg.gather [hbm4b:s10+s1], $0x80, v4, vm0, $0xb8;
	[tilespmem:$0x19390] =	vst v63  }
0x1e4: {  	s7 =	simm.s32 $0xF990  }
0x1e5: {  	[tilespmem:s7], [sflag:$0x1] =	stream.indirect_vreg.gather [hbm4b:s6+s1], $0x80, v4, vm0, $0xb8;
	[tilespmem:$0x19390] =	vst v63  }
0x1e6: {  	s9 =	simm.s32 $0x10190  }
0x1e7: {  	[tilespmem:s9], [sflag:$0x1] =	stream.indirect_vreg.gather [hbm4b:s10+s1], $0x80, v0, vm0, $0xb8;
	[tilespmem:$0x19390] =	vst v63  }
0x1e8: {  	s11 =	simm.s32 $0x10990  }
0x1e9: {  	[tilespmem:s11], [sflag:$0x1] =	stream.indirect_vreg.gather [hbm4b:s6+s1], $0x80, v0, vm0, $0xb8;
	[tilespmem:$0x19390] =	vst v63  }
0x1ea: {  	v0 =	vld [tilespmem:$0x9150];
	_ =	sdelay $0x4  }
0x1eb: {  	v4 =	vshll.u32 v0, $0x2  }
0x1ec: {  	v0 =	vand.u32 $0x7, v0;
	v4 =	vand.u32 $0xFFFFFFE0, v4  }
0x1ed: {  	v0 =	vor.u32 v0, v4  }
0x1ee: {  	v4 =	vperm.xlane v0, v1;
	_ =	sdelay $0x1  }
0x1ef: {  	v4 =	vadd.s32 v3, v4;
	_ =	sdelay $0x1  }
0x1f0: {  	v0 =	vperm.xlane v0, v2;
	_ =	sdelay $0x1  }
0x1f1: {  	s12 =	simm.s32 $0x11190;
	v0 =	vadd.s32 v3, v0  }
0x1f2: {  	[tilespmem:s12], [sflag:$0x1] =	stream.indirect_vreg.gather [hbm4b:s10+s1], $0x80, v4, vm0, $0xb8;
	[tilespmem:$0x19390] =	vst v63  }
0x1f3: {  	s13 =	simm.s32 $0x11990  }
0x1f4: {  	[tilespmem:s13], [sflag:$0x1] =	stream.indirect_vreg.gather [hbm4b:s6+s1], $0x80, v4, vm0, $0xb8;
	[tilespmem:$0x19390] =	vst v63  }
0x1f5: {  	s14 =	simm.s32 $0x12190  }
0x1f6: {  	[tilespmem:s14], [sflag:$0x1] =	stream.indirect_vreg.gather [hbm4b:s10+s1], $0x80, v0, vm0, $0xb8;
	[tilespmem:$0x19390] =	vst v63  }
0x1f7: {  	s15 =	simm.s32 $0x12990  }
0x1f8: {  	[tilespmem:s15], [sflag:$0x1] =	stream.indirect_vreg.gather [hbm4b:s6+s1], $0x80, v0, vm0, $0xb8;
	[tilespmem:$0x19390] =	vst v63  }
0x1f9: {  	v0 =	vld [tilespmem:$0x9160];
	_ =	sdelay $0x4  }
0x1fa: {  	v4 =	vshll.u32 v0, $0x2  }
0x1fb: {  	v0 =	vand.u32 $0x7, v0;
	v4 =	vand.u32 $0xFFFFFFE0, v4  }
0x1fc: {  	v0 =	vor.u32 v0, v4  }
0x1fd: {  	v4 =	vperm.xlane v0, v1;
	_ =	sdelay $0x1  }
0x1fe: {  	v4 =	vadd.s32 v3, v4;
	_ =	sdelay $0x1  }
0x1ff: {  	v0 =	vperm.xlane v0, v2;
	_ =	sdelay $0x1  }
0x200: {  	s16 =	simm.s32 $0x13190;
	v0 =	vadd.s32 v3, v0  }
0x201: {  	[tilespmem:s16], [sflag:$0x1] =	stream.indirect_vreg.gather [hbm4b:s10+s1], $0x80, v4, vm0, $0xb8;
	[tilespmem:$0x19390] =	vst v63  }
0x202: {  	s17 =	simm.s32 $0x13990  }
0x203: {  	[tilespmem:s17], [sflag:$0x1] =	stream.indirect_vreg.gather [hbm4b:s6+s1], $0x80, v4, vm0, $0xb8;
	[tilespmem:$0x19390] =	vst v63  }
0x204: {  	s18 =	simm.s32 $0x14190  }
0x205: {  	[tilespmem:s18], [sflag:$0x1] =	stream.indirect_vreg.gather [hbm4b:s10+s1], $0x80, v0, vm0, $0xb8;
	[tilespmem:$0x19390] =	vst v63  }
0x206: {  	s19 =	simm.s32 $0x14990  }
0x207: {  	[tilespmem:s19], [sflag:$0x1] =	stream.indirect_vreg.gather [hbm4b:s6+s1], $0x80, v0, vm0, $0xb8;
	[tilespmem:$0x19390] =	vst v63  }
0x208: {  	v0 =	vld [tilespmem:$0x9170];
	_ =	sdelay $0x4  }
0x209: {  	v4 =	vshll.u32 v0, $0x2  }
0x20a: {  	v0 =	vand.u32 $0x7, v0;
	v4 =	vand.u32 $0xFFFFFFE0, v4  }
0x20b: {  	v0 =	vor.u32 v0, v4  }
0x20c: {  	v4 =	vperm.xlane v0, v1;
	_ =	sdelay $0x1  }
0x20d: {  	v4 =	vadd.s32 v3, v4;
	_ =	sdelay $0x1  }
0x20e: {  	v0 =	vperm.xlane v0, v2;
	_ =	sdelay $0x1  }
0x20f: {  	s20 =	simm.s32 $0x15190;
	v0 =	vadd.s32 v3, v0  }
0x210: {  	[tilespmem:s20], [sflag:$0x1] =	stream.indirect_vreg.gather [hbm4b:s10+s1], $0x80, v4, vm0, $0xb8;
	[tilespmem:$0x19390] =	vst v63  }
0x211: {  	s21 =	simm.s32 $0x15990  }
0x212: {  	[tilespmem:s21], [sflag:$0x1] =	stream.indirect_vreg.gather [hbm4b:s6+s1], $0x80, v4, vm0, $0xb8;
	[tilespmem:$0x19390] =	vst v63  }
0x213: {  	s22 =	simm.s32 $0x16190  }
0x214: {  	[tilespmem:s22], [sflag:$0x1] =	stream.indirect_vreg.gather [hbm4b:s10+s1], $0x80, v0, vm0, $0xb8;
	[tilespmem:$0x19390] =	vst v63  }
0x215: {  	s23 =	simm.s32 $0x16990  }
0x216: {  	[tilespmem:s23], [sflag:$0x1] =	stream.indirect_vreg.gather [hbm4b:s6+s1], $0x80, v0, vm0, $0xb8;
	[tilespmem:$0x19390] =	vst v63  }
0x217: {  	v0 =	vld [tilespmem:$0x9180];
	_ =	sdelay $0x4  }
0x218: {  	v4 =	vshll.u32 v0, $0x2  }
0x219: {  	v0 =	vand.u32 $0x7, v0;
	v4 =	vand.u32 $0xFFFFFFE0, v4  }
0x21a: {  	v0 =	vor.u32 v0, v4  }
0x21b: {  	v1 =	vperm.xlane v0, v1;
	_ =	sdelay $0x1  }
0x21c: {  	v1 =	vadd.s32 v3, v1;
	_ =	sdelay $0x1  }
0x21d: {  	v0 =	vperm.xlane v0, v2;
	_ =	sdelay $0x1  }
0x21e: {  	s24 =	simm.s32 $0x17190;
	v0 =	vadd.s32 v3, v0  }
0x21f: {  	[tilespmem:s24], [sflag:$0x1] =	stream.indirect_vreg.gather [hbm4b:s10+s1], $0x80, v1, vm0, $0xb8;
	[tilespmem:$0x19390] =	vst v63  }
0x220: {  	s25 =	simm.s32 $0x17990  }
0x221: {  	[tilespmem:s25], [sflag:$0x1] =	stream.indirect_vreg.gather [hbm4b:s6+s1], $0x80, v1, vm0, $0xb8;
	[tilespmem:$0x19390] =	vst v63  }
0x222: {  	s26 =	simm.s32 $0x18190  }
0x223: {  	[tilespmem:s26], [sflag:$0x1] =	stream.indirect_vreg.gather [hbm4b:s10+s1], $0x80, v0, vm0, $0xb8;
	[tilespmem:$0x19390] =	vst v63  }
0x224: {  	s28 =	simm.s32 $0x18990;
	s29 =	simm.s32 $0x1  }
0x225: {  	[tilespmem:s28], [sflag:$0x1] =	stream.indirect_vreg.gather [hbm4b:s6+s1], $0x80, v0, vm0, $0xb8;
	[tilespmem:$0x19390] =	vst v63  }
0x226: {  	_ =	swait.ge [sflag:s29], $0x10000  }
0x227: {  	s30 =	sand.u32 $0xF000, s1;
	s31 =	sand.u32 $0x380, s1;
	[sflag:s29] =	ssyncset.done $0x0  }
0x228: {  	s2 =	sor.u32 s31, s30;
	[sflag:s29] =	ssyncadd.s32 $0xFFFF0000  }
0x229: {  	v0 =	vld [tilespmem:s2+$0x9E00]  }
0x22a: {  	v2 =	vld [tilespmem:s2+$0x9190]  }
0x22b: {  	v3 =	vld [tilespmem:s2+$0x91A0]  }
0x22c: {  	v4 =	vld [tilespmem:s2+$0x91B0]  }
0x22d: {  	v5 =	vld [tilespmem:s2+$0x91C0]  }
0x22e: {  	v6 =	vld [tilespmem:s2+$0x91D0]  }
0x22f: {  	v7 =	vld [tilespmem:s2+$0x91E0]  }
0x230: {  	v8 =	vld [tilespmem:s2+$0x91F0]  }
0x231: {  	v9 =	vld [tilespmem:s2+$0x9200]  }
0x232: {  	v10 =	vld [tilespmem:s2+$0x9590]  }
0x233: {  	v11 =	vld [tilespmem:s2+$0x95A0]  }
0x234: {  	v12 =	vld [tilespmem:s2+$0x95B0]  }
0x235: {  	v13 =	vld [tilespmem:s2+$0x95C0]  }
0x236: {  	v14 =	vld [tilespmem:s2+$0x95D0]  }
0x237: {  	v15 =	vld [tilespmem:s2+$0x95E0]  }
0x238: {  	v16 =	vld [tilespmem:s2+$0x95F0]  }
0x239: {  	v32 =	vld [tilespmem:s2+$0x9600]  }
0x23a: {  	v1 =	vimm.f32 $0.0e+00;
	v33 =	vld [tilespmem:s2+$0x9990]  }
0x23b: {  	v0 =	vadd.f32 v0, v1;
	v31 =	vadd.f32 v2, v1;
	v2 =	vld [tilespmem:s2+$0x99A0]  }
0x23c: {  	v29 =	vadd.f32 v3, v1;
	v30 =	vadd.f32 v4, v1;
	v3 =	vld [tilespmem:s2+$0x99B0]  }
0x23d: {  	v27 =	vadd.f32 v5, v1;
	v28 =	vadd.f32 v6, v1;
	v4 =	vld [tilespmem:s2+$0x99C0]  }
0x23e: {  	v25 =	vadd.f32 v7, v1;
	v26 =	vadd.f32 v8, v1;
	v5 =	vld [tilespmem:s2+$0x99D0]  }
0x23f: {  	v23 =	vadd.f32 v9, v1;
	v24 =	vadd.f32 v10, v1;
	v6 =	vld [tilespmem:s2+$0x99E0]  }
0x240: {  	v21 =	vadd.f32 v11, v1;
	v22 =	vadd.f32 v12, v1;
	v7 =	vld [tilespmem:s2+$0x99F0]  }
0x241: {  	v19 =	vadd.f32 v13, v1;
	v20 =	vadd.f32 v14, v1;
	v10 =	vld [tilespmem:s2+$0x9A00]  }
0x242: {  	v17 =	vadd.f32 v15, v1;
	v18 =	vadd.f32 v16, v1;
	v12 =	vld [tilespmem:s2+$0x9D90]  }
0x243: {  	v15 =	vadd.f32 v32, v1;
	v16 =	vadd.f32 v33, v1  }
0x244: {  	v35 =	vld [tilespmem:s2+$0x9DA0];
	v14 =	vadd.f32 v2, v1;
	v11 =	vadd.f32 v3, v1  }
0x245: {  	v33 =	vld [tilespmem:s2+$0x9DB0];
	v8 =	vadd.f32 v4, v1;
	v9 =	vadd.f32 v5, v1  }
0x246: {  	s4 =	simm.s32 $0x200;
	v32 =	vld [tilespmem:s2+$0x9DC0];
	v13 =	vimm.f32 $0.0e+00;
	v4 =	vadd.f32 v6, v1;
	v5 =	vadd.f32 v7, v1  }
0x247: {  	s3 =	simm.s32 $0x80;
	s5 =	sand.u32 $0xF000, s4;
	v34 =	vld [tilespmem:s2+$0x9DD0];
	v3 =	vadd.f32 v10, v1;
	v10 =	vadd.f32 v12, v1;
	v12 =	vimm.f32 $0.0e+00  }
0x248: {  	s4 =	simm.s32 $0x400;
	s1 =	sadd.s32 $0x82600, s8;
	s6 =	sand.u32 $0x380, s3;
	v36 =	vld [tilespmem:s2+$0x9DE0];
	v6 =	vimm.f32 $0.0e+00;
	v7 =	vimm.f32 $0.0e+00;
	v2 =	vimm.f32 $0.0e+00  }
.LBB2_5:
0x249: {  	p1 =	sne.s32 s4, $0xFE00;
	v1 =	vadd.f32 v35, v1;
	v35 =	vld [tilespmem:s2+$0x9DF0];
	s2 =	sor.u32 s6, s5  }
0x24a: {  	v37 =	vld [tilespmem:s2+$0x9E00];
	v12 =	vadd.f32 v33, v12  }
0x24b: {  	v33 =	vld [tilespmem:s2+$0x9190];
	v6 =	vadd.f32 v32, v6  }
0x24c: {  	v32 =	vld [tilespmem:s2+$0x91A0];
	v13 =	vadd.f32 v34, v13  }
0x24d: {  	v34 =	vld [tilespmem:s2+$0x91B0];
	v7 =	vadd.f32 v36, v7  }
0x24e: {  	v36 =	vld [tilespmem:s2+$0x91C0];
	v2 =	vadd.f32 v35, v2  }
0x24f: {  	v35 =	vld [tilespmem:s2+$0x91D0];
	v0 =	vadd.f32 v37, v0  }
0x250: {  	v31 =	vadd.f32 v33, v31;
	v33 =	vld [tilespmem:s2+$0x91E0]  }
0x251: {  	v29 =	vadd.f32 v32, v29;
	v32 =	vld [tilespmem:s2+$0x91F0]  }
0x252: {  	v30 =	vadd.f32 v34, v30;
	v34 =	vld [tilespmem:s2+$0x9200]  }
0x253: {  	v27 =	vadd.f32 v36, v27;
	v36 =	vld [tilespmem:s2+$0x9590]  }
0x254: {  	v28 =	vadd.f32 v35, v28;
	v35 =	vld [tilespmem:s2+$0x95A0]  }
0x255: {  	v25 =	vadd.f32 v33, v25;
	v33 =	vld [tilespmem:s2+$0x95B0]  }
0x256: {  	v26 =	vadd.f32 v32, v26;
	v32 =	vld [tilespmem:s2+$0x95C0]  }
0x257: {  	v23 =	vadd.f32 v34, v23;
	v34 =	vld [tilespmem:s2+$0x95D0]  }
0x258: {  	v24 =	vadd.f32 v36, v24;
	v36 =	vld [tilespmem:s2+$0x95E0]  }
0x259: {  	v21 =	vadd.f32 v35, v21;
	v35 =	vld [tilespmem:s2+$0x95F0]  }
0x25a: {  	v22 =	vadd.f32 v33, v22;
	v33 =	vld [tilespmem:s2+$0x9600]  }
0x25b: {  	v19 =	vadd.f32 v32, v19;
	v32 =	vld [tilespmem:s2+$0x9990]  }
0x25c: {  	v20 =	vadd.f32 v34, v20;
	v34 =	vld [tilespmem:s2+$0x99A0]  }
0x25d: {  	v17 =	vadd.f32 v36, v17;
	v36 =	vld [tilespmem:s2+$0x99B0]  }
0x25e: {  	v18 =	vadd.f32 v35, v18;
	v35 =	vld [tilespmem:s2+$0x99C0]  }
0x25f: {  	v15 =	vadd.f32 v33, v15;
	v33 =	vld [tilespmem:s2+$0x99D0]  }
0x260: {  	v16 =	vadd.f32 v32, v16;
	v32 =	vld [tilespmem:s2+$0x99E0]  }
0x261: {  	v14 =	vadd.f32 v34, v14;
	v34 =	vld [tilespmem:s2+$0x99F0]  }
0x262: {  	v11 =	vadd.f32 v36, v11;
	v36 =	vld [tilespmem:s2+$0x9A00]  }
0x263: {  	v8 =	vadd.f32 v35, v8;
	v37 =	vld [tilespmem:s2+$0x9D90]  }
.Ltmp2:
0x264: {  	v9 =	vadd.f32 v33, v9;
	v35 =	vld [tilespmem:s2+$0x9DA0];
	(pc) =	sbr.rel @p1 .LBB2_5-.Ltmp2, $4  }
0x265: {  	v4 =	vadd.f32 v32, v4;
	v33 =	vld [tilespmem:s2+$0x9DB0]  }
0x266: {  	v5 =	vadd.f32 v34, v5;
	v32 =	vld [tilespmem:s2+$0x9DC0]  }
0x267: {  	s3 =	sadd.s32 $0x80, s3;
	v3 =	vadd.f32 v36, v3;
	v34 =	vld [tilespmem:s2+$0x9DD0]  }
0x268: {  	s5 =	sand.u32 $0xF000, s4;
	s4 =	sadd.s32 $0x200, s4;
	s6 =	sand.u32 $0x380, s3;
	v10 =	vadd.f32 v37, v10;
	v36 =	vld [tilespmem:s2+$0x9DE0]  }
0x269: {  	s3 =	sor.u32 s6, s5;
	v37 =	vld [tilespmem:s2+$0x9DF0]  }
0x26a: {  	v63 =	vld [tilespmem:s3+$0x9E00]  }
0x26b: {  	v39 =	vld [tilespmem:s3+$0x9190]  }
0x26c: {  	v40 =	vld [tilespmem:s3+$0x91A0]  }
0x26d: {  	v41 =	vld [tilespmem:s3+$0x91B0]  }
0x26e: {  	v42 =	vld [tilespmem:s3+$0x91C0]  }
0x26f: {  	v43 =	vld [tilespmem:s3+$0x91D0]  }
0x270: {  	v44 =	vld [tilespmem:s3+$0x91E0]  }
0x271: {  	v45 =	vld [tilespmem:s3+$0x91F0]  }
0x272: {  	v46 =	vld [tilespmem:s3+$0x9200]  }
0x273: {  	v47 =	vld [tilespmem:s3+$0x9590]  }
0x274: {  	v48 =	vld [tilespmem:s3+$0x95A0]  }
0x275: {  	v49 =	vld [tilespmem:s3+$0x95B0]  }
0x276: {  	v50 =	vld [tilespmem:s3+$0x95C0]  }
0x277: {  	v51 =	vld [tilespmem:s3+$0x95D0]  }
0x278: {  	v52 =	vld [tilespmem:s3+$0x95E0]  }
0x279: {  	v38 =	vld [tilespmem:s3+$0x9DB0]  }
0x27a: {  	v53 =	vld [tilespmem:s3+$0x95F0]  }
0x27b: {  	v54 =	vld [tilespmem:s3+$0x9600]  }
0x27c: {  	v55 =	vld [tilespmem:s3+$0x9990]  }
0x27d: {  	v56 =	vld [tilespmem:s3+$0x99A0]  }
0x27e: {  	[tilespmem:$0x1FFB0] =	vst v38;
	v38 =	vld [tilespmem:s3+$0x9DC0]  }
0x27f: {  	v57 =	vld [tilespmem:s3+$0x99B0]  }
0x280: {  	v58 =	vld [tilespmem:s3+$0x99C0]  }
0x281: {  	v59 =	vld [tilespmem:s3+$0x99D0]  }
0x282: {  	v60 =	vld [tilespmem:s3+$0x99E0]  }
0x283: {  	[tilespmem:$0x1FFC0] =	vst v38;
	v38 =	vld [tilespmem:s3+$0x9DD0]  }
0x284: {  	v61 =	vld [tilespmem:s3+$0x99F0]  }
0x285: {  	v62 =	vld [tilespmem:s3+$0x9A00]  }
0x286: {  	[tilespmem:$0x1FFD0] =	vst v37;
	v37 =	vld [tilespmem:s3+$0x9DA0]  }
0x287: {  	[tilespmem:$0x1FFF0] =	vst v63;
	v63 =	vld [tilespmem:s3+$0x9D90];
	v31 =	vadd.f32 v39, v31  }
0x288: {  	v39 =	vld [tilespmem:s3+$0x9DE0];
	v29 =	vadd.f32 v40, v29;
	[tilespmem:$0x1FFE0] =	vst v38  }
0x289: {  	v30 =	vadd.f32 v41, v30;
	v38 =	vld [tilespmem:s3+$0x9DF0];
	[tilespmem:$0x19190] =	vst v31  }
0x28a: {  	v27 =	vadd.f32 v42, v27;
	[tilespmem:$0x191A0] =	vst v29  }
0x28b: {  	v28 =	vadd.f32 v43, v28;
	[tilespmem:$0x191B0] =	vst v30  }
0x28c: {  	v25 =	vadd.f32 v44, v25;
	[tilespmem:$0x191C0] =	vst v27  }
0x28d: {  	v26 =	vadd.f32 v45, v26;
	[tilespmem:$0x191D0] =	vst v28  }
0x28e: {  	v23 =	vadd.f32 v46, v23;
	[tilespmem:$0x191E0] =	vst v25  }
0x28f: {  	v24 =	vadd.f32 v47, v24;
	[tilespmem:$0x191F0] =	vst v26  }
0x290: {  	v21 =	vadd.f32 v48, v21;
	[tilespmem:$0x19200] =	vst v23  }
0x291: {  	v22 =	vadd.f32 v49, v22;
	[tilespmem:$0x19210] =	vst v24  }
0x292: {  	v19 =	vadd.f32 v50, v19;
	[tilespmem:$0x19220] =	vst v21  }
0x293: {  	v20 =	vadd.f32 v51, v20;
	[tilespmem:$0x19230] =	vst v22  }
0x294: {  	v17 =	vadd.f32 v52, v17;
	[tilespmem:$0x19240] =	vst v19  }
0x295: {  	v18 =	vadd.f32 v53, v18;
	[tilespmem:$0x19250] =	vst v20  }
0x296: {  	v15 =	vadd.f32 v54, v15;
	[tilespmem:$0x19260] =	vst v17  }
0x297: {  	v16 =	vadd.f32 v55, v16;
	[tilespmem:$0x19270] =	vst v18  }
0x298: {  	v14 =	vadd.f32 v56, v14;
	[tilespmem:$0x19280] =	vst v15  }
0x299: {  	v11 =	vadd.f32 v57, v11;
	[tilespmem:$0x19290] =	vst v16  }
0x29a: {  	v8 =	vadd.f32 v58, v8;
	[tilespmem:$0x192A0] =	vst v14  }
0x29b: {  	v9 =	vadd.f32 v59, v9;
	[tilespmem:$0x192B0] =	vst v11  }
0x29c: {  	v4 =	vadd.f32 v60, v4;
	v60 =	vld [tilespmem:$0x1FFD0];
	[tilespmem:$0x192C0] =	vst v8  }
0x29d: {  	v1 =	vadd.f32 v35, v1;
	v5 =	vadd.f32 v61, v5;
	v57 =	vld [tilespmem:$0x1FFB0];
	[tilespmem:$0x192D0] =	vst v9  }
0x29e: {  	v3 =	vadd.f32 v62, v3;
	v54 =	vadd.f32 v63, v10;
	v63 =	vld [tilespmem:$0x1FFF0];
	[tilespmem:$0x192E0] =	vst v4  }
0x29f: {  	v58 =	vadd.f32 v36, v7;
	v59 =	vld [tilespmem:$0x1FFC0];
	[tilespmem:$0x192F0] =	vst v5  }
0x2a0: {  	v53 =	vadd.f32 v33, v12;
	v1 =	vadd.f32 v37, v1;
	[tilespmem:$0x19300] =	vst v3  }
0x2a1: {  	v62 =	vadd.f32 v39, v58;
	[tilespmem:$0x19310] =	vst v54;
	v61 =	vld [tilespmem:$0x1FFE0]  }
0x2a2: {  	v55 =	vadd.f32 v32, v6;
	v4 =	vadd.f32 v57, v53;
	[tilespmem:$0x19320] =	vst v1  }
0x2a3: {  	v1 =	vadd.f32 v60, v2;
	v0 =	vadd.f32 v63, v0;
	[tilespmem:$0x19360] =	vst v62  }
0x2a4: {  	v56 =	vadd.f32 v34, v13;
	v5 =	vadd.f32 v59, v55;
	[tilespmem:$0x19330] =	vst v4  }
0x2a5: {  	[tilespmem:$0x19380] =	vst v0;
	v1 =	vadd.f32 v38, v1  }
0x2a6: {  	[tilespmem:$0x19340] =	vst v5;
	v2 =	vadd.f32 v61, v56  }
0x2a7: {  	s29 =	simm.s32 $0x80;
	[tilespmem:$0x19370] =	vst v1  }
0x2a8: {  	s30 =	simm.s32 $0x400;
	s4 =	simm.s32 $0x19190;
	s31 =	simm.s32 $0x2;
	[tilespmem:$0x19350] =	vst v2  }
0x2a9: {  	[hbm4b:s1+s29] =	stream.strided.scatter [tilespmem:s4], [sflag:$0x2], $0x200, s30, s29, $0x38;
	[tilespmem:$0x19390] =	vst v63  }
0x2aa: {  	_ =	swait.ge [sflag:s31], $0x200  }
0x2ab: {  	[sflag:s31] =	ssyncset.done $0x0  }
0x2ac: {  	[sflag:s31] =	ssyncadd.s32 $0xFFFFFE00  }
0x2ad: {  	_ =	sfence.sel $0x180000  }
0x2ae: {  	[bflag:$0x0] =	sbarrier.arrive $0xFFFF  }
0x2af: {  	_ =	strace $0x90000047  }
0x2b0: {  	s0 =	sadd.s32 @!p0 $0x100000, s0;
	[bflag:$0x2] =	sbarrier.arrive $0xFFFF  }
0x2b1: {  	[sflag:s0] =	ssyncadd.tile.s32 @!p0 $0x1;
	_ =	shalt  }
.Lfunc_end2:
_tile_overlayer_lowered:
.L_overlay_start_2:
0x2b2: {  	(tag) =	ssettag $0x2  }
0x2b3: {  	s0 =	rddreg [dreg:$0x0];
	s2 =	stileid.u32  }
0x2b4: {  	s1 =	rddreg [dreg:$0x1];
	p0 =	sne.s32 s2, $0x0  }
0x2b5: {  	s3 =	rddreg [dreg:$0x2];
	[bflag:$0x3] =	sbarrier.arrive $0xFFFF;
	s2 =	simm.s32 @!p0 $0x1C02  }
0x2b6: {  	[timem:s3], [sflag:s2] =	dma.local @!p0 [hbm:s0], s1  }
0x2b7: {  	s0 =	simm.s32 @!p0 $0x2  }
0x2b8: {  	_ =	swait.ge @!p0 [sflag:s0], s1  }
0x2b9: {  	s1 =	ssub.s32 @!p0 $0x0, s1;
	[sflag:s0] =	ssyncset.done @!p0 $0x0  }
0x2ba: {  	[sflag:s0] =	ssyncadd.s32 @!p0 s1  }
0x2bb: {  	[bflag:$0x3] =	sbarrier.arrive $0xFFFF  }
0x2bc: {  	_ =	shalt  }

</sc_bundles>
